<compile_context>
chip_gen: v7x
topology: tpu7x:2x2x1
jax: 0.10.2.dev20260603
libtpu: 0.0.44.dev20260713+nightly
codegen_flags: <defaults>
</compile_context>

<pallas_src>
import jax
import jax.numpy as jnp
from jax import lax
from jax.experimental import pallas as pl
from jax.experimental.pallas import tpu as pltpu
from jax.experimental.pallas import tpu_sc as plsc

_VOCAB = 1000000
_EMB = 32
_BATCH = 16384
_SEQ = 200
_FC = 128
_NCLS = 10

_NC = 2
_NS = 16
_NW = _NC * _NS
_B_PER_W = _BATCH // _NW
_SPLIT0 = 96
_SPLIT1 = _SEQ - _SPLIT0
_CH = 256
_NCHUNK = _B_PER_W // _CH
_L = 16

_EMBW = _EMB // 2
_PACK_BCOLS = 16384
_PACK_BROWS = _PACK_BCOLS * _EMBW // 128
_PACK_SLAB = _PACK_BCOLS // 8
_PACK_BGRID = -(-_VOCAB // _PACK_BCOLS)
_TAIL_I0 = (_PACK_BGRID - 1) * _PACK_BCOLS
_TAIL_N = _VOCAB - _TAIL_I0
_TAIL_S = _TAIL_N // 8


def _pack_body(x_ref, o_ref):
    x = x_ref[...]
    u = jax.lax.bitcast_convert_type(x, jnp.int32)
    u2 = u + 32767 + ((u >> 16) & 1)
    lo = (u2[0:_EMBW, :] >> 16) & 0xFFFF
    hi = u2[_EMBW:_EMB, :] & -65536
    word = lo | hi
    g = pl.program_id(0)

    @pl.when(g < _PACK_BGRID - 1)
    def _():
        w2 = jnp.concatenate(
            [word[:, _PACK_SLAB * m:_PACK_SLAB * (m + 1)] for m in range(8)],
            axis=0)
        o_ref[...] = jnp.transpose(w2)

    @pl.when(g == _PACK_BGRID - 1)
    def _():
        w2 = jnp.concatenate(
            [word[:, _TAIL_S * m:_TAIL_S * (m + 1)] for m in range(8)],
            axis=0)
        o_ref[0:_TAIL_S, :] = jnp.transpose(w2)


def _pack(embT):
    return pl.pallas_call(
        _pack_body,
        grid=(_PACK_BGRID,),
        in_specs=[pl.BlockSpec((_EMB, _PACK_BCOLS), lambda i: (0, i))],
        out_specs=pl.BlockSpec((_PACK_BROWS, 128), lambda i: (i, 0)),
        out_shape=jax.ShapeDtypeStruct((_VOCAB * _EMBW // 128, 128), jnp.int32),
    )(embT)


def _pool_body(idx_hbm, table_hbm, out_hbm, idx_v, rows_v, out_v,
               sem0, sem1, sem2, sem3):
    wid = lax.axis_index("s") * _NC + lax.axis_index("c")
    base = wid * _B_PER_W
    sems = (sem0, sem1, sem2, sem3)
    inv_seq = 1.0 / _SEQ

    def fire(local_r, buf):
        pltpu.async_copy(
            table_hbm.at[idx_v.at[local_r, pl.ds(0, _SPLIT0)]],
            rows_v.at[buf, pl.ds(0, _SPLIT0)], sems[buf])
        pltpu.async_copy(
            table_hbm.at[idx_v.at[local_r, pl.ds(_SPLIT0, _SPLIT1)]],
            rows_v.at[buf, pl.ds(_SPLIT0, _SPLIT1)], sems[buf])

    def wait(buf):
        pltpu.make_async_copy(
            table_hbm.at[idx_v.at[0, pl.ds(0, _SPLIT0)]],
            rows_v.at[buf, pl.ds(0, _SPLIT0)], sems[buf]).wait()
        pltpu.make_async_copy(
            table_hbm.at[idx_v.at[0, pl.ds(_SPLIT0, _SPLIT1)]],
            rows_v.at[buf, pl.ds(_SPLIT0, _SPLIT1)], sems[buf]).wait()

    def accumulate(buf, out_slot):
        zero = jnp.zeros((_L,), jnp.float32)
        himask = jnp.full((_L,), -65536, jnp.int32)

        def acc_j(j, accs):
            ae, ao = accs
            w = rows_v[buf, j, pl.ds(0, _L)]
            ae = ae + plsc.bitcast(w << 16, jnp.float32)
            ao = ao + plsc.bitcast(w & himask, jnp.float32)
            return (ae, ao)

        ae, ao = lax.fori_loop(0, _SEQ, acc_j, (zero, zero), unroll=8)
        out_v[out_slot, pl.ds(0, _L)] = ae * inv_seq
        out_v[out_slot, pl.ds(_L, _L)] = ao * inv_seq

    _NBUF = 4
    for c in range(_NCHUNK):
        row0 = base + c * _CH
        pltpu.sync_copy(idx_hbm.at[pl.ds(row0, _CH)], idx_v)
        for b in range(_NBUF):
            fire(b, b)

        def quad(q, _):
            r0 = _NBUF * q
            for b in range(_NBUF):
                wait(b)

                @pl.when(r0 + b + _NBUF < _CH)
                def _():
                    fire(r0 + b + _NBUF, b)

                accumulate(b, c * _CH + r0 + b)
            return 0

        lax.fori_loop(0, _CH // _NBUF, quad, 0)

    pltpu.sync_copy(out_v, out_hbm.at[pl.ds(base, _B_PER_W)])


def _pool(pidx, table):
    mesh = plsc.VectorSubcoreMesh(
        core_axis_name="c", subcore_axis_name="s",
        num_cores=_NC, num_subcores=_NS)
    return pl.kernel(
        _pool_body,
        out_type=jax.ShapeDtypeStruct((_BATCH, _EMB), jnp.float32),
        mesh=mesh,
        compiler_params=pltpu.CompilerParams(
            use_tc_tiling_on_sc=False, needs_layout_passes=False),
        scratch_types=[
            pltpu.VMEM((_CH, _SEQ), jnp.int32),
            pltpu.VMEM((4, _SEQ, _EMBW), jnp.int32),
            pltpu.VMEM((_B_PER_W, _EMB), jnp.float32),
            pltpu.SemaphoreType.DMA,
            pltpu.SemaphoreType.DMA,
            pltpu.SemaphoreType.DMA,
            pltpu.SemaphoreType.DMA,
        ],
    )(pidx, table)


def _fc_body(x_ref, w1_ref, b1_ref, w2_ref, b2_ref, o_ref):
    x = x_ref[...]
    h = jnp.maximum(
        jnp.dot(x, w1_ref[...], preferred_element_type=jnp.float32)
        + b1_ref[...], 0.0)
    o_ref[...] = (
        jnp.dot(h, w2_ref[...], preferred_element_type=jnp.float32)
        + b2_ref[...])


def _fc(pooled, W1, b1, W2, b2):
    bm = 2048
    return pl.pallas_call(
        _fc_body,
        grid=(_BATCH // bm,),
        in_specs=[
            pl.BlockSpec((bm, _EMB), lambda i: (i, 0)),
            pl.BlockSpec((_EMB, _FC), lambda i: (0, 0)),
            pl.BlockSpec((1, _FC), lambda i: (0, 0)),
            pl.BlockSpec((_FC, _NCLS), lambda i: (0, 0)),
            pl.BlockSpec((1, _NCLS), lambda i: (0, 0)),
        ],
        out_specs=pl.BlockSpec((bm, _NCLS), lambda i: (i, 0)),
        out_shape=jax.ShapeDtypeStruct((_BATCH, _NCLS), jnp.float32),
    )(pooled, W1, b1.reshape(1, _FC), W2, b2.reshape(1, _NCLS))


def kernel(input_x, embedding, W1, b1, W2, b2):
    p_main = ((input_x & ~16383)
              | ((input_x & 2047) << 3)
              | ((input_x & 16383) >> 11))
    r_tail = input_x - _TAIL_I0
    p_tail = _TAIL_I0 + (r_tail % _TAIL_S) * 8 + r_tail // _TAIL_S
    pidx = jnp.where(input_x < _TAIL_I0, p_main, p_tail)
    packed = _pack(embedding.T)
    table = packed.reshape(_VOCAB, _EMBW)
    pooled = _pool(pidx, table)
    return _fc(pooled, W1, b1, W2, b2)

# --- scband reference (transcript-rebuilt; emitter-appended) ---
"""Pipeline reference for scband-fast-text-35330400976999 (READ-ONLY COPY).

The authoritative reference and input builder live on the scoring server;
editing this copy changes nothing except your own understanding.
"""

import jax, jax.numpy as jnp
import numpy as np

VOCAB = 1000000
EMB = 32
BATCH = 16384
SEQ = 200
FC = 128
NCLS = 10

def setup_inputs(seed: int = 0) -> dict:
    key = jax.random.key(seed)
    k1, k2, k3, k4, k5, k6 = jax.random.split(key, 6)
    input_x = jax.random.randint(k1, (BATCH, SEQ), 0, VOCAB, dtype=jnp.int32)
    embedding = jax.random.normal(k2, (VOCAB, EMB), dtype=jnp.float32) * 0.02
    W1 = jax.random.normal(k3, (EMB, FC), dtype=jnp.float32) * (1.0 / np.sqrt(EMB))
    b1 = jnp.zeros((FC,), dtype=jnp.float32)
    W2 = jax.random.normal(k4, (FC, NCLS), dtype=jnp.float32) * (1.0 / np.sqrt(FC))
    b2 = jnp.zeros((NCLS,), dtype=jnp.float32)
    return {"input_x": input_x, "embedding": embedding, "W1": W1, "b1": b1, "W2": W2, "b2": b2}

def reference(input_x, embedding, W1, b1, W2, b2):
    # embedding lookup: [B, S] -> [B, S, E]
    emb_x = jnp.take(embedding, input_x, axis=0)
    # dropout is identity at inference (keep_prob=1.0)
    # mean over sequence axis
    emb_mean = jnp.mean(emb_x, axis=1)
    # fc1 + relu
    fc = jax.nn.relu(emb_mean @ W1 + b1)
    # logits
    logits = fc @ W2 + b2
    return logits

if __name__ == "__main__":
    import jax
    _d = setup_inputs()
    print(jax.jit(kernel)(*tuple(_d.values())))

</pallas_src>

<mosaic_0001>
#map = affine_map<(d0, d1) -> (0, 0)>
module attributes {stable_mosaic.version = 14 : i64} {
  func.func @_pool_body(%arg0: i32, %arg1: i32, %arg2: memref<16384x200xi32, #tpu.memory_space<hbm>>, %arg3: memref<1000000x16xi32, #tpu.memory_space<hbm>>, %arg4: memref<16384x32xf32, #tpu.memory_space<hbm>>, %arg5: memref<256x200xi32, #tpu.memory_space<vmem>>, %arg6: memref<4x200x16xi32, #tpu.memory_space<vmem>>, %arg7: memref<512x32xf32, #tpu.memory_space<vmem>>, %arg8: memref<!tpu.dma_semaphore, #tpu.memory_space<semaphore_mem>>, %arg9: memref<!tpu.dma_semaphore, #tpu.memory_space<semaphore_mem>>, %arg10: memref<!tpu.dma_semaphore, #tpu.memory_space<semaphore_mem>>, %arg11: memref<!tpu.dma_semaphore, #tpu.memory_space<semaphore_mem>>) attributes {dimension_semantics = [#tpu.dimension_semantics<core_parallel>, #tpu.dimension_semantics<subcore_parallel>], iteration_bounds = array<i64: 2, 16>, scalar_prefetch = 0 : i64, scratch_operands = 7 : i64, tpu.core_type = #tpu.core_type<sc_vector_subcore>, window_params = [{transform_indices = #map}, {transform_indices = #map}, {transform_indices = #map}]} {
    %mul3A = arith.constant 2 : i32
    %mul3A_0 = arith.muli %arg1, %mul3A : i32
    %add3A = arith.addi %mul3A_0, %arg0 : i32
    %mul3A_1 = arith.constant 512 : i32
    %mul3A_2 = arith.muli %add3A, %mul3A_1 : i32
    %add3A_3 = arith.constant 0 : i32
    %add3A_4 = arith.addi %mul3A_2, %add3A_3 : i32
    "tpu.region"() ({
      %run_scoped3A = tpu.sem_alloc : memref<!tpu.dma_semaphore, #tpu.memory_space<semaphore_mem>>
      %dma_start3A_211 = arith.constant 0 : i32
      %dma_start3A_212 = tpu.memref_slice %arg2[%add3A_4, %dma_start3A_211] : memref<16384x200xi32, #tpu.memory_space<hbm>> -> memref<256x200xi32, #tpu.memory_space<hbm>>
      %dma_start3A_213 = arith.constant 0 : i32
      %dma_start3A_214 = tpu.memref_slice %arg2[%add3A_4, %dma_start3A_213] : memref<16384x200xi32, #tpu.memory_space<hbm>> -> memref<256x200xi32, #tpu.memory_space<hbm>>
      tpu.enqueue_dma source(%dma_start3A_214 : memref<256x200xi32, #tpu.memory_space<hbm>>) target(%arg5 : memref<256x200xi32, #tpu.memory_space<vmem>>) target_semaphore(%run_scoped3A : memref<!tpu.dma_semaphore, #tpu.memory_space<semaphore_mem>>)
      %dma_wait3A = arith.constant 0 : i32
      %dma_wait3A_215 = tpu.memref_slice %arg2[%add3A_4, %dma_wait3A] : memref<16384x200xi32, #tpu.memory_space<hbm>> -> memref<256x200xi32, #tpu.memory_space<hbm>>
      %dma_wait3A_216 = arith.constant 0 : i32
      %dma_wait3A_217 = tpu.memref_slice %arg2[%add3A_4, %dma_wait3A_216] : memref<16384x200xi32, #tpu.memory_space<hbm>> -> memref<256x200xi32, #tpu.memory_space<hbm>>
      tpu.wait_dma2 semaphore(%run_scoped3A : memref<!tpu.dma_semaphore, #tpu.memory_space<semaphore_mem>>) src(%dma_wait3A_217 : memref<256x200xi32, #tpu.memory_space<hbm>>) dst(%arg5 : memref<256x200xi32, #tpu.memory_space<vmem>>)
      tpu.yield
    }) : () -> ()
    %dma_start3A = arith.constant 0 : i32
    %dma_start3A_5 = arith.constant 0 : i32
    %dma_start3A_6 = arith.constant 0 : i32
    %dma_start3A_7 = arith.constant 0 : i32
    %dma_start3A_8 = tpu.memref_slice %arg6[%dma_start3A_5, %dma_start3A_6, %dma_start3A_7] : memref<4x200x16xi32, #tpu.memory_space<vmem>> -> memref<1x96x16xi32, #tpu.memory_space<vmem>>
    %dma_start3A_9 = tpu.memref_squeeze %dma_start3A_8 : memref<1x96x16xi32, #tpu.memory_space<vmem>> -> memref<96x16xi32, #tpu.memory_space<vmem>>
    %dma_start3A_10 = arith.constant 0 : i32
    %dma_start3A_11 = tpu.memref_slice %arg5[%dma_start3A, %dma_start3A_10] : memref<256x200xi32, #tpu.memory_space<vmem>> -> memref<1x96xi32, #tpu.memory_space<vmem>>
    %dma_start3A_12 = tpu.memref_squeeze %dma_start3A_11 : memref<1x96xi32, #tpu.memory_space<vmem>> -> memref<96xi32, #tpu.memory_space<vmem>>
    %dma_start3A_13 = arith.constant 0 : i32
    %dma_start3A_14 = arith.constant 0 : i32
    %dma_start3A_15 = tpu.memref_slice %arg3[%dma_start3A_13, %dma_start3A_14] : memref<1000000x16xi32, #tpu.memory_space<hbm>> -> memref<1000000x16xi32, #tpu.memory_space<hbm>>
    tpu.enqueue_indirect_dma source(%dma_start3A_15 : memref<1000000x16xi32, #tpu.memory_space<hbm>>) target(%dma_start3A_9 : memref<96x16xi32, #tpu.memory_space<vmem>>) offsets(%dma_start3A_12 : memref<96xi32, #tpu.memory_space<vmem>>) semaphore(%arg8 : memref<!tpu.dma_semaphore, #tpu.memory_space<semaphore_mem>>)
    %dma_start3A_16 = arith.constant 0 : i32
    %dma_start3A_17 = arith.constant 0 : i32
    %dma_start3A_18 = arith.constant 96 : i32
    %dma_start3A_19 = arith.constant 0 : i32
    %dma_start3A_20 = tpu.memref_slice %arg6[%dma_start3A_17, %dma_start3A_18, %dma_start3A_19] : memref<4x200x16xi32, #tpu.memory_space<vmem>> -> memref<1x104x16xi32, #tpu.memory_space<vmem>>
    %dma_start3A_21 = tpu.memref_squeeze %dma_start3A_20 : memref<1x104x16xi32, #tpu.memory_space<vmem>> -> memref<104x16xi32, #tpu.memory_space<vmem>>
    %dma_start3A_22 = arith.constant 96 : i32
    %dma_start3A_23 = tpu.memref_slice %arg5[%dma_start3A_16, %dma_start3A_22] : memref<256x200xi32, #tpu.memory_space<vmem>> -> memref<1x104xi32, #tpu.memory_space<vmem>>
    %dma_start3A_24 = tpu.memref_squeeze %dma_start3A_23 : memref<1x104xi32, #tpu.memory_space<vmem>> -> memref<104xi32, #tpu.memory_space<vmem>>
    %dma_start3A_25 = arith.constant 0 : i32
    %dma_start3A_26 = arith.constant 0 : i32
    %dma_start3A_27 = tpu.memref_slice %arg3[%dma_start3A_25, %dma_start3A_26] : memref<1000000x16xi32, #tpu.memory_space<hbm>> -> memref<1000000x16xi32, #tpu.memory_space<hbm>>
    tpu.enqueue_indirect_dma source(%dma_start3A_27 : memref<1000000x16xi32, #tpu.memory_space<hbm>>) target(%dma_start3A_21 : memref<104x16xi32, #tpu.memory_space<vmem>>) offsets(%dma_start3A_24 : memref<104xi32, #tpu.memory_space<vmem>>) semaphore(%arg8 : memref<!tpu.dma_semaphore, #tpu.memory_space<semaphore_mem>>)
    %dma_start3A_28 = arith.constant 1 : i32
    %dma_start3A_29 = arith.constant 1 : i32
    %dma_start3A_30 = arith.constant 0 : i32
    %dma_start3A_31 = arith.constant 0 : i32
    %dma_start3A_32 = tpu.memref_slice %arg6[%dma_start3A_29, %dma_start3A_30, %dma_start3A_31] : memref<4x200x16xi32, #tpu.memory_space<vmem>> -> memref<1x96x16xi32, #tpu.memory_space<vmem>>
    %dma_start3A_33 = tpu.memref_squeeze %dma_start3A_32 : memref<1x96x16xi32, #tpu.memory_space<vmem>> -> memref<96x16xi32, #tpu.memory_space<vmem>>
    %dma_start3A_34 = arith.constant 0 : i32
    %dma_start3A_35 = tpu.memref_slice %arg5[%dma_start3A_28, %dma_start3A_34] : memref<256x200xi32, #tpu.memory_space<vmem>> -> memref<1x96xi32, #tpu.memory_space<vmem>>
    %dma_start3A_36 = tpu.memref_squeeze %dma_start3A_35 : memref<1x96xi32, #tpu.memory_space<vmem>> -> memref<96xi32, #tpu.memory_space<vmem>>
    %dma_start3A_37 = arith.constant 0 : i32
    %dma_start3A_38 = arith.constant 0 : i32
    %dma_start3A_39 = tpu.memref_slice %arg3[%dma_start3A_37, %dma_start3A_38] : memref<1000000x16xi32, #tpu.memory_space<hbm>> -> memref<1000000x16xi32, #tpu.memory_space<hbm>>
    tpu.enqueue_indirect_dma source(%dma_start3A_39 : memref<1000000x16xi32, #tpu.memory_space<hbm>>) target(%dma_start3A_33 : memref<96x16xi32, #tpu.memory_space<vmem>>) offsets(%dma_start3A_36 : memref<96xi32, #tpu.memory_space<vmem>>) semaphore(%arg9 : memref<!tpu.dma_semaphore, #tpu.memory_space<semaphore_mem>>)
    %dma_start3A_40 = arith.constant 1 : i32
    %dma_start3A_41 = arith.constant 1 : i32
    %dma_start3A_42 = arith.constant 96 : i32
    %dma_start3A_43 = arith.constant 0 : i32
    %dma_start3A_44 = tpu.memref_slice %arg6[%dma_start3A_41, %dma_start3A_42, %dma_start3A_43] : memref<4x200x16xi32, #tpu.memory_space<vmem>> -> memref<1x104x16xi32, #tpu.memory_space<vmem>>
    %dma_start3A_45 = tpu.memref_squeeze %dma_start3A_44 : memref<1x104x16xi32, #tpu.memory_space<vmem>> -> memref<104x16xi32, #tpu.memory_space<vmem>>
    %dma_start3A_46 = arith.constant 96 : i32
    %dma_start3A_47 = tpu.memref_slice %arg5[%dma_start3A_40, %dma_start3A_46] : memref<256x200xi32, #tpu.memory_space<vmem>> -> memref<1x104xi32, #tpu.memory_space<vmem>>
    %dma_start3A_48 = tpu.memref_squeeze %dma_start3A_47 : memref<1x104xi32, #tpu.memory_space<vmem>> -> memref<104xi32, #tpu.memory_space<vmem>>
    %dma_start3A_49 = arith.constant 0 : i32
    %dma_start3A_50 = arith.constant 0 : i32
    %dma_start3A_51 = tpu.memref_slice %arg3[%dma_start3A_49, %dma_start3A_50] : memref<1000000x16xi32, #tpu.memory_space<hbm>> -> memref<1000000x16xi32, #tpu.memory_space<hbm>>
    tpu.enqueue_indirect_dma source(%dma_start3A_51 : memref<1000000x16xi32, #tpu.memory_space<hbm>>) target(%dma_start3A_45 : memref<104x16xi32, #tpu.memory_space<vmem>>) offsets(%dma_start3A_48 : memref<104xi32, #tpu.memory_space<vmem>>) semaphore(%arg9 : memref<!tpu.dma_semaphore, #tpu.memory_space<semaphore_mem>>)
    %dma_start3A_52 = arith.constant 2 : i32
    %dma_start3A_53 = arith.constant 2 : i32
    %dma_start3A_54 = arith.constant 0 : i32
    %dma_start3A_55 = arith.constant 0 : i32
    %dma_start3A_56 = tpu.memref_slice %arg6[%dma_start3A_53, %dma_start3A_54, %dma_start3A_55] : memref<4x200x16xi32, #tpu.memory_space<vmem>> -> memref<1x96x16xi32, #tpu.memory_space<vmem>>
    %dma_start3A_57 = tpu.memref_squeeze %dma_start3A_56 : memref<1x96x16xi32, #tpu.memory_space<vmem>> -> memref<96x16xi32, #tpu.memory_space<vmem>>
    %dma_start3A_58 = arith.constant 0 : i32
    %dma_start3A_59 = tpu.memref_slice %arg5[%dma_start3A_52, %dma_start3A_58] : memref<256x200xi32, #tpu.memory_space<vmem>> -> memref<1x96xi32, #tpu.memory_space<vmem>>
    %dma_start3A_60 = tpu.memref_squeeze %dma_start3A_59 : memref<1x96xi32, #tpu.memory_space<vmem>> -> memref<96xi32, #tpu.memory_space<vmem>>
    %dma_start3A_61 = arith.constant 0 : i32
    %dma_start3A_62 = arith.constant 0 : i32
    %dma_start3A_63 = tpu.memref_slice %arg3[%dma_start3A_61, %dma_start3A_62] : memref<1000000x16xi32, #tpu.memory_space<hbm>> -> memref<1000000x16xi32, #tpu.memory_space<hbm>>
    tpu.enqueue_indirect_dma source(%dma_start3A_63 : memref<1000000x16xi32, #tpu.memory_space<hbm>>) target(%dma_start3A_57 : memref<96x16xi32, #tpu.memory_space<vmem>>) offsets(%dma_start3A_60 : memref<96xi32, #tpu.memory_space<vmem>>) semaphore(%arg10 : memref<!tpu.dma_semaphore, #tpu.memory_space<semaphore_mem>>)
    %dma_start3A_64 = arith.constant 2 : i32
    %dma_start3A_65 = arith.constant 2 : i32
    %dma_start3A_66 = arith.constant 96 : i32
    %dma_start3A_67 = arith.constant 0 : i32
    %dma_start3A_68 = tpu.memref_slice %arg6[%dma_start3A_65, %dma_start3A_66, %dma_start3A_67] : memref<4x200x16xi32, #tpu.memory_space<vmem>> -> memref<1x104x16xi32, #tpu.memory_space<vmem>>
    %dma_start3A_69 = tpu.memref_squeeze %dma_start3A_68 : memref<1x104x16xi32, #tpu.memory_space<vmem>> -> memref<104x16xi32, #tpu.memory_space<vmem>>
    %dma_start3A_70 = arith.constant 96 : i32
    %dma_start3A_71 = tpu.memref_slice %arg5[%dma_start3A_64, %dma_start3A_70] : memref<256x200xi32, #tpu.memory_space<vmem>> -> memref<1x104xi32, #tpu.memory_space<vmem>>
    %dma_start3A_72 = tpu.memref_squeeze %dma_start3A_71 : memref<1x104xi32, #tpu.memory_space<vmem>> -> memref<104xi32, #tpu.memory_space<vmem>>
    %dma_start3A_73 = arith.constant 0 : i32
    %dma_start3A_74 = arith.constant 0 : i32
    %dma_start3A_75 = tpu.memref_slice %arg3[%dma_start3A_73, %dma_start3A_74] : memref<1000000x16xi32, #tpu.memory_space<hbm>> -> memref<1000000x16xi32, #tpu.memory_space<hbm>>
    tpu.enqueue_indirect_dma source(%dma_start3A_75 : memref<1000000x16xi32, #tpu.memory_space<hbm>>) target(%dma_start3A_69 : memref<104x16xi32, #tpu.memory_space<vmem>>) offsets(%dma_start3A_72 : memref<104xi32, #tpu.memory_space<vmem>>) semaphore(%arg10 : memref<!tpu.dma_semaphore, #tpu.memory_space<semaphore_mem>>)
    %dma_start3A_76 = arith.constant 3 : i32
    %dma_start3A_77 = arith.constant 3 : i32
    %dma_start3A_78 = arith.constant 0 : i32
    %dma_start3A_79 = arith.constant 0 : i32
    %dma_start3A_80 = tpu.memref_slice %arg6[%dma_start3A_77, %dma_start3A_78, %dma_start3A_79] : memref<4x200x16xi32, #tpu.memory_space<vmem>> -> memref<1x96x16xi32, #tpu.memory_space<vmem>>
    %dma_start3A_81 = tpu.memref_squeeze %dma_start3A_80 : memref<1x96x16xi32, #tpu.memory_space<vmem>> -> memref<96x16xi32, #tpu.memory_space<vmem>>
    %dma_start3A_82 = arith.constant 0 : i32
    %dma_start3A_83 = tpu.memref_slice %arg5[%dma_start3A_76, %dma_start3A_82] : memref<256x200xi32, #tpu.memory_space<vmem>> -> memref<1x96xi32, #tpu.memory_space<vmem>>
    %dma_start3A_84 = tpu.memref_squeeze %dma_start3A_83 : memref<1x96xi32, #tpu.memory_space<vmem>> -> memref<96xi32, #tpu.memory_space<vmem>>
    %dma_start3A_85 = arith.constant 0 : i32
    %dma_start3A_86 = arith.constant 0 : i32
    %dma_start3A_87 = tpu.memref_slice %arg3[%dma_start3A_85, %dma_start3A_86] : memref<1000000x16xi32, #tpu.memory_space<hbm>> -> memref<1000000x16xi32, #tpu.memory_space<hbm>>
    tpu.enqueue_indirect_dma source(%dma_start3A_87 : memref<1000000x16xi32, #tpu.memory_space<hbm>>) target(%dma_start3A_81 : memref<96x16xi32, #tpu.memory_space<vmem>>) offsets(%dma_start3A_84 : memref<96xi32, #tpu.memory_space<vmem>>) semaphore(%arg11 : memref<!tpu.dma_semaphore, #tpu.memory_space<semaphore_mem>>)
    %dma_start3A_88 = arith.constant 3 : i32
    %dma_start3A_89 = arith.constant 3 : i32
    %dma_start3A_90 = arith.constant 96 : i32
    %dma_start3A_91 = arith.constant 0 : i32
    %dma_start3A_92 = tpu.memref_slice %arg6[%dma_start3A_89, %dma_start3A_90, %dma_start3A_91] : memref<4x200x16xi32, #tpu.memory_space<vmem>> -> memref<1x104x16xi32, #tpu.memory_space<vmem>>
    %dma_start3A_93 = tpu.memref_squeeze %dma_start3A_92 : memref<1x104x16xi32, #tpu.memory_space<vmem>> -> memref<104x16xi32, #tpu.memory_space<vmem>>
    %dma_start3A_94 = arith.constant 96 : i32
    %dma_start3A_95 = tpu.memref_slice %arg5[%dma_start3A_88, %dma_start3A_94] : memref<256x200xi32, #tpu.memory_space<vmem>> -> memref<1x104xi32, #tpu.memory_space<vmem>>
    %dma_start3A_96 = tpu.memref_squeeze %dma_start3A_95 : memref<1x104xi32, #tpu.memory_space<vmem>> -> memref<104xi32, #tpu.memory_space<vmem>>
    %dma_start3A_97 = arith.constant 0 : i32
    %dma_start3A_98 = arith.constant 0 : i32
    %dma_start3A_99 = tpu.memref_slice %arg3[%dma_start3A_97, %dma_start3A_98] : memref<1000000x16xi32, #tpu.memory_space<hbm>> -> memref<1000000x16xi32, #tpu.memory_space<hbm>>
    tpu.enqueue_indirect_dma source(%dma_start3A_99 : memref<1000000x16xi32, #tpu.memory_space<hbm>>) target(%dma_start3A_93 : memref<104x16xi32, #tpu.memory_space<vmem>>) offsets(%dma_start3A_96 : memref<104xi32, #tpu.memory_space<vmem>>) semaphore(%arg11 : memref<!tpu.dma_semaphore, #tpu.memory_space<semaphore_mem>>)
    %scan3A = arith.constant 0 : i32
    %scan3A_100 = arith.constant 0 : i32
    %scan3A_101 = arith.constant 64 : i32
    %scan3A_102 = arith.addi %scan3A_100, %scan3A_101 : i32
    %scan3A_103 = arith.constant 1 : i32
    %scan3A_104 = scf.for %scan3A_211 = %scan3A_100 to %scan3A_102 step %scan3A_103 iter_args(%scan3A_212 = %scan3A) -> (i32)  : i32 {
      %mul3A_213 = arith.constant 4 : i32
      %mul3A_214 = arith.muli %mul3A_213, %scan3A_211 : i32
      %dma_wait3A = arith.constant 0 : i32
      %dma_wait3A_215 = arith.constant 0 : i32
      %dma_wait3A_216 = arith.constant 0 : i32
      %dma_wait3A_217 = arith.constant 0 : i32
      %dma_wait3A_218 = tpu.memref_slice %arg6[%dma_wait3A_215, %dma_wait3A_216, %dma_wait3A_217] : memref<4x200x16xi32, #tpu.memory_space<vmem>> -> memref<1x96x16xi32, #tpu.memory_space<vmem>>
      %dma_wait3A_219 = tpu.memref_squeeze %dma_wait3A_218 : memref<1x96x16xi32, #tpu.memory_space<vmem>> -> memref<96x16xi32, #tpu.memory_space<vmem>>
      %dma_wait3A_220 = arith.constant 0 : i32
      %dma_wait3A_221 = tpu.memref_slice %arg5[%dma_wait3A, %dma_wait3A_220] : memref<256x200xi32, #tpu.memory_space<vmem>> -> memref<1x96xi32, #tpu.memory_space<vmem>>
      %dma_wait3A_222 = tpu.memref_squeeze %dma_wait3A_221 : memref<1x96xi32, #tpu.memory_space<vmem>> -> memref<96xi32, #tpu.memory_space<vmem>>
      %dma_wait3A_223 = arith.constant 0 : i32
      %dma_wait3A_224 = arith.constant 0 : i32
      %dma_wait3A_225 = tpu.memref_slice %arg3[%dma_wait3A_223, %dma_wait3A_224] : memref<1000000x16xi32, #tpu.memory_space<hbm>> -> memref<1000000x16xi32, #tpu.memory_space<hbm>>
      tpu.wait_indirect_dma semaphore(%arg8 : memref<!tpu.dma_semaphore, #tpu.memory_space<semaphore_mem>>) src(%dma_wait3A_225 : memref<1000000x16xi32, #tpu.memory_space<hbm>>) dst(%dma_wait3A_219 : memref<96x16xi32, #tpu.memory_space<vmem>>)
      %dma_wait3A_226 = arith.constant 0 : i32
      %dma_wait3A_227 = arith.constant 0 : i32
      %dma_wait3A_228 = arith.constant 96 : i32
      %dma_wait3A_229 = arith.constant 0 : i32
      %dma_wait3A_230 = tpu.memref_slice %arg6[%dma_wait3A_227, %dma_wait3A_228, %dma_wait3A_229] : memref<4x200x16xi32, #tpu.memory_space<vmem>> -> memref<1x104x16xi32, #tpu.memory_space<vmem>>
      %dma_wait3A_231 = tpu.memref_squeeze %dma_wait3A_230 : memref<1x104x16xi32, #tpu.memory_space<vmem>> -> memref<104x16xi32, #tpu.memory_space<vmem>>
      %dma_wait3A_232 = arith.constant 96 : i32
      %dma_wait3A_233 = tpu.memref_slice %arg5[%dma_wait3A_226, %dma_wait3A_232] : memref<256x200xi32, #tpu.memory_space<vmem>> -> memref<1x104xi32, #tpu.memory_space<vmem>>
      %dma_wait3A_234 = tpu.memref_squeeze %dma_wait3A_233 : memref<1x104xi32, #tpu.memory_space<vmem>> -> memref<104xi32, #tpu.memory_space<vmem>>
      %dma_wait3A_235 = arith.constant 0 : i32
      %dma_wait3A_236 = arith.constant 0 : i32
      %dma_wait3A_237 = tpu.memref_slice %arg3[%dma_wait3A_235, %dma_wait3A_236] : memref<1000000x16xi32, #tpu.memory_space<hbm>> -> memref<1000000x16xi32, #tpu.memory_space<hbm>>
      tpu.wait_indirect_dma semaphore(%arg8 : memref<!tpu.dma_semaphore, #tpu.memory_space<semaphore_mem>>) src(%dma_wait3A_237 : memref<1000000x16xi32, #tpu.memory_space<hbm>>) dst(%dma_wait3A_231 : memref<104x16xi32, #tpu.memory_space<vmem>>)
      %add3A_238 = arith.constant 0 : i32
      %add3A_239 = arith.addi %mul3A_214, %add3A_238 : i32
      %add3A_240 = arith.constant 4 : i32
      %add3A_241 = arith.addi %add3A_239, %add3A_240 : i32
      %lt3A = arith.constant 256 : i32
      %lt3A_242 = arith.cmpi slt, %add3A_241, %lt3A : i32
      %convert_element_type3A = arith.extui %lt3A_242 : i1 to i32
      %cond3A = arith.constant 0 : i32
      %cond3A_243 = arith.cmpi ne, %convert_element_type3A, %cond3A : i32
      scf.if %cond3A_243 {
        %add3A_446 = arith.constant 0 : i32
        %add3A_447 = arith.addi %mul3A_214, %add3A_446 : i32
        %add3A_448 = arith.constant 4 : i32
        %add3A_449 = arith.addi %add3A_447, %add3A_448 : i32
        %dma_start3A_450 = arith.constant 0 : i32
        %dma_start3A_451 = arith.constant 0 : i32
        %dma_start3A_452 = arith.constant 0 : i32
        %dma_start3A_453 = tpu.memref_slice %arg6[%dma_start3A_450, %dma_start3A_451, %dma_start3A_452] : memref<4x200x16xi32, #tpu.memory_space<vmem>> -> memref<1x96x16xi32, #tpu.memory_space<vmem>>
        %dma_start3A_454 = tpu.memref_squeeze %dma_start3A_453 : memref<1x96x16xi32, #tpu.memory_space<vmem>> -> memref<96x16xi32, #tpu.memory_space<vmem>>
        %dma_start3A_455 = arith.constant 0 : i32
        %dma_start3A_456 = tpu.memref_slice %arg5[%add3A_449, %dma_start3A_455] : memref<256x200xi32, #tpu.memory_space<vmem>> -> memref<1x96xi32, #tpu.memory_space<vmem>>
        %dma_start3A_457 = tpu.memref_squeeze %dma_start3A_456 : memref<1x96xi32, #tpu.memory_space<vmem>> -> memref<96xi32, #tpu.memory_space<vmem>>
        %dma_start3A_458 = arith.constant 0 : i32
        %dma_start3A_459 = arith.constant 0 : i32
        %dma_start3A_460 = tpu.memref_slice %arg3[%dma_start3A_458, %dma_start3A_459] : memref<1000000x16xi32, #tpu.memory_space<hbm>> -> memref<1000000x16xi32, #tpu.memory_space<hbm>>
        tpu.enqueue_indirect_dma source(%dma_start3A_460 : memref<1000000x16xi32, #tpu.memory_space<hbm>>) target(%dma_start3A_454 : memref<96x16xi32, #tpu.memory_space<vmem>>) offsets(%dma_start3A_457 : memref<96xi32, #tpu.memory_space<vmem>>) semaphore(%arg8 : memref<!tpu.dma_semaphore, #tpu.memory_space<semaphore_mem>>)
        %dma_start3A_461 = arith.constant 0 : i32
        %dma_start3A_462 = arith.constant 96 : i32
        %dma_start3A_463 = arith.constant 0 : i32
        %dma_start3A_464 = tpu.memref_slice %arg6[%dma_start3A_461, %dma_start3A_462, %dma_start3A_463] : memref<4x200x16xi32, #tpu.memory_space<vmem>> -> memref<1x104x16xi32, #tpu.memory_space<vmem>>
        %dma_start3A_465 = tpu.memref_squeeze %dma_start3A_464 : memref<1x104x16xi32, #tpu.memory_space<vmem>> -> memref<104x16xi32, #tpu.memory_space<vmem>>
        %dma_start3A_466 = arith.constant 96 : i32
        %dma_start3A_467 = tpu.memref_slice %arg5[%add3A_449, %dma_start3A_466] : memref<256x200xi32, #tpu.memory_space<vmem>> -> memref<1x104xi32, #tpu.memory_space<vmem>>
        %dma_start3A_468 = tpu.memref_squeeze %dma_start3A_467 : memref<1x104xi32, #tpu.memory_space<vmem>> -> memref<104xi32, #tpu.memory_space<vmem>>
        %dma_start3A_469 = arith.constant 0 : i32
        %dma_start3A_470 = arith.constant 0 : i32
        %dma_start3A_471 = tpu.memref_slice %arg3[%dma_start3A_469, %dma_start3A_470] : memref<1000000x16xi32, #tpu.memory_space<hbm>> -> memref<1000000x16xi32, #tpu.memory_space<hbm>>
        tpu.enqueue_indirect_dma source(%dma_start3A_471 : memref<1000000x16xi32, #tpu.memory_space<hbm>>) target(%dma_start3A_465 : memref<104x16xi32, #tpu.memory_space<vmem>>) offsets(%dma_start3A_468 : memref<104xi32, #tpu.memory_space<vmem>>) semaphore(%arg8 : memref<!tpu.dma_semaphore, #tpu.memory_space<semaphore_mem>>)
      } else {
      }
      %add3A_244 = arith.constant 0 : i32
      %add3A_245 = arith.addi %add3A_244, %mul3A_214 : i32
      %add3A_246 = arith.constant 0 : i32
      %add3A_247 = arith.addi %add3A_245, %add3A_246 : i32
      %broadcast_in_dim3A = arith.constant 0.000000e+00 : f32
      %broadcast_in_dim3A_248 = vector.broadcast %broadcast_in_dim3A : f32 to vector<16xf32>
      %broadcast_in_dim3A_249 = arith.constant -65536 : i32
      %broadcast_in_dim3A_250 = vector.broadcast %broadcast_in_dim3A_249 : i32 to vector<16xi32>
      %scan3A_251 = arith.constant 0 : i32
      %scan3A_252 = arith.constant 200 : i32
      %scan3A_253 = arith.addi %scan3A_251, %scan3A_252 : i32
      %scan3A_254 = arith.constant 8 : i32
      %scan3A_255:2 = scf.for %scan3A_446 = %scan3A_251 to %scan3A_253 step %scan3A_254 iter_args(%scan3A_447 = %broadcast_in_dim3A_248, %scan3A_448 = %broadcast_in_dim3A_248) -> (vector<16xf32>, vector<16xf32>)  : i32 {
        %get3A = arith.constant 0 : i32
        %get3A_449 = arith.index_cast %get3A : i32 to index
        %get3A_450 = arith.index_cast %scan3A_446 : i32 to index
        %get3A_451 = arith.constant 0 : index
        %get3A_452 = tpu.vector_load %arg6[%get3A_449, %get3A_450, %get3A_451] {strides = array<i32>} : memref<4x200x16xi32, #tpu.memory_space<vmem>>, vector<16xi32>,
        %shift_left3A = arith.constant 16 : i32
        %shift_left3A_453 = vector.broadcast %shift_left3A : i32 to vector<16xi32>
        %shift_left3A_454 = arith.shli %get3A_452, %shift_left3A_453 : vector<16xi32>
        %bitcast3A = vector.bitcast %shift_left3A_454 : vector<16xi32> to vector<16xf32>
        %add3A_455 = arith.addf %scan3A_447, %bitcast3A : vector<16xf32>
        %and3A = arith.andi %get3A_452, %broadcast_in_dim3A_250 : vector<16xi32>
        %bitcast3A_456 = vector.bitcast %and3A : vector<16xi32> to vector<16xf32>
        %add3A_457 = arith.addf %scan3A_448, %bitcast3A_456 : vector<16xf32>
        %scan3A_458 = arith.constant 1 : i32
        %scan3A_459 = arith.addi %scan3A_446, %scan3A_458 : i32
        %get3A_460 = arith.constant 0 : i32
        %get3A_461 = arith.index_cast %get3A_460 : i32 to index
        %get3A_462 = arith.index_cast %scan3A_459 : i32 to index
        %get3A_463 = arith.constant 0 : index
        %get3A_464 = tpu.vector_load %arg6[%get3A_461, %get3A_462, %get3A_463] {strides = array<i32>} : memref<4x200x16xi32, #tpu.memory_space<vmem>>, vector<16xi32>,
        %shift_left3A_465 = arith.constant 16 : i32
        %shift_left3A_466 = vector.broadcast %shift_left3A_465 : i32 to vector<16xi32>
        %shift_left3A_467 = arith.shli %get3A_464, %shift_left3A_466 : vector<16xi32>
        %bitcast3A_468 = vector.bitcast %shift_left3A_467 : vector<16xi32> to vector<16xf32>
        %add3A_469 = arith.addf %add3A_455, %bitcast3A_468 : vector<16xf32>
        %and3A_470 = arith.andi %get3A_464, %broadcast_in_dim3A_250 : vector<16xi32>
        %bitcast3A_471 = vector.bitcast %and3A_470 : vector<16xi32> to vector<16xf32>
        %add3A_472 = arith.addf %add3A_457, %bitcast3A_471 : vector<16xf32>
        %scan3A_473 = arith.constant 2 : i32
        %scan3A_474 = arith.addi %scan3A_446, %scan3A_473 : i32
        %get3A_475 = arith.constant 0 : i32
        %get3A_476 = arith.index_cast %get3A_475 : i32 to index
        %get3A_477 = arith.index_cast %scan3A_474 : i32 to index
        %get3A_478 = arith.constant 0 : index
        %get3A_479 = tpu.vector_load %arg6[%get3A_476, %get3A_477, %get3A_478] {strides = array<i32>} : memref<4x200x16xi32, #tpu.memory_space<vmem>>, vector<16xi32>,
        %shift_left3A_480 = arith.constant 16 : i32
        %shift_left3A_481 = vector.broadcast %shift_left3A_480 : i32 to vector<16xi32>
        %shift_left3A_482 = arith.shli %get3A_479, %shift_left3A_481 : vector<16xi32>
        %bitcast3A_483 = vector.bitcast %shift_left3A_482 : vector<16xi32> to vector<16xf32>
        %add3A_484 = arith.addf %add3A_469, %bitcast3A_483 : vector<16xf32>
        %and3A_485 = arith.andi %get3A_479, %broadcast_in_dim3A_250 : vector<16xi32>
        %bitcast3A_486 = vector.bitcast %and3A_485 : vector<16xi32> to vector<16xf32>
        %add3A_487 = arith.addf %add3A_472, %bitcast3A_486 : vector<16xf32>
        %scan3A_488 = arith.constant 3 : i32
        %scan3A_489 = arith.addi %scan3A_446, %scan3A_488 : i32
        %get3A_490 = arith.constant 0 : i32
        %get3A_491 = arith.index_cast %get3A_490 : i32 to index
        %get3A_492 = arith.index_cast %scan3A_489 : i32 to index
        %get3A_493 = arith.constant 0 : index
        %get3A_494 = tpu.vector_load %arg6[%get3A_491, %get3A_492, %get3A_493] {strides = array<i32>} : memref<4x200x16xi32, #tpu.memory_space<vmem>>, vector<16xi32>,
        %shift_left3A_495 = arith.constant 16 : i32
        %shift_left3A_496 = vector.broadcast %shift_left3A_495 : i32 to vector<16xi32>
        %shift_left3A_497 = arith.shli %get3A_494, %shift_left3A_496 : vector<16xi32>
        %bitcast3A_498 = vector.bitcast %shift_left3A_497 : vector<16xi32> to vector<16xf32>
        %add3A_499 = arith.addf %add3A_484, %bitcast3A_498 : vector<16xf32>
        %and3A_500 = arith.andi %get3A_494, %broadcast_in_dim3A_250 : vector<16xi32>
        %bitcast3A_501 = vector.bitcast %and3A_500 : vector<16xi32> to vector<16xf32>
        %add3A_502 = arith.addf %add3A_487, %bitcast3A_501 : vector<16xf32>
        %scan3A_503 = arith.constant 4 : i32
        %scan3A_504 = arith.addi %scan3A_446, %scan3A_503 : i32
        %get3A_505 = arith.constant 0 : i32
        %get3A_506 = arith.index_cast %get3A_505 : i32 to index
        %get3A_507 = arith.index_cast %scan3A_504 : i32 to index
        %get3A_508 = arith.constant 0 : index
        %get3A_509 = tpu.vector_load %arg6[%get3A_506, %get3A_507, %get3A_508] {strides = array<i32>} : memref<4x200x16xi32, #tpu.memory_space<vmem>>, vector<16xi32>,
        %shift_left3A_510 = arith.constant 16 : i32
        %shift_left3A_511 = vector.broadcast %shift_left3A_510 : i32 to vector<16xi32>
        %shift_left3A_512 = arith.shli %get3A_509, %shift_left3A_511 : vector<16xi32>
        %bitcast3A_513 = vector.bitcast %shift_left3A_512 : vector<16xi32> to vector<16xf32>
        %add3A_514 = arith.addf %add3A_499, %bitcast3A_513 : vector<16xf32>
        %and3A_515 = arith.andi %get3A_509, %broadcast_in_dim3A_250 : vector<16xi32>
        %bitcast3A_516 = vector.bitcast %and3A_515 : vector<16xi32> to vector<16xf32>
        %add3A_517 = arith.addf %add3A_502, %bitcast3A_516 : vector<16xf32>
        %scan3A_518 = arith.constant 5 : i32
        %scan3A_519 = arith.addi %scan3A_446, %scan3A_518 : i32
        %get3A_520 = arith.constant 0 : i32
        %get3A_521 = arith.index_cast %get3A_520 : i32 to index
        %get3A_522 = arith.index_cast %scan3A_519 : i32 to index
        %get3A_523 = arith.constant 0 : index
        %get3A_524 = tpu.vector_load %arg6[%get3A_521, %get3A_522, %get3A_523] {strides = array<i32>} : memref<4x200x16xi32, #tpu.memory_space<vmem>>, vector<16xi32>,
        %shift_left3A_525 = arith.constant 16 : i32
        %shift_left3A_526 = vector.broadcast %shift_left3A_525 : i32 to vector<16xi32>
        %shift_left3A_527 = arith.shli %get3A_524, %shift_left3A_526 : vector<16xi32>
        %bitcast3A_528 = vector.bitcast %shift_left3A_527 : vector<16xi32> to vector<16xf32>
        %add3A_529 = arith.addf %add3A_514, %bitcast3A_528 : vector<16xf32>
        %and3A_530 = arith.andi %get3A_524, %broadcast_in_dim3A_250 : vector<16xi32>
        %bitcast3A_531 = vector.bitcast %and3A_530 : vector<16xi32> to vector<16xf32>
        %add3A_532 = arith.addf %add3A_517, %bitcast3A_531 : vector<16xf32>
        %scan3A_533 = arith.constant 6 : i32
        %scan3A_534 = arith.addi %scan3A_446, %scan3A_533 : i32
        %get3A_535 = arith.constant 0 : i32
        %get3A_536 = arith.index_cast %get3A_535 : i32 to index
        %get3A_537 = arith.index_cast %scan3A_534 : i32 to index
        %get3A_538 = arith.constant 0 : index
        %get3A_539 = tpu.vector_load %arg6[%get3A_536, %get3A_537, %get3A_538] {strides = array<i32>} : memref<4x200x16xi32, #tpu.memory_space<vmem>>, vector<16xi32>,
        %shift_left3A_540 = arith.constant 16 : i32
        %shift_left3A_541 = vector.broadcast %shift_left3A_540 : i32 to vector<16xi32>
        %shift_left3A_542 = arith.shli %get3A_539, %shift_left3A_541 : vector<16xi32>
        %bitcast3A_543 = vector.bitcast %shift_left3A_542 : vector<16xi32> to vector<16xf32>
        %add3A_544 = arith.addf %add3A_529, %bitcast3A_543 : vector<16xf32>
        %and3A_545 = arith.andi %get3A_539, %broadcast_in_dim3A_250 : vector<16xi32>
        %bitcast3A_546 = vector.bitcast %and3A_545 : vector<16xi32> to vector<16xf32>
        %add3A_547 = arith.addf %add3A_532, %bitcast3A_546 : vector<16xf32>
        %scan3A_548 = arith.constant 7 : i32
        %scan3A_549 = arith.addi %scan3A_446, %scan3A_548 : i32
        %get3A_550 = arith.constant 0 : i32
        %get3A_551 = arith.index_cast %get3A_550 : i32 to index
        %get3A_552 = arith.index_cast %scan3A_549 : i32 to index
        %get3A_553 = arith.constant 0 : index
        %get3A_554 = tpu.vector_load %arg6[%get3A_551, %get3A_552, %get3A_553] {strides = array<i32>} : memref<4x200x16xi32, #tpu.memory_space<vmem>>, vector<16xi32>,
        %shift_left3A_555 = arith.constant 16 : i32
        %shift_left3A_556 = vector.broadcast %shift_left3A_555 : i32 to vector<16xi32>
        %shift_left3A_557 = arith.shli %get3A_554, %shift_left3A_556 : vector<16xi32>
        %bitcast3A_558 = vector.bitcast %shift_left3A_557 : vector<16xi32> to vector<16xf32>
        %add3A_559 = arith.addf %add3A_544, %bitcast3A_558 : vector<16xf32>
        %and3A_560 = arith.andi %get3A_554, %broadcast_in_dim3A_250 : vector<16xi32>
        %bitcast3A_561 = vector.bitcast %and3A_560 : vector<16xi32> to vector<16xf32>
        %add3A_562 = arith.addf %add3A_547, %bitcast3A_561 : vector<16xf32>
        scf.yield %add3A_559, %add3A_562 : vector<16xf32>, vector<16xf32>
      }
      %scan3A_256 = arith.constant 200 : i32
      %mul3A_257 = arith.constant 5.000000e-03 : f32
      %mul3A_258 = vector.broadcast %mul3A_257 : f32 to vector<16xf32>
      %mul3A_259 = arith.mulf %scan3A_255#0, %mul3A_258 : vector<16xf32>
      %swap3A = arith.index_cast %add3A_247 : i32 to index
      %swap3A_260 = arith.constant 0 : index
      %swap3A_261 = tpu.vector_load %arg7[%swap3A, %swap3A_260] {strides = array<i32>} : memref<512x32xf32, #tpu.memory_space<vmem>>, vector<16xf32>,
      tpu.vector_store %arg7[%swap3A, %swap3A_260], %mul3A_259 {strides = array<i32>} : memref<512x32xf32, #tpu.memory_space<vmem>>, vector<16xf32>,
      %mul3A_262 = arith.constant 5.000000e-03 : f32
      %mul3A_263 = vector.broadcast %mul3A_262 : f32 to vector<16xf32>
      %mul3A_264 = arith.mulf %scan3A_255#1, %mul3A_263 : vector<16xf32>
      %swap3A_265 = arith.index_cast %add3A_247 : i32 to index
      %swap3A_266 = arith.constant 16 : index
      %swap3A_267 = tpu.vector_load %arg7[%swap3A_265, %swap3A_266] {strides = array<i32>} : memref<512x32xf32, #tpu.memory_space<vmem>>, vector<16xf32>,
      tpu.vector_store %arg7[%swap3A_265, %swap3A_266], %mul3A_264 {strides = array<i32>} : memref<512x32xf32, #tpu.memory_space<vmem>>, vector<16xf32>,
      %dma_wait3A_268 = arith.constant 0 : i32
      %dma_wait3A_269 = arith.constant 1 : i32
      %dma_wait3A_270 = arith.constant 0 : i32
      %dma_wait3A_271 = arith.constant 0 : i32
      %dma_wait3A_272 = tpu.memref_slice %arg6[%dma_wait3A_269, %dma_wait3A_270, %dma_wait3A_271] : memref<4x200x16xi32, #tpu.memory_space<vmem>> -> memref<1x96x16xi32, #tpu.memory_space<vmem>>
      %dma_wait3A_273 = tpu.memref_squeeze %dma_wait3A_272 : memref<1x96x16xi32, #tpu.memory_space<vmem>> -> memref<96x16xi32, #tpu.memory_space<vmem>>
      %dma_wait3A_274 = arith.constant 0 : i32
      %dma_wait3A_275 = tpu.memref_slice %arg5[%dma_wait3A_268, %dma_wait3A_274] : memref<256x200xi32, #tpu.memory_space<vmem>> -> memref<1x96xi32, #tpu.memory_space<vmem>>
      %dma_wait3A_276 = tpu.memref_squeeze %dma_wait3A_275 : memref<1x96xi32, #tpu.memory_space<vmem>> -> memref<96xi32, #tpu.memory_space<vmem>>
      %dma_wait3A_277 = arith.constant 0 : i32
      %dma_wait3A_278 = arith.constant 0 : i32
      %dma_wait3A_279 = tpu.memref_slice %arg3[%dma_wait3A_277, %dma_wait3A_278] : memref<1000000x16xi32, #tpu.memory_space<hbm>> -> memref<1000000x16xi32, #tpu.memory_space<hbm>>
      tpu.wait_indirect_dma semaphore(%arg9 : memref<!tpu.dma_semaphore, #tpu.memory_space<semaphore_mem>>) src(%dma_wait3A_279 : memref<1000000x16xi32, #tpu.memory_space<hbm>>) dst(%dma_wait3A_273 : memref<96x16xi32, #tpu.memory_space<vmem>>)
      %dma_wait3A_280 = arith.constant 0 : i32
      %dma_wait3A_281 = arith.constant 1 : i32
      %dma_wait3A_282 = arith.constant 96 : i32
      %dma_wait3A_283 = arith.constant 0 : i32
      %dma_wait3A_284 = tpu.memref_slice %arg6[%dma_wait3A_281, %dma_wait3A_282, %dma_wait3A_283] : memref<4x200x16xi32, #tpu.memory_space<vmem>> -> memref<1x104x16xi32, #tpu.memory_space<vmem>>
      %dma_wait3A_285 = tpu.memref_squeeze %dma_wait3A_284 : memref<1x104x16xi32, #tpu.memory_space<vmem>> -> memref<104x16xi32, #tpu.memory_space<vmem>>
      %dma_wait3A_286 = arith.constant 96 : i32
      %dma_wait3A_287 = tpu.memref_slice %arg5[%dma_wait3A_280, %dma_wait3A_286] : memref<256x200xi32, #tpu.memory_space<vmem>> -> memref<1x104xi32, #tpu.memory_space<vmem>>
      %dma_wait3A_288 = tpu.memref_squeeze %dma_wait3A_287 : memref<1x104xi32, #tpu.memory_space<vmem>> -> memref<104xi32, #tpu.memory_space<vmem>>
      %dma_wait3A_289 = arith.constant 0 : i32
      %dma_wait3A_290 = arith.constant 0 : i32
      %dma_wait3A_291 = tpu.memref_slice %arg3[%dma_wait3A_289, %dma_wait3A_290] : memref<1000000x16xi32, #tpu.memory_space<hbm>> -> memref<1000000x16xi32, #tpu.memory_space<hbm>>
      tpu.wait_indirect_dma semaphore(%arg9 : memref<!tpu.dma_semaphore, #tpu.memory_space<semaphore_mem>>) src(%dma_wait3A_291 : memref<1000000x16xi32, #tpu.memory_space<hbm>>) dst(%dma_wait3A_285 : memref<104x16xi32, #tpu.memory_space<vmem>>)
      %add3A_292 = arith.constant 1 : i32
      %add3A_293 = arith.addi %mul3A_214, %add3A_292 : i32
      %add3A_294 = arith.constant 4 : i32
      %add3A_295 = arith.addi %add3A_293, %add3A_294 : i32
      %lt3A_296 = arith.constant 256 : i32
      %lt3A_297 = arith.cmpi slt, %add3A_295, %lt3A_296 : i32
      %convert_element_type3A_298 = arith.extui %lt3A_297 : i1 to i32
      %cond3A_299 = arith.constant 0 : i32
      %cond3A_300 = arith.cmpi ne, %convert_element_type3A_298, %cond3A_299 : i32
      scf.if %cond3A_300 {
        %add3A_446 = arith.constant 1 : i32
        %add3A_447 = arith.addi %mul3A_214, %add3A_446 : i32
        %add3A_448 = arith.constant 4 : i32
        %add3A_449 = arith.addi %add3A_447, %add3A_448 : i32
        %dma_start3A_450 = arith.constant 1 : i32
        %dma_start3A_451 = arith.constant 0 : i32
        %dma_start3A_452 = arith.constant 0 : i32
        %dma_start3A_453 = tpu.memref_slice %arg6[%dma_start3A_450, %dma_start3A_451, %dma_start3A_452] : memref<4x200x16xi32, #tpu.memory_space<vmem>> -> memref<1x96x16xi32, #tpu.memory_space<vmem>>
        %dma_start3A_454 = tpu.memref_squeeze %dma_start3A_453 : memref<1x96x16xi32, #tpu.memory_space<vmem>> -> memref<96x16xi32, #tpu.memory_space<vmem>>
        %dma_start3A_455 = arith.constant 0 : i32
        %dma_start3A_456 = tpu.memref_slice %arg5[%add3A_449, %dma_start3A_455] : memref<256x200xi32, #tpu.memory_space<vmem>> -> memref<1x96xi32, #tpu.memory_space<vmem>>
        %dma_start3A_457 = tpu.memref_squeeze %dma_start3A_456 : memref<1x96xi32, #tpu.memory_space<vmem>> -> memref<96xi32, #tpu.memory_space<vmem>>
        %dma_start3A_458 = arith.constant 0 : i32
        %dma_start3A_459 = arith.constant 0 : i32
        %dma_start3A_460 = tpu.memref_slice %arg3[%dma_start3A_458, %dma_start3A_459] : memref<1000000x16xi32, #tpu.memory_space<hbm>> -> memref<1000000x16xi32, #tpu.memory_space<hbm>>
        tpu.enqueue_indirect_dma source(%dma_start3A_460 : memref<1000000x16xi32, #tpu.memory_space<hbm>>) target(%dma_start3A_454 : memref<96x16xi32, #tpu.memory_space<vmem>>) offsets(%dma_start3A_457 : memref<96xi32, #tpu.memory_space<vmem>>) semaphore(%arg9 : memref<!tpu.dma_semaphore, #tpu.memory_space<semaphore_mem>>)
        %dma_start3A_461 = arith.constant 1 : i32
        %dma_start3A_462 = arith.constant 96 : i32
        %dma_start3A_463 = arith.constant 0 : i32
        %dma_start3A_464 = tpu.memref_slice %arg6[%dma_start3A_461, %dma_start3A_462, %dma_start3A_463] : memref<4x200x16xi32, #tpu.memory_space<vmem>> -> memref<1x104x16xi32, #tpu.memory_space<vmem>>
        %dma_start3A_465 = tpu.memref_squeeze %dma_start3A_464 : memref<1x104x16xi32, #tpu.memory_space<vmem>> -> memref<104x16xi32, #tpu.memory_space<vmem>>
        %dma_start3A_466 = arith.constant 96 : i32
        %dma_start3A_467 = tpu.memref_slice %arg5[%add3A_449, %dma_start3A_466] : memref<256x200xi32, #tpu.memory_space<vmem>> -> memref<1x104xi32, #tpu.memory_space<vmem>>
        %dma_start3A_468 = tpu.memref_squeeze %dma_start3A_467 : memref<1x104xi32, #tpu.memory_space<vmem>> -> memref<104xi32, #tpu.memory_space<vmem>>
        %dma_start3A_469 = arith.constant 0 : i32
        %dma_start3A_470 = arith.constant 0 : i32
        %dma_start3A_471 = tpu.memref_slice %arg3[%dma_start3A_469, %dma_start3A_470] : memref<1000000x16xi32, #tpu.memory_space<hbm>> -> memref<1000000x16xi32, #tpu.memory_space<hbm>>
        tpu.enqueue_indirect_dma source(%dma_start3A_471 : memref<1000000x16xi32, #tpu.memory_space<hbm>>) target(%dma_start3A_465 : memref<104x16xi32, #tpu.memory_space<vmem>>) offsets(%dma_start3A_468 : memref<104xi32, #tpu.memory_space<vmem>>) semaphore(%arg9 : memref<!tpu.dma_semaphore, #tpu.memory_space<semaphore_mem>>)
      } else {
      }
      %add3A_301 = arith.constant 0 : i32
      %add3A_302 = arith.addi %add3A_301, %mul3A_214 : i32
      %add3A_303 = arith.constant 1 : i32
      %add3A_304 = arith.addi %add3A_302, %add3A_303 : i32
      %broadcast_in_dim3A_305 = arith.constant 0.000000e+00 : f32
      %broadcast_in_dim3A_306 = vector.broadcast %broadcast_in_dim3A_305 : f32 to vector<16xf32>
      %broadcast_in_dim3A_307 = arith.constant -65536 : i32
      %broadcast_in_dim3A_308 = vector.broadcast %broadcast_in_dim3A_307 : i32 to vector<16xi32>
      %scan3A_309 = arith.constant 0 : i32
      %scan3A_310 = arith.constant 200 : i32
      %scan3A_311 = arith.addi %scan3A_309, %scan3A_310 : i32
      %scan3A_312 = arith.constant 8 : i32
      %scan3A_313:2 = scf.for %scan3A_446 = %scan3A_309 to %scan3A_311 step %scan3A_312 iter_args(%scan3A_447 = %broadcast_in_dim3A_306, %scan3A_448 = %broadcast_in_dim3A_306) -> (vector<16xf32>, vector<16xf32>)  : i32 {
        %get3A = arith.constant 1 : i32
        %get3A_449 = arith.index_cast %get3A : i32 to index
        %get3A_450 = arith.index_cast %scan3A_446 : i32 to index
        %get3A_451 = arith.constant 0 : index
        %get3A_452 = tpu.vector_load %arg6[%get3A_449, %get3A_450, %get3A_451] {strides = array<i32>} : memref<4x200x16xi32, #tpu.memory_space<vmem>>, vector<16xi32>,
        %shift_left3A = arith.constant 16 : i32
        %shift_left3A_453 = vector.broadcast %shift_left3A : i32 to vector<16xi32>
        %shift_left3A_454 = arith.shli %get3A_452, %shift_left3A_453 : vector<16xi32>
        %bitcast3A = vector.bitcast %shift_left3A_454 : vector<16xi32> to vector<16xf32>
        %add3A_455 = arith.addf %scan3A_447, %bitcast3A : vector<16xf32>
        %and3A = arith.andi %get3A_452, %broadcast_in_dim3A_308 : vector<16xi32>
        %bitcast3A_456 = vector.bitcast %and3A : vector<16xi32> to vector<16xf32>
        %add3A_457 = arith.addf %scan3A_448, %bitcast3A_456 : vector<16xf32>
        %scan3A_458 = arith.constant 1 : i32
        %scan3A_459 = arith.addi %scan3A_446, %scan3A_458 : i32
        %get3A_460 = arith.constant 1 : i32
        %get3A_461 = arith.index_cast %get3A_460 : i32 to index
        %get3A_462 = arith.index_cast %scan3A_459 : i32 to index
        %get3A_463 = arith.constant 0 : index
        %get3A_464 = tpu.vector_load %arg6[%get3A_461, %get3A_462, %get3A_463] {strides = array<i32>} : memref<4x200x16xi32, #tpu.memory_space<vmem>>, vector<16xi32>,
        %shift_left3A_465 = arith.constant 16 : i32
        %shift_left3A_466 = vector.broadcast %shift_left3A_465 : i32 to vector<16xi32>
        %shift_left3A_467 = arith.shli %get3A_464, %shift_left3A_466 : vector<16xi32>
        %bitcast3A_468 = vector.bitcast %shift_left3A_467 : vector<16xi32> to vector<16xf32>
        %add3A_469 = arith.addf %add3A_455, %bitcast3A_468 : vector<16xf32>
        %and3A_470 = arith.andi %get3A_464, %broadcast_in_dim3A_308 : vector<16xi32>
        %bitcast3A_471 = vector.bitcast %and3A_470 : vector<16xi32> to vector<16xf32>
        %add3A_472 = arith.addf %add3A_457, %bitcast3A_471 : vector<16xf32>
        %scan3A_473 = arith.constant 2 : i32
        %scan3A_474 = arith.addi %scan3A_446, %scan3A_473 : i32
        %get3A_475 = arith.constant 1 : i32
        %get3A_476 = arith.index_cast %get3A_475 : i32 to index
        %get3A_477 = arith.index_cast %scan3A_474 : i32 to index
        %get3A_478 = arith.constant 0 : index
        %get3A_479 = tpu.vector_load %arg6[%get3A_476, %get3A_477, %get3A_478] {strides = array<i32>} : memref<4x200x16xi32, #tpu.memory_space<vmem>>, vector<16xi32>,
        %shift_left3A_480 = arith.constant 16 : i32
        %shift_left3A_481 = vector.broadcast %shift_left3A_480 : i32 to vector<16xi32>
        %shift_left3A_482 = arith.shli %get3A_479, %shift_left3A_481 : vector<16xi32>
        %bitcast3A_483 = vector.bitcast %shift_left3A_482 : vector<16xi32> to vector<16xf32>
        %add3A_484 = arith.addf %add3A_469, %bitcast3A_483 : vector<16xf32>
        %and3A_485 = arith.andi %get3A_479, %broadcast_in_dim3A_308 : vector<16xi32>
        %bitcast3A_486 = vector.bitcast %and3A_485 : vector<16xi32> to vector<16xf32>
        %add3A_487 = arith.addf %add3A_472, %bitcast3A_486 : vector<16xf32>
        %scan3A_488 = arith.constant 3 : i32
        %scan3A_489 = arith.addi %scan3A_446, %scan3A_488 : i32
        %get3A_490 = arith.constant 1 : i32
        %get3A_491 = arith.index_cast %get3A_490 : i32 to index
        %get3A_492 = arith.index_cast %scan3A_489 : i32 to index
        %get3A_493 = arith.constant 0 : index
        %get3A_494 = tpu.vector_load %arg6[%get3A_491, %get3A_492, %get3A_493] {strides = array<i32>} : memref<4x200x16xi32, #tpu.memory_space<vmem>>, vector<16xi32>,
        %shift_left3A_495 = arith.constant 16 : i32
        %shift_left3A_496 = vector.broadcast %shift_left3A_495 : i32 to vector<16xi32>
        %shift_left3A_497 = arith.shli %get3A_494, %shift_left3A_496 : vector<16xi32>
        %bitcast3A_498 = vector.bitcast %shift_left3A_497 : vector<16xi32> to vector<16xf32>
        %add3A_499 = arith.addf %add3A_484, %bitcast3A_498 : vector<16xf32>
        %and3A_500 = arith.andi %get3A_494, %broadcast_in_dim3A_308 : vector<16xi32>
        %bitcast3A_501 = vector.bitcast %and3A_500 : vector<16xi32> to vector<16xf32>
        %add3A_502 = arith.addf %add3A_487, %bitcast3A_501 : vector<16xf32>
        %scan3A_503 = arith.constant 4 : i32
        %scan3A_504 = arith.addi %scan3A_446, %scan3A_503 : i32
        %get3A_505 = arith.constant 1 : i32
        %get3A_506 = arith.index_cast %get3A_505 : i32 to index
        %get3A_507 = arith.index_cast %scan3A_504 : i32 to index
        %get3A_508 = arith.constant 0 : index
        %get3A_509 = tpu.vector_load %arg6[%get3A_506, %get3A_507, %get3A_508] {strides = array<i32>} : memref<4x200x16xi32, #tpu.memory_space<vmem>>, vector<16xi32>,
        %shift_left3A_510 = arith.constant 16 : i32
        %shift_left3A_511 = vector.broadcast %shift_left3A_510 : i32 to vector<16xi32>
        %shift_left3A_512 = arith.shli %get3A_509, %shift_left3A_511 : vector<16xi32>
        %bitcast3A_513 = vector.bitcast %shift_left3A_512 : vector<16xi32> to vector<16xf32>
        %add3A_514 = arith.addf %add3A_499, %bitcast3A_513 : vector<16xf32>
        %and3A_515 = arith.andi %get3A_509, %broadcast_in_dim3A_308 : vector<16xi32>
        %bitcast3A_516 = vector.bitcast %and3A_515 : vector<16xi32> to vector<16xf32>
        %add3A_517 = arith.addf %add3A_502, %bitcast3A_516 : vector<16xf32>
        %scan3A_518 = arith.constant 5 : i32
        %scan3A_519 = arith.addi %scan3A_446, %scan3A_518 : i32
        %get3A_520 = arith.constant 1 : i32
        %get3A_521 = arith.index_cast %get3A_520 : i32 to index
        %get3A_522 = arith.index_cast %scan3A_519 : i32 to index
        %get3A_523 = arith.constant 0 : index
        %get3A_524 = tpu.vector_load %arg6[%get3A_521, %get3A_522, %get3A_523] {strides = array<i32>} : memref<4x200x16xi32, #tpu.memory_space<vmem>>, vector<16xi32>,
        %shift_left3A_525 = arith.constant 16 : i32
        %shift_left3A_526 = vector.broadcast %shift_left3A_525 : i32 to vector<16xi32>
        %shift_left3A_527 = arith.shli %get3A_524, %shift_left3A_526 : vector<16xi32>
        %bitcast3A_528 = vector.bitcast %shift_left3A_527 : vector<16xi32> to vector<16xf32>
        %add3A_529 = arith.addf %add3A_514, %bitcast3A_528 : vector<16xf32>
        %and3A_530 = arith.andi %get3A_524, %broadcast_in_dim3A_308 : vector<16xi32>
        %bitcast3A_531 = vector.bitcast %and3A_530 : vector<16xi32> to vector<16xf32>
        %add3A_532 = arith.addf %add3A_517, %bitcast3A_531 : vector<16xf32>
        %scan3A_533 = arith.constant 6 : i32
        %scan3A_534 = arith.addi %scan3A_446, %scan3A_533 : i32
        %get3A_535 = arith.constant 1 : i32
        %get3A_536 = arith.index_cast %get3A_535 : i32 to index
        %get3A_537 = arith.index_cast %scan3A_534 : i32 to index
        %get3A_538 = arith.constant 0 : index
        %get3A_539 = tpu.vector_load %arg6[%get3A_536, %get3A_537, %get3A_538] {strides = array<i32>} : memref<4x200x16xi32, #tpu.memory_space<vmem>>, vector<16xi32>,
        %shift_left3A_540 = arith.constant 16 : i32
        %shift_left3A_541 = vector.broadcast %shift_left3A_540 : i32 to vector<16xi32>
        %shift_left3A_542 = arith.shli %get3A_539, %shift_left3A_541 : vector<16xi32>
        %bitcast3A_543 = vector.bitcast %shift_left3A_542 : vector<16xi32> to vector<16xf32>
        %add3A_544 = arith.addf %add3A_529, %bitcast3A_543 : vector<16xf32>
        %and3A_545 = arith.andi %get3A_539, %broadcast_in_dim3A_308 : vector<16xi32>
        %bitcast3A_546 = vector.bitcast %and3A_545 : vector<16xi32> to vector<16xf32>
        %add3A_547 = arith.addf %add3A_532, %bitcast3A_546 : vector<16xf32>
        %scan3A_548 = arith.constant 7 : i32
        %scan3A_549 = arith.addi %scan3A_446, %scan3A_548 : i32
        %get3A_550 = arith.constant 1 : i32
        %get3A_551 = arith.index_cast %get3A_550 : i32 to index
        %get3A_552 = arith.index_cast %scan3A_549 : i32 to index
        %get3A_553 = arith.constant 0 : index
        %get3A_554 = tpu.vector_load %arg6[%get3A_551, %get3A_552, %get3A_553] {strides = array<i32>} : memref<4x200x16xi32, #tpu.memory_space<vmem>>, vector<16xi32>,
        %shift_left3A_555 = arith.constant 16 : i32
        %shift_left3A_556 = vector.broadcast %shift_left3A_555 : i32 to vector<16xi32>
        %shift_left3A_557 = arith.shli %get3A_554, %shift_left3A_556 : vector<16xi32>
        %bitcast3A_558 = vector.bitcast %shift_left3A_557 : vector<16xi32> to vector<16xf32>
        %add3A_559 = arith.addf %add3A_544, %bitcast3A_558 : vector<16xf32>
        %and3A_560 = arith.andi %get3A_554, %broadcast_in_dim3A_308 : vector<16xi32>
        %bitcast3A_561 = vector.bitcast %and3A_560 : vector<16xi32> to vector<16xf32>
        %add3A_562 = arith.addf %add3A_547, %bitcast3A_561 : vector<16xf32>
        scf.yield %add3A_559, %add3A_562 : vector<16xf32>, vector<16xf32>
      }
      %scan3A_314 = arith.constant 200 : i32
      %mul3A_315 = arith.constant 5.000000e-03 : f32
      %mul3A_316 = vector.broadcast %mul3A_315 : f32 to vector<16xf32>
      %mul3A_317 = arith.mulf %scan3A_313#0, %mul3A_316 : vector<16xf32>
      %swap3A_318 = arith.index_cast %add3A_304 : i32 to index
      %swap3A_319 = arith.constant 0 : index
      %swap3A_320 = tpu.vector_load %arg7[%swap3A_318, %swap3A_319] {strides = array<i32>} : memref<512x32xf32, #tpu.memory_space<vmem>>, vector<16xf32>,
      tpu.vector_store %arg7[%swap3A_318, %swap3A_319], %mul3A_317 {strides = array<i32>} : memref<512x32xf32, #tpu.memory_space<vmem>>, vector<16xf32>,
      %mul3A_321 = arith.constant 5.000000e-03 : f32
      %mul3A_322 = vector.broadcast %mul3A_321 : f32 to vector<16xf32>
      %mul3A_323 = arith.mulf %scan3A_313#1, %mul3A_322 : vector<16xf32>
      %swap3A_324 = arith.index_cast %add3A_304 : i32 to index
      %swap3A_325 = arith.constant 16 : index
      %swap3A_326 = tpu.vector_load %arg7[%swap3A_324, %swap3A_325] {strides = array<i32>} : memref<512x32xf32, #tpu.memory_space<vmem>>, vector<16xf32>,
      tpu.vector_store %arg7[%swap3A_324, %swap3A_325], %mul3A_323 {strides = array<i32>} : memref<512x32xf32, #tpu.memory_space<vmem>>, vector<16xf32>,
      %dma_wait3A_327 = arith.constant 0 : i32
      %dma_wait3A_328 = arith.constant 2 : i32
      %dma_wait3A_329 = arith.constant 0 : i32
      %dma_wait3A_330 = arith.constant 0 : i32
      %dma_wait3A_331 = tpu.memref_slice %arg6[%dma_wait3A_328, %dma_wait3A_329, %dma_wait3A_330] : memref<4x200x16xi32, #tpu.memory_space<vmem>> -> memref<1x96x16xi32, #tpu.memory_space<vmem>>
      %dma_wait3A_332 = tpu.memref_squeeze %dma_wait3A_331 : memref<1x96x16xi32, #tpu.memory_space<vmem>> -> memref<96x16xi32, #tpu.memory_space<vmem>>
      %dma_wait3A_333 = arith.constant 0 : i32
      %dma_wait3A_334 = tpu.memref_slice %arg5[%dma_wait3A_327, %dma_wait3A_333] : memref<256x200xi32, #tpu.memory_space<vmem>> -> memref<1x96xi32, #tpu.memory_space<vmem>>
      %dma_wait3A_335 = tpu.memref_squeeze %dma_wait3A_334 : memref<1x96xi32, #tpu.memory_space<vmem>> -> memref<96xi32, #tpu.memory_space<vmem>>
      %dma_wait3A_336 = arith.constant 0 : i32
      %dma_wait3A_337 = arith.constant 0 : i32
      %dma_wait3A_338 = tpu.memref_slice %arg3[%dma_wait3A_336, %dma_wait3A_337] : memref<1000000x16xi32, #tpu.memory_space<hbm>> -> memref<1000000x16xi32, #tpu.memory_space<hbm>>
      tpu.wait_indirect_dma semaphore(%arg10 : memref<!tpu.dma_semaphore, #tpu.memory_space<semaphore_mem>>) src(%dma_wait3A_338 : memref<1000000x16xi32, #tpu.memory_space<hbm>>) dst(%dma_wait3A_332 : memref<96x16xi32, #tpu.memory_space<vmem>>)
      %dma_wait3A_339 = arith.constant 0 : i32
      %dma_wait3A_340 = arith.constant 2 : i32
      %dma_wait3A_341 = arith.constant 96 : i32
      %dma_wait3A_342 = arith.constant 0 : i32
      %dma_wait3A_343 = tpu.memref_slice %arg6[%dma_wait3A_340, %dma_wait3A_341, %dma_wait3A_342] : memref<4x200x16xi32, #tpu.memory_space<vmem>> -> memref<1x104x16xi32, #tpu.memory_space<vmem>>
      %dma_wait3A_344 = tpu.memref_squeeze %dma_wait3A_343 : memref<1x104x16xi32, #tpu.memory_space<vmem>> -> memref<104x16xi32, #tpu.memory_space<vmem>>
      %dma_wait3A_345 = arith.constant 96 : i32
      %dma_wait3A_346 = tpu.memref_slice %arg5[%dma_wait3A_339, %dma_wait3A_345] : memref<256x200xi32, #tpu.memory_space<vmem>> -> memref<1x104xi32, #tpu.memory_space<vmem>>
      %dma_wait3A_347 = tpu.memref_squeeze %dma_wait3A_346 : memref<1x104xi32, #tpu.memory_space<vmem>> -> memref<104xi32, #tpu.memory_space<vmem>>
      %dma_wait3A_348 = arith.constant 0 : i32
      %dma_wait3A_349 = arith.constant 0 : i32
      %dma_wait3A_350 = tpu.memref_slice %arg3[%dma_wait3A_348, %dma_wait3A_349] : memref<1000000x16xi32, #tpu.memory_space<hbm>> -> memref<1000000x16xi32, #tpu.memory_space<hbm>>
      tpu.wait_indirect_dma semaphore(%arg10 : memref<!tpu.dma_semaphore, #tpu.memory_space<semaphore_mem>>) src(%dma_wait3A_350 : memref<1000000x16xi32, #tpu.memory_space<hbm>>) dst(%dma_wait3A_344 : memref<104x16xi32, #tpu.memory_space<vmem>>)
      %add3A_351 = arith.constant 2 : i32
      %add3A_352 = arith.addi %mul3A_214, %add3A_351 : i32
      %add3A_353 = arith.constant 4 : i32
      %add3A_354 = arith.addi %add3A_352, %add3A_353 : i32
      %lt3A_355 = arith.constant 256 : i32
      %lt3A_356 = arith.cmpi slt, %add3A_354, %lt3A_355 : i32
      %convert_element_type3A_357 = arith.extui %lt3A_356 : i1 to i32
      %cond3A_358 = arith.constant 0 : i32
      %cond3A_359 = arith.cmpi ne, %convert_element_type3A_357, %cond3A_358 : i32
      scf.if %cond3A_359 {
        %add3A_446 = arith.constant 2 : i32
        %add3A_447 = arith.addi %mul3A_214, %add3A_446 : i32
        %add3A_448 = arith.constant 4 : i32
        %add3A_449 = arith.addi %add3A_447, %add3A_448 : i32
        %dma_start3A_450 = arith.constant 2 : i32
        %dma_start3A_451 = arith.constant 0 : i32
        %dma_start3A_452 = arith.constant 0 : i32
        %dma_start3A_453 = tpu.memref_slice %arg6[%dma_start3A_450, %dma_start3A_451, %dma_start3A_452] : memref<4x200x16xi32, #tpu.memory_space<vmem>> -> memref<1x96x16xi32, #tpu.memory_space<vmem>>
        %dma_start3A_454 = tpu.memref_squeeze %dma_start3A_453 : memref<1x96x16xi32, #tpu.memory_space<vmem>> -> memref<96x16xi32, #tpu.memory_space<vmem>>
        %dma_start3A_455 = arith.constant 0 : i32
        %dma_start3A_456 = tpu.memref_slice %arg5[%add3A_449, %dma_start3A_455] : memref<256x200xi32, #tpu.memory_space<vmem>> -> memref<1x96xi32, #tpu.memory_space<vmem>>
        %dma_start3A_457 = tpu.memref_squeeze %dma_start3A_456 : memref<1x96xi32, #tpu.memory_space<vmem>> -> memref<96xi32, #tpu.memory_space<vmem>>
        %dma_start3A_458 = arith.constant 0 : i32
        %dma_start3A_459 = arith.constant 0 : i32
        %dma_start3A_460 = tpu.memref_slice %arg3[%dma_start3A_458, %dma_start3A_459] : memref<1000000x16xi32, #tpu.memory_space<hbm>> -> memref<1000000x16xi32, #tpu.memory_space<hbm>>
        tpu.enqueue_indirect_dma source(%dma_start3A_460 : memref<1000000x16xi32, #tpu.memory_space<hbm>>) target(%dma_start3A_454 : memref<96x16xi32, #tpu.memory_space<vmem>>) offsets(%dma_start3A_457 : memref<96xi32, #tpu.memory_space<vmem>>) semaphore(%arg10 : memref<!tpu.dma_semaphore, #tpu.memory_space<semaphore_mem>>)
        %dma_start3A_461 = arith.constant 2 : i32
        %dma_start3A_462 = arith.constant 96 : i32
        %dma_start3A_463 = arith.constant 0 : i32
        %dma_start3A_464 = tpu.memref_slice %arg6[%dma_start3A_461, %dma_start3A_462, %dma_start3A_463] : memref<4x200x16xi32, #tpu.memory_space<vmem>> -> memref<1x104x16xi32, #tpu.memory_space<vmem>>
        %dma_start3A_465 = tpu.memref_squeeze %dma_start3A_464 : memref<1x104x16xi32, #tpu.memory_space<vmem>> -> memref<104x16xi32, #tpu.memory_space<vmem>>
        %dma_start3A_466 = arith.constant 96 : i32
        %dma_start3A_467 = tpu.memref_slice %arg5[%add3A_449, %dma_start3A_466] : memref<256x200xi32, #tpu.memory_space<vmem>> -> memref<1x104xi32, #tpu.memory_space<vmem>>
        %dma_start3A_468 = tpu.memref_squeeze %dma_start3A_467 : memref<1x104xi32, #tpu.memory_space<vmem>> -> memref<104xi32, #tpu.memory_space<vmem>>
        %dma_start3A_469 = arith.constant 0 : i32
        %dma_start3A_470 = arith.constant 0 : i32
        %dma_start3A_471 = tpu.memref_slice %arg3[%dma_start3A_469, %dma_start3A_470] : memref<1000000x16xi32, #tpu.memory_space<hbm>> -> memref<1000000x16xi32, #tpu.memory_space<hbm>>
        tpu.enqueue_indirect_dma source(%dma_start3A_471 : memref<1000000x16xi32, #tpu.memory_space<hbm>>) target(%dma_start3A_465 : memref<104x16xi32, #tpu.memory_space<vmem>>) offsets(%dma_start3A_468 : memref<104xi32, #tpu.memory_space<vmem>>) semaphore(%arg10 : memref<!tpu.dma_semaphore, #tpu.memory_space<semaphore_mem>>)
      } else {
      }
      %add3A_360 = arith.constant 0 : i32
      %add3A_361 = arith.addi %add3A_360, %mul3A_214 : i32
      %add3A_362 = arith.constant 2 : i32
      %add3A_363 = arith.addi %add3A_361, %add3A_362 : i32
      %broadcast_in_dim3A_364 = arith.constant 0.000000e+00 : f32
      %broadcast_in_dim3A_365 = vector.broadcast %broadcast_in_dim3A_364 : f32 to vector<16xf32>
      %broadcast_in_dim3A_366 = arith.constant -65536 : i32
      %broadcast_in_dim3A_367 = vector.broadcast %broadcast_in_dim3A_366 : i32 to vector<16xi32>
      %scan3A_368 = arith.constant 0 : i32
      %scan3A_369 = arith.constant 200 : i32
      %scan3A_370 = arith.addi %scan3A_368, %scan3A_369 : i32
      %scan3A_371 = arith.constant 8 : i32
      %scan3A_372:2 = scf.for %scan3A_446 = %scan3A_368 to %scan3A_370 step %scan3A_371 iter_args(%scan3A_447 = %broadcast_in_dim3A_365, %scan3A_448 = %broadcast_in_dim3A_365) -> (vector<16xf32>, vector<16xf32>)  : i32 {
        %get3A = arith.constant 2 : i32
        %get3A_449 = arith.index_cast %get3A : i32 to index
        %get3A_450 = arith.index_cast %scan3A_446 : i32 to index
        %get3A_451 = arith.constant 0 : index
        %get3A_452 = tpu.vector_load %arg6[%get3A_449, %get3A_450, %get3A_451] {strides = array<i32>} : memref<4x200x16xi32, #tpu.memory_space<vmem>>, vector<16xi32>,
        %shift_left3A = arith.constant 16 : i32
        %shift_left3A_453 = vector.broadcast %shift_left3A : i32 to vector<16xi32>
        %shift_left3A_454 = arith.shli %get3A_452, %shift_left3A_453 : vector<16xi32>
        %bitcast3A = vector.bitcast %shift_left3A_454 : vector<16xi32> to vector<16xf32>
        %add3A_455 = arith.addf %scan3A_447, %bitcast3A : vector<16xf32>
        %and3A = arith.andi %get3A_452, %broadcast_in_dim3A_367 : vector<16xi32>
        %bitcast3A_456 = vector.bitcast %and3A : vector<16xi32> to vector<16xf32>
        %add3A_457 = arith.addf %scan3A_448, %bitcast3A_456 : vector<16xf32>
        %scan3A_458 = arith.constant 1 : i32
        %scan3A_459 = arith.addi %scan3A_446, %scan3A_458 : i32
        %get3A_460 = arith.constant 2 : i32
        %get3A_461 = arith.index_cast %get3A_460 : i32 to index
        %get3A_462 = arith.index_cast %scan3A_459 : i32 to index
        %get3A_463 = arith.constant 0 : index
        %get3A_464 = tpu.vector_load %arg6[%get3A_461, %get3A_462, %get3A_463] {strides = array<i32>} : memref<4x200x16xi32, #tpu.memory_space<vmem>>, vector<16xi32>,
        %shift_left3A_465 = arith.constant 16 : i32
        %shift_left3A_466 = vector.broadcast %shift_left3A_465 : i32 to vector<16xi32>
        %shift_left3A_467 = arith.shli %get3A_464, %shift_left3A_466 : vector<16xi32>
        %bitcast3A_468 = vector.bitcast %shift_left3A_467 : vector<16xi32> to vector<16xf32>
        %add3A_469 = arith.addf %add3A_455, %bitcast3A_468 : vector<16xf32>
        %and3A_470 = arith.andi %get3A_464, %broadcast_in_dim3A_367 : vector<16xi32>
        %bitcast3A_471 = vector.bitcast %and3A_470 : vector<16xi32> to vector<16xf32>
        %add3A_472 = arith.addf %add3A_457, %bitcast3A_471 : vector<16xf32>
        %scan3A_473 = arith.constant 2 : i32
        %scan3A_474 = arith.addi %scan3A_446, %scan3A_473 : i32
        %get3A_475 = arith.constant 2 : i32
        %get3A_476 = arith.index_cast %get3A_475 : i32 to index
        %get3A_477 = arith.index_cast %scan3A_474 : i32 to index
        %get3A_478 = arith.constant 0 : index
        %get3A_479 = tpu.vector_load %arg6[%get3A_476, %get3A_477, %get3A_478] {strides = array<i32>} : memref<4x200x16xi32, #tpu.memory_space<vmem>>, vector<16xi32>,
        %shift_left3A_480 = arith.constant 16 : i32
        %shift_left3A_481 = vector.broadcast %shift_left3A_480 : i32 to vector<16xi32>
        %shift_left3A_482 = arith.shli %get3A_479, %shift_left3A_481 : vector<16xi32>
        %bitcast3A_483 = vector.bitcast %shift_left3A_482 : vector<16xi32> to vector<16xf32>
        %add3A_484 = arith.addf %add3A_469, %bitcast3A_483 : vector<16xf32>
        %and3A_485 = arith.andi %get3A_479, %broadcast_in_dim3A_367 : vector<16xi32>
        %bitcast3A_486 = vector.bitcast %and3A_485 : vector<16xi32> to vector<16xf32>
        %add3A_487 = arith.addf %add3A_472, %bitcast3A_486 : vector<16xf32>
        %scan3A_488 = arith.constant 3 : i32
        %scan3A_489 = arith.addi %scan3A_446, %scan3A_488 : i32
        %get3A_490 = arith.constant 2 : i32
        %get3A_491 = arith.index_cast %get3A_490 : i32 to index
        %get3A_492 = arith.index_cast %scan3A_489 : i32 to index
        %get3A_493 = arith.constant 0 : index
        %get3A_494 = tpu.vector_load %arg6[%get3A_491, %get3A_492, %get3A_493] {strides = array<i32>} : memref<4x200x16xi32, #tpu.memory_space<vmem>>, vector<16xi32>,
        %shift_left3A_495 = arith.constant 16 : i32
        %shift_left3A_496 = vector.broadcast %shift_left3A_495 : i32 to vector<16xi32>
        %shift_left3A_497 = arith.shli %get3A_494, %shift_left3A_496 : vector<16xi32>
        %bitcast3A_498 = vector.bitcast %shift_left3A_497 : vector<16xi32> to vector<16xf32>
        %add3A_499 = arith.addf %add3A_484, %bitcast3A_498 : vector<16xf32>
        %and3A_500 = arith.andi %get3A_494, %broadcast_in_dim3A_367 : vector<16xi32>
        %bitcast3A_501 = vector.bitcast %and3A_500 : vector<16xi32> to vector<16xf32>
        %add3A_502 = arith.addf %add3A_487, %bitcast3A_501 : vector<16xf32>
        %scan3A_503 = arith.constant 4 : i32
        %scan3A_504 = arith.addi %scan3A_446, %scan3A_503 : i32
        %get3A_505 = arith.constant 2 : i32
        %get3A_506 = arith.index_cast %get3A_505 : i32 to index
        %get3A_507 = arith.index_cast %scan3A_504 : i32 to index
        %get3A_508 = arith.constant 0 : index
        %get3A_509 = tpu.vector_load %arg6[%get3A_506, %get3A_507, %get3A_508] {strides = array<i32>} : memref<4x200x16xi32, #tpu.memory_space<vmem>>, vector<16xi32>,
        %shift_left3A_510 = arith.constant 16 : i32
        %shift_left3A_511 = vector.broadcast %shift_left3A_510 : i32 to vector<16xi32>
        %shift_left3A_512 = arith.shli %get3A_509, %shift_left3A_511 : vector<16xi32>
        %bitcast3A_513 = vector.bitcast %shift_left3A_512 : vector<16xi32> to vector<16xf32>
        %add3A_514 = arith.addf %add3A_499, %bitcast3A_513 : vector<16xf32>
        %and3A_515 = arith.andi %get3A_509, %broadcast_in_dim3A_367 : vector<16xi32>
        %bitcast3A_516 = vector.bitcast %and3A_515 : vector<16xi32> to vector<16xf32>
        %add3A_517 = arith.addf %add3A_502, %bitcast3A_516 : vector<16xf32>
        %scan3A_518 = arith.constant 5 : i32
        %scan3A_519 = arith.addi %scan3A_446, %scan3A_518 : i32
        %get3A_520 = arith.constant 2 : i32
        %get3A_521 = arith.index_cast %get3A_520 : i32 to index
        %get3A_522 = arith.index_cast %scan3A_519 : i32 to index
        %get3A_523 = arith.constant 0 : index
        %get3A_524 = tpu.vector_load %arg6[%get3A_521, %get3A_522, %get3A_523] {strides = array<i32>} : memref<4x200x16xi32, #tpu.memory_space<vmem>>, vector<16xi32>,
        %shift_left3A_525 = arith.constant 16 : i32
        %shift_left3A_526 = vector.broadcast %shift_left3A_525 : i32 to vector<16xi32>
        %shift_left3A_527 = arith.shli %get3A_524, %shift_left3A_526 : vector<16xi32>
        %bitcast3A_528 = vector.bitcast %shift_left3A_527 : vector<16xi32> to vector<16xf32>
        %add3A_529 = arith.addf %add3A_514, %bitcast3A_528 : vector<16xf32>
        %and3A_530 = arith.andi %get3A_524, %broadcast_in_dim3A_367 : vector<16xi32>
        %bitcast3A_531 = vector.bitcast %and3A_530 : vector<16xi32> to vector<16xf32>
        %add3A_532 = arith.addf %add3A_517, %bitcast3A_531 : vector<16xf32>
        %scan3A_533 = arith.constant 6 : i32
        %scan3A_534 = arith.addi %scan3A_446, %scan3A_533 : i32
        %get3A_535 = arith.constant 2 : i32
        %get3A_536 = arith.index_cast %get3A_535 : i32 to index
        %get3A_537 = arith.index_cast %scan3A_534 : i32 to index
        %get3A_538 = arith.constant 0 : index
        %get3A_539 = tpu.vector_load %arg6[%get3A_536, %get3A_537, %get3A_538] {strides = array<i32>} : memref<4x200x16xi32, #tpu.memory_space<vmem>>, vector<16xi32>,
        %shift_left3A_540 = arith.constant 16 : i32
        %shift_left3A_541 = vector.broadcast %shift_left3A_540 : i32 to vector<16xi32>
        %shift_left3A_542 = arith.shli %get3A_539, %shift_left3A_541 : vector<16xi32>
        %bitcast3A_543 = vector.bitcast %shift_left3A_542 : vector<16xi32> to vector<16xf32>
        %add3A_544 = arith.addf %add3A_529, %bitcast3A_543 : vector<16xf32>
        %and3A_545 = arith.andi %get3A_539, %broadcast_in_dim3A_367 : vector<16xi32>
        %bitcast3A_546 = vector.bitcast %and3A_545 : vector<16xi32> to vector<16xf32>
        %add3A_547 = arith.addf %add3A_532, %bitcast3A_546 : vector<16xf32>
        %scan3A_548 = arith.constant 7 : i32
        %scan3A_549 = arith.addi %scan3A_446, %scan3A_548 : i32
        %get3A_550 = arith.constant 2 : i32
        %get3A_551 = arith.index_cast %get3A_550 : i32 to index
        %get3A_552 = arith.index_cast %scan3A_549 : i32 to index
        %get3A_553 = arith.constant 0 : index
        %get3A_554 = tpu.vector_load %arg6[%get3A_551, %get3A_552, %get3A_553] {strides = array<i32>} : memref<4x200x16xi32, #tpu.memory_space<vmem>>, vector<16xi32>,
        %shift_left3A_555 = arith.constant 16 : i32
        %shift_left3A_556 = vector.broadcast %shift_left3A_555 : i32 to vector<16xi32>
        %shift_left3A_557 = arith.shli %get3A_554, %shift_left3A_556 : vector<16xi32>
        %bitcast3A_558 = vector.bitcast %shift_left3A_557 : vector<16xi32> to vector<16xf32>
        %add3A_559 = arith.addf %add3A_544, %bitcast3A_558 : vector<16xf32>
        %and3A_560 = arith.andi %get3A_554, %broadcast_in_dim3A_367 : vector<16xi32>
        %bitcast3A_561 = vector.bitcast %and3A_560 : vector<16xi32> to vector<16xf32>
        %add3A_562 = arith.addf %add3A_547, %bitcast3A_561 : vector<16xf32>
        scf.yield %add3A_559, %add3A_562 : vector<16xf32>, vector<16xf32>
      }
      %scan3A_373 = arith.constant 200 : i32
      %mul3A_374 = arith.constant 5.000000e-03 : f32
      %mul3A_375 = vector.broadcast %mul3A_374 : f32 to vector<16xf32>
      %mul3A_376 = arith.mulf %scan3A_372#0, %mul3A_375 : vector<16xf32>
      %swap3A_377 = arith.index_cast %add3A_363 : i32 to index
      %swap3A_378 = arith.constant 0 : index
      %swap3A_379 = tpu.vector_load %arg7[%swap3A_377, %swap3A_378] {strides = array<i32>} : memref<512x32xf32, #tpu.memory_space<vmem>>, vector<16xf32>,
      tpu.vector_store %arg7[%swap3A_377, %swap3A_378], %mul3A_376 {strides = array<i32>} : memref<512x32xf32, #tpu.memory_space<vmem>>, vector<16xf32>,
      %mul3A_380 = arith.constant 5.000000e-03 : f32
      %mul3A_381 = vector.broadcast %mul3A_380 : f32 to vector<16xf32>
      %mul3A_382 = arith.mulf %scan3A_372#1, %mul3A_381 : vector<16xf32>
      %swap3A_383 = arith.index_cast %add3A_363 : i32 to index
      %swap3A_384 = arith.constant 16 : index
      %swap3A_385 = tpu.vector_load %arg7[%swap3A_383, %swap3A_384] {strides = array<i32>} : memref<512x32xf32, #tpu.memory_space<vmem>>, vector<16xf32>,
      tpu.vector_store %arg7[%swap3A_383, %swap3A_384], %mul3A_382 {strides = array<i32>} : memref<512x32xf32, #tpu.memory_space<vmem>>, vector<16xf32>,
      %dma_wait3A_386 = arith.constant 0 : i32
      %dma_wait3A_387 = arith.constant 3 : i32
      %dma_wait3A_388 = arith.constant 0 : i32
      %dma_wait3A_389 = arith.constant 0 : i32
      %dma_wait3A_390 = tpu.memref_slice %arg6[%dma_wait3A_387, %dma_wait3A_388, %dma_wait3A_389] : memref<4x200x16xi32, #tpu.memory_space<vmem>> -> memref<1x96x16xi32, #tpu.memory_space<vmem>>
      %dma_wait3A_391 = tpu.memref_squeeze %dma_wait3A_390 : memref<1x96x16xi32, #tpu.memory_space<vmem>> -> memref<96x16xi32, #tpu.memory_space<vmem>>
      %dma_wait3A_392 = arith.constant 0 : i32
      %dma_wait3A_393 = tpu.memref_slice %arg5[%dma_wait3A_386, %dma_wait3A_392] : memref<256x200xi32, #tpu.memory_space<vmem>> -> memref<1x96xi32, #tpu.memory_space<vmem>>
      %dma_wait3A_394 = tpu.memref_squeeze %dma_wait3A_393 : memref<1x96xi32, #tpu.memory_space<vmem>> -> memref<96xi32, #tpu.memory_space<vmem>>
      %dma_wait3A_395 = arith.constant 0 : i32
      %dma_wait3A_396 = arith.constant 0 : i32
      %dma_wait3A_397 = tpu.memref_slice %arg3[%dma_wait3A_395, %dma_wait3A_396] : memref<1000000x16xi32, #tpu.memory_space<hbm>> -> memref<1000000x16xi32, #tpu.memory_space<hbm>>
      tpu.wait_indirect_dma semaphore(%arg11 : memref<!tpu.dma_semaphore, #tpu.memory_space<semaphore_mem>>) src(%dma_wait3A_397 : memref<1000000x16xi32, #tpu.memory_space<hbm>>) dst(%dma_wait3A_391 : memref<96x16xi32, #tpu.memory_space<vmem>>)
      %dma_wait3A_398 = arith.constant 0 : i32
      %dma_wait3A_399 = arith.constant 3 : i32
      %dma_wait3A_400 = arith.constant 96 : i32
      %dma_wait3A_401 = arith.constant 0 : i32
      %dma_wait3A_402 = tpu.memref_slice %arg6[%dma_wait3A_399, %dma_wait3A_400, %dma_wait3A_401] : memref<4x200x16xi32, #tpu.memory_space<vmem>> -> memref<1x104x16xi32, #tpu.memory_space<vmem>>
      %dma_wait3A_403 = tpu.memref_squeeze %dma_wait3A_402 : memref<1x104x16xi32, #tpu.memory_space<vmem>> -> memref<104x16xi32, #tpu.memory_space<vmem>>
      %dma_wait3A_404 = arith.constant 96 : i32
      %dma_wait3A_405 = tpu.memref_slice %arg5[%dma_wait3A_398, %dma_wait3A_404] : memref<256x200xi32, #tpu.memory_space<vmem>> -> memref<1x104xi32, #tpu.memory_space<vmem>>
      %dma_wait3A_406 = tpu.memref_squeeze %dma_wait3A_405 : memref<1x104xi32, #tpu.memory_space<vmem>> -> memref<104xi32, #tpu.memory_space<vmem>>
      %dma_wait3A_407 = arith.constant 0 : i32
      %dma_wait3A_408 = arith.constant 0 : i32
      %dma_wait3A_409 = tpu.memref_slice %arg3[%dma_wait3A_407, %dma_wait3A_408] : memref<1000000x16xi32, #tpu.memory_space<hbm>> -> memref<1000000x16xi32, #tpu.memory_space<hbm>>
      tpu.wait_indirect_dma semaphore(%arg11 : memref<!tpu.dma_semaphore, #tpu.memory_space<semaphore_mem>>) src(%dma_wait3A_409 : memref<1000000x16xi32, #tpu.memory_space<hbm>>) dst(%dma_wait3A_403 : memref<104x16xi32, #tpu.memory_space<vmem>>)
      %add3A_410 = arith.constant 3 : i32
      %add3A_411 = arith.addi %mul3A_214, %add3A_410 : i32
      %add3A_412 = arith.constant 4 : i32
      %add3A_413 = arith.addi %add3A_411, %add3A_412 : i32
      %lt3A_414 = arith.constant 256 : i32
      %lt3A_415 = arith.cmpi slt, %add3A_413, %lt3A_414 : i32
      %convert_element_type3A_416 = arith.extui %lt3A_415 : i1 to i32
      %cond3A_417 = arith.constant 0 : i32
      %cond3A_418 = arith.cmpi ne, %convert_element_type3A_416, %cond3A_417 : i32
      scf.if %cond3A_418 {
        %add3A_446 = arith.constant 3 : i32
        %add3A_447 = arith.addi %mul3A_214, %add3A_446 : i32
        %add3A_448 = arith.constant 4 : i32
        %add3A_449 = arith.addi %add3A_447, %add3A_448 : i32
        %dma_start3A_450 = arith.constant 3 : i32
        %dma_start3A_451 = arith.constant 0 : i32
        %dma_start3A_452 = arith.constant 0 : i32
        %dma_start3A_453 = tpu.memref_slice %arg6[%dma_start3A_450, %dma_start3A_451, %dma_start3A_452] : memref<4x200x16xi32, #tpu.memory_space<vmem>> -> memref<1x96x16xi32, #tpu.memory_space<vmem>>
        %dma_start3A_454 = tpu.memref_squeeze %dma_start3A_453 : memref<1x96x16xi32, #tpu.memory_space<vmem>> -> memref<96x16xi32, #tpu.memory_space<vmem>>
        %dma_start3A_455 = arith.constant 0 : i32
        %dma_start3A_456 = tpu.memref_slice %arg5[%add3A_449, %dma_start3A_455] : memref<256x200xi32, #tpu.memory_space<vmem>> -> memref<1x96xi32, #tpu.memory_space<vmem>>
        %dma_start3A_457 = tpu.memref_squeeze %dma_start3A_456 : memref<1x96xi32, #tpu.memory_space<vmem>> -> memref<96xi32, #tpu.memory_space<vmem>>
        %dma_start3A_458 = arith.constant 0 : i32
        %dma_start3A_459 = arith.constant 0 : i32
        %dma_start3A_460 = tpu.memref_slice %arg3[%dma_start3A_458, %dma_start3A_459] : memref<1000000x16xi32, #tpu.memory_space<hbm>> -> memref<1000000x16xi32, #tpu.memory_space<hbm>>
        tpu.enqueue_indirect_dma source(%dma_start3A_460 : memref<1000000x16xi32, #tpu.memory_space<hbm>>) target(%dma_start3A_454 : memref<96x16xi32, #tpu.memory_space<vmem>>) offsets(%dma_start3A_457 : memref<96xi32, #tpu.memory_space<vmem>>) semaphore(%arg11 : memref<!tpu.dma_semaphore, #tpu.memory_space<semaphore_mem>>)
        %dma_start3A_461 = arith.constant 3 : i32
        %dma_start3A_462 = arith.constant 96 : i32
        %dma_start3A_463 = arith.constant 0 : i32
        %dma_start3A_464 = tpu.memref_slice %arg6[%dma_start3A_461, %dma_start3A_462, %dma_start3A_463] : memref<4x200x16xi32, #tpu.memory_space<vmem>> -> memref<1x104x16xi32, #tpu.memory_space<vmem>>
        %dma_start3A_465 = tpu.memref_squeeze %dma_start3A_464 : memref<1x104x16xi32, #tpu.memory_space<vmem>> -> memref<104x16xi32, #tpu.memory_space<vmem>>
        %dma_start3A_466 = arith.constant 96 : i32
        %dma_start3A_467 = tpu.memref_slice %arg5[%add3A_449, %dma_start3A_466] : memref<256x200xi32, #tpu.memory_space<vmem>> -> memref<1x104xi32, #tpu.memory_space<vmem>>
        %dma_start3A_468 = tpu.memref_squeeze %dma_start3A_467 : memref<1x104xi32, #tpu.memory_space<vmem>> -> memref<104xi32, #tpu.memory_space<vmem>>
        %dma_start3A_469 = arith.constant 0 : i32
        %dma_start3A_470 = arith.constant 0 : i32
        %dma_start3A_471 = tpu.memref_slice %arg3[%dma_start3A_469, %dma_start3A_470] : memref<1000000x16xi32, #tpu.memory_space<hbm>> -> memref<1000000x16xi32, #tpu.memory_space<hbm>>
        tpu.enqueue_indirect_dma source(%dma_start3A_471 : memref<1000000x16xi32, #tpu.memory_space<hbm>>) target(%dma_start3A_465 : memref<104x16xi32, #tpu.memory_space<vmem>>) offsets(%dma_start3A_468 : memref<104xi32, #tpu.memory_space<vmem>>) semaphore(%arg11 : memref<!tpu.dma_semaphore, #tpu.memory_space<semaphore_mem>>)
      } else {
      }
      %add3A_419 = arith.constant 0 : i32
      %add3A_420 = arith.addi %add3A_419, %mul3A_214 : i32
      %add3A_421 = arith.constant 3 : i32
      %add3A_422 = arith.addi %add3A_420, %add3A_421 : i32
      %broadcast_in_dim3A_423 = arith.constant 0.000000e+00 : f32
      %broadcast_in_dim3A_424 = vector.broadcast %broadcast_in_dim3A_423 : f32 to vector<16xf32>
      %broadcast_in_dim3A_425 = arith.constant -65536 : i32
      %broadcast_in_dim3A_426 = vector.broadcast %broadcast_in_dim3A_425 : i32 to vector<16xi32>
      %scan3A_427 = arith.constant 0 : i32
      %scan3A_428 = arith.constant 200 : i32
      %scan3A_429 = arith.addi %scan3A_427, %scan3A_428 : i32
      %scan3A_430 = arith.constant 8 : i32
      %scan3A_431:2 = scf.for %scan3A_446 = %scan3A_427 to %scan3A_429 step %scan3A_430 iter_args(%scan3A_447 = %broadcast_in_dim3A_424, %scan3A_448 = %broadcast_in_dim3A_424) -> (vector<16xf32>, vector<16xf32>)  : i32 {
        %get3A = arith.constant 3 : i32
        %get3A_449 = arith.index_cast %get3A : i32 to index
        %get3A_450 = arith.index_cast %scan3A_446 : i32 to index
        %get3A_451 = arith.constant 0 : index
        %get3A_452 = tpu.vector_load %arg6[%get3A_449, %get3A_450, %get3A_451] {strides = array<i32>} : memref<4x200x16xi32, #tpu.memory_space<vmem>>, vector<16xi32>,
        %shift_left3A = arith.constant 16 : i32
        %shift_left3A_453 = vector.broadcast %shift_left3A : i32 to vector<16xi32>
        %shift_left3A_454 = arith.shli %get3A_452, %shift_left3A_453 : vector<16xi32>
        %bitcast3A = vector.bitcast %shift_left3A_454 : vector<16xi32> to vector<16xf32>
        %add3A_455 = arith.addf %scan3A_447, %bitcast3A : vector<16xf32>
        %and3A = arith.andi %get3A_452, %broadcast_in_dim3A_426 : vector<16xi32>
        %bitcast3A_456 = vector.bitcast %and3A : vector<16xi32> to vector<16xf32>
        %add3A_457 = arith.addf %scan3A_448, %bitcast3A_456 : vector<16xf32>
        %scan3A_458 = arith.constant 1 : i32
        %scan3A_459 = arith.addi %scan3A_446, %scan3A_458 : i32
        %get3A_460 = arith.constant 3 : i32
        %get3A_461 = arith.index_cast %get3A_460 : i32 to index
        %get3A_462 = arith.index_cast %scan3A_459 : i32 to index
        %get3A_463 = arith.constant 0 : index
        %get3A_464 = tpu.vector_load %arg6[%get3A_461, %get3A_462, %get3A_463] {strides = array<i32>} : memref<4x200x16xi32, #tpu.memory_space<vmem>>, vector<16xi32>,
        %shift_left3A_465 = arith.constant 16 : i32
        %shift_left3A_466 = vector.broadcast %shift_left3A_465 : i32 to vector<16xi32>
        %shift_left3A_467 = arith.shli %get3A_464, %shift_left3A_466 : vector<16xi32>
        %bitcast3A_468 = vector.bitcast %shift_left3A_467 : vector<16xi32> to vector<16xf32>
        %add3A_469 = arith.addf %add3A_455, %bitcast3A_468 : vector<16xf32>
        %and3A_470 = arith.andi %get3A_464, %broadcast_in_dim3A_426 : vector<16xi32>
        %bitcast3A_471 = vector.bitcast %and3A_470 : vector<16xi32> to vector<16xf32>
        %add3A_472 = arith.addf %add3A_457, %bitcast3A_471 : vector<16xf32>
        %scan3A_473 = arith.constant 2 : i32
        %scan3A_474 = arith.addi %scan3A_446, %scan3A_473 : i32
        %get3A_475 = arith.constant 3 : i32
        %get3A_476 = arith.index_cast %get3A_475 : i32 to index
        %get3A_477 = arith.index_cast %scan3A_474 : i32 to index
        %get3A_478 = arith.constant 0 : index
        %get3A_479 = tpu.vector_load %arg6[%get3A_476, %get3A_477, %get3A_478] {strides = array<i32>} : memref<4x200x16xi32, #tpu.memory_space<vmem>>, vector<16xi32>,
        %shift_left3A_480 = arith.constant 16 : i32
        %shift_left3A_481 = vector.broadcast %shift_left3A_480 : i32 to vector<16xi32>
        %shift_left3A_482 = arith.shli %get3A_479, %shift_left3A_481 : vector<16xi32>
        %bitcast3A_483 = vector.bitcast %shift_left3A_482 : vector<16xi32> to vector<16xf32>
        %add3A_484 = arith.addf %add3A_469, %bitcast3A_483 : vector<16xf32>
        %and3A_485 = arith.andi %get3A_479, %broadcast_in_dim3A_426 : vector<16xi32>
        %bitcast3A_486 = vector.bitcast %and3A_485 : vector<16xi32> to vector<16xf32>
        %add3A_487 = arith.addf %add3A_472, %bitcast3A_486 : vector<16xf32>
        %scan3A_488 = arith.constant 3 : i32
        %scan3A_489 = arith.addi %scan3A_446, %scan3A_488 : i32
        %get3A_490 = arith.constant 3 : i32
        %get3A_491 = arith.index_cast %get3A_490 : i32 to index
        %get3A_492 = arith.index_cast %scan3A_489 : i32 to index
        %get3A_493 = arith.constant 0 : index
        %get3A_494 = tpu.vector_load %arg6[%get3A_491, %get3A_492, %get3A_493] {strides = array<i32>} : memref<4x200x16xi32, #tpu.memory_space<vmem>>, vector<16xi32>,
        %shift_left3A_495 = arith.constant 16 : i32
        %shift_left3A_496 = vector.broadcast %shift_left3A_495 : i32 to vector<16xi32>
        %shift_left3A_497 = arith.shli %get3A_494, %shift_left3A_496 : vector<16xi32>
        %bitcast3A_498 = vector.bitcast %shift_left3A_497 : vector<16xi32> to vector<16xf32>
        %add3A_499 = arith.addf %add3A_484, %bitcast3A_498 : vector<16xf32>
        %and3A_500 = arith.andi %get3A_494, %broadcast_in_dim3A_426 : vector<16xi32>
        %bitcast3A_501 = vector.bitcast %and3A_500 : vector<16xi32> to vector<16xf32>
        %add3A_502 = arith.addf %add3A_487, %bitcast3A_501 : vector<16xf32>
        %scan3A_503 = arith.constant 4 : i32
        %scan3A_504 = arith.addi %scan3A_446, %scan3A_503 : i32
        %get3A_505 = arith.constant 3 : i32
        %get3A_506 = arith.index_cast %get3A_505 : i32 to index
        %get3A_507 = arith.index_cast %scan3A_504 : i32 to index
        %get3A_508 = arith.constant 0 : index
        %get3A_509 = tpu.vector_load %arg6[%get3A_506, %get3A_507, %get3A_508] {strides = array<i32>} : memref<4x200x16xi32, #tpu.memory_space<vmem>>, vector<16xi32>,
        %shift_left3A_510 = arith.constant 16 : i32
        %shift_left3A_511 = vector.broadcast %shift_left3A_510 : i32 to vector<16xi32>
        %shift_left3A_512 = arith.shli %get3A_509, %shift_left3A_511 : vector<16xi32>
        %bitcast3A_513 = vector.bitcast %shift_left3A_512 : vector<16xi32> to vector<16xf32>
        %add3A_514 = arith.addf %add3A_499, %bitcast3A_513 : vector<16xf32>
        %and3A_515 = arith.andi %get3A_509, %broadcast_in_dim3A_426 : vector<16xi32>
        %bitcast3A_516 = vector.bitcast %and3A_515 : vector<16xi32> to vector<16xf32>
        %add3A_517 = arith.addf %add3A_502, %bitcast3A_516 : vector<16xf32>
        %scan3A_518 = arith.constant 5 : i32
        %scan3A_519 = arith.addi %scan3A_446, %scan3A_518 : i32
        %get3A_520 = arith.constant 3 : i32
        %get3A_521 = arith.index_cast %get3A_520 : i32 to index
        %get3A_522 = arith.index_cast %scan3A_519 : i32 to index
        %get3A_523 = arith.constant 0 : index
        %get3A_524 = tpu.vector_load %arg6[%get3A_521, %get3A_522, %get3A_523] {strides = array<i32>} : memref<4x200x16xi32, #tpu.memory_space<vmem>>, vector<16xi32>,
        %shift_left3A_525 = arith.constant 16 : i32
        %shift_left3A_526 = vector.broadcast %shift_left3A_525 : i32 to vector<16xi32>
        %shift_left3A_527 = arith.shli %get3A_524, %shift_left3A_526 : vector<16xi32>
        %bitcast3A_528 = vector.bitcast %shift_left3A_527 : vector<16xi32> to vector<16xf32>
        %add3A_529 = arith.addf %add3A_514, %bitcast3A_528 : vector<16xf32>
        %and3A_530 = arith.andi %get3A_524, %broadcast_in_dim3A_426 : vector<16xi32>
        %bitcast3A_531 = vector.bitcast %and3A_530 : vector<16xi32> to vector<16xf32>
        %add3A_532 = arith.addf %add3A_517, %bitcast3A_531 : vector<16xf32>
        %scan3A_533 = arith.constant 6 : i32
        %scan3A_534 = arith.addi %scan3A_446, %scan3A_533 : i32
        %get3A_535 = arith.constant 3 : i32
        %get3A_536 = arith.index_cast %get3A_535 : i32 to index
        %get3A_537 = arith.index_cast %scan3A_534 : i32 to index
        %get3A_538 = arith.constant 0 : index
        %get3A_539 = tpu.vector_load %arg6[%get3A_536, %get3A_537, %get3A_538] {strides = array<i32>} : memref<4x200x16xi32, #tpu.memory_space<vmem>>, vector<16xi32>,
        %shift_left3A_540 = arith.constant 16 : i32
        %shift_left3A_541 = vector.broadcast %shift_left3A_540 : i32 to vector<16xi32>
        %shift_left3A_542 = arith.shli %get3A_539, %shift_left3A_541 : vector<16xi32>
        %bitcast3A_543 = vector.bitcast %shift_left3A_542 : vector<16xi32> to vector<16xf32>
        %add3A_544 = arith.addf %add3A_529, %bitcast3A_543 : vector<16xf32>
        %and3A_545 = arith.andi %get3A_539, %broadcast_in_dim3A_426 : vector<16xi32>
        %bitcast3A_546 = vector.bitcast %and3A_545 : vector<16xi32> to vector<16xf32>
        %add3A_547 = arith.addf %add3A_532, %bitcast3A_546 : vector<16xf32>
        %scan3A_548 = arith.constant 7 : i32
        %scan3A_549 = arith.addi %scan3A_446, %scan3A_548 : i32
        %get3A_550 = arith.constant 3 : i32
        %get3A_551 = arith.index_cast %get3A_550 : i32 to index
        %get3A_552 = arith.index_cast %scan3A_549 : i32 to index
        %get3A_553 = arith.constant 0 : index
        %get3A_554 = tpu.vector_load %arg6[%get3A_551, %get3A_552, %get3A_553] {strides = array<i32>} : memref<4x200x16xi32, #tpu.memory_space<vmem>>, vector<16xi32>,
        %shift_left3A_555 = arith.constant 16 : i32
        %shift_left3A_556 = vector.broadcast %shift_left3A_555 : i32 to vector<16xi32>
        %shift_left3A_557 = arith.shli %get3A_554, %shift_left3A_556 : vector<16xi32>
        %bitcast3A_558 = vector.bitcast %shift_left3A_557 : vector<16xi32> to vector<16xf32>
        %add3A_559 = arith.addf %add3A_544, %bitcast3A_558 : vector<16xf32>
        %and3A_560 = arith.andi %get3A_554, %broadcast_in_dim3A_426 : vector<16xi32>
        %bitcast3A_561 = vector.bitcast %and3A_560 : vector<16xi32> to vector<16xf32>
        %add3A_562 = arith.addf %add3A_547, %bitcast3A_561 : vector<16xf32>
        scf.yield %add3A_559, %add3A_562 : vector<16xf32>, vector<16xf32>
      }
      %scan3A_432 = arith.constant 200 : i32
      %mul3A_433 = arith.constant 5.000000e-03 : f32
      %mul3A_434 = vector.broadcast %mul3A_433 : f32 to vector<16xf32>
      %mul3A_435 = arith.mulf %scan3A_431#0, %mul3A_434 : vector<16xf32>
      %swap3A_436 = arith.index_cast %add3A_422 : i32 to index
      %swap3A_437 = arith.constant 0 : index
      %swap3A_438 = tpu.vector_load %arg7[%swap3A_436, %swap3A_437] {strides = array<i32>} : memref<512x32xf32, #tpu.memory_space<vmem>>, vector<16xf32>,
      tpu.vector_store %arg7[%swap3A_436, %swap3A_437], %mul3A_435 {strides = array<i32>} : memref<512x32xf32, #tpu.memory_space<vmem>>, vector<16xf32>,
      %mul3A_439 = arith.constant 5.000000e-03 : f32
      %mul3A_440 = vector.broadcast %mul3A_439 : f32 to vector<16xf32>
      %mul3A_441 = arith.mulf %scan3A_431#1, %mul3A_440 : vector<16xf32>
      %swap3A_442 = arith.index_cast %add3A_422 : i32 to index
      %swap3A_443 = arith.constant 16 : index
      %swap3A_444 = tpu.vector_load %arg7[%swap3A_442, %swap3A_443] {strides = array<i32>} : memref<512x32xf32, #tpu.memory_space<vmem>>, vector<16xf32>,
      tpu.vector_store %arg7[%swap3A_442, %swap3A_443], %mul3A_441 {strides = array<i32>} : memref<512x32xf32, #tpu.memory_space<vmem>>, vector<16xf32>,
      %scan3A_445 = arith.constant 0 : i32
      scf.yield %scan3A_445 : i32
    }
    %scan3A_105 = arith.constant 64 : i32
    %add3A_106 = arith.constant 256 : i32
    %add3A_107 = arith.addi %mul3A_2, %add3A_106 : i32
    "tpu.region"() ({
      %run_scoped3A = tpu.sem_alloc : memref<!tpu.dma_semaphore, #tpu.memory_space<semaphore_mem>>
      %dma_start3A_211 = arith.constant 0 : i32
      %dma_start3A_212 = tpu.memref_slice %arg2[%add3A_107, %dma_start3A_211] : memref<16384x200xi32, #tpu.memory_space<hbm>> -> memref<256x200xi32, #tpu.memory_space<hbm>>
      %dma_start3A_213 = arith.constant 0 : i32
      %dma_start3A_214 = tpu.memref_slice %arg2[%add3A_107, %dma_start3A_213] : memref<16384x200xi32, #tpu.memory_space<hbm>> -> memref<256x200xi32, #tpu.memory_space<hbm>>
      tpu.enqueue_dma source(%dma_start3A_214 : memref<256x200xi32, #tpu.memory_space<hbm>>) target(%arg5 : memref<256x200xi32, #tpu.memory_space<vmem>>) target_semaphore(%run_scoped3A : memref<!tpu.dma_semaphore, #tpu.memory_space<semaphore_mem>>)
      %dma_wait3A = arith.constant 0 : i32
      %dma_wait3A_215 = tpu.memref_slice %arg2[%add3A_107, %dma_wait3A] : memref<16384x200xi32, #tpu.memory_space<hbm>> -> memref<256x200xi32, #tpu.memory_space<hbm>>
      %dma_wait3A_216 = arith.constant 0 : i32
      %dma_wait3A_217 = tpu.memref_slice %arg2[%add3A_107, %dma_wait3A_216] : memref<16384x200xi32, #tpu.memory_space<hbm>> -> memref<256x200xi32, #tpu.memory_space<hbm>>
      tpu.wait_dma2 semaphore(%run_scoped3A : memref<!tpu.dma_semaphore, #tpu.memory_space<semaphore_mem>>) src(%dma_wait3A_217 : memref<256x200xi32, #tpu.memory_space<hbm>>) dst(%arg5 : memref<256x200xi32, #tpu.memory_space<vmem>>)
      tpu.yield
    }) : () -> ()
    %dma_start3A_108 = arith.constant 0 : i32
    %dma_start3A_109 = arith.constant 0 : i32
    %dma_start3A_110 = arith.constant 0 : i32
    %dma_start3A_111 = arith.constant 0 : i32
    %dma_start3A_112 = tpu.memref_slice %arg6[%dma_start3A_109, %dma_start3A_110, %dma_start3A_111] : memref<4x200x16xi32, #tpu.memory_space<vmem>> -> memref<1x96x16xi32, #tpu.memory_space<vmem>>
    %dma_start3A_113 = tpu.memref_squeeze %dma_start3A_112 : memref<1x96x16xi32, #tpu.memory_space<vmem>> -> memref<96x16xi32, #tpu.memory_space<vmem>>
    %dma_start3A_114 = arith.constant 0 : i32
    %dma_start3A_115 = tpu.memref_slice %arg5[%dma_start3A_108, %dma_start3A_114] : memref<256x200xi32, #tpu.memory_space<vmem>> -> memref<1x96xi32, #tpu.memory_space<vmem>>
    %dma_start3A_116 = tpu.memref_squeeze %dma_start3A_115 : memref<1x96xi32, #tpu.memory_space<vmem>> -> memref<96xi32, #tpu.memory_space<vmem>>
    %dma_start3A_117 = arith.constant 0 : i32
    %dma_start3A_118 = arith.constant 0 : i32
    %dma_start3A_119 = tpu.memref_slice %arg3[%dma_start3A_117, %dma_start3A_118] : memref<1000000x16xi32, #tpu.memory_space<hbm>> -> memref<1000000x16xi32, #tpu.memory_space<hbm>>
    tpu.enqueue_indirect_dma source(%dma_start3A_119 : memref<1000000x16xi32, #tpu.memory_space<hbm>>) target(%dma_start3A_113 : memref<96x16xi32, #tpu.memory_space<vmem>>) offsets(%dma_start3A_116 : memref<96xi32, #tpu.memory_space<vmem>>) semaphore(%arg8 : memref<!tpu.dma_semaphore, #tpu.memory_space<semaphore_mem>>)
    %dma_start3A_120 = arith.constant 0 : i32
    %dma_start3A_121 = arith.constant 0 : i32
    %dma_start3A_122 = arith.constant 96 : i32
    %dma_start3A_123 = arith.constant 0 : i32
    %dma_start3A_124 = tpu.memref_slice %arg6[%dma_start3A_121, %dma_start3A_122, %dma_start3A_123] : memref<4x200x16xi32, #tpu.memory_space<vmem>> -> memref<1x104x16xi32, #tpu.memory_space<vmem>>
    %dma_start3A_125 = tpu.memref_squeeze %dma_start3A_124 : memref<1x104x16xi32, #tpu.memory_space<vmem>> -> memref<104x16xi32, #tpu.memory_space<vmem>>
    %dma_start3A_126 = arith.constant 96 : i32
    %dma_start3A_127 = tpu.memref_slice %arg5[%dma_start3A_120, %dma_start3A_126] : memref<256x200xi32, #tpu.memory_space<vmem>> -> memref<1x104xi32, #tpu.memory_space<vmem>>
    %dma_start3A_128 = tpu.memref_squeeze %dma_start3A_127 : memref<1x104xi32, #tpu.memory_space<vmem>> -> memref<104xi32, #tpu.memory_space<vmem>>
    %dma_start3A_129 = arith.constant 0 : i32
    %dma_start3A_130 = arith.constant 0 : i32
    %dma_start3A_131 = tpu.memref_slice %arg3[%dma_start3A_129, %dma_start3A_130] : memref<1000000x16xi32, #tpu.memory_space<hbm>> -> memref<1000000x16xi32, #tpu.memory_space<hbm>>
    tpu.enqueue_indirect_dma source(%dma_start3A_131 : memref<1000000x16xi32, #tpu.memory_space<hbm>>) target(%dma_start3A_125 : memref<104x16xi32, #tpu.memory_space<vmem>>) offsets(%dma_start3A_128 : memref<104xi32, #tpu.memory_space<vmem>>) semaphore(%arg8 : memref<!tpu.dma_semaphore, #tpu.memory_space<semaphore_mem>>)
    %dma_start3A_132 = arith.constant 1 : i32
    %dma_start3A_133 = arith.constant 1 : i32
    %dma_start3A_134 = arith.constant 0 : i32
    %dma_start3A_135 = arith.constant 0 : i32
    %dma_start3A_136 = tpu.memref_slice %arg6[%dma_start3A_133, %dma_start3A_134, %dma_start3A_135] : memref<4x200x16xi32, #tpu.memory_space<vmem>> -> memref<1x96x16xi32, #tpu.memory_space<vmem>>
    %dma_start3A_137 = tpu.memref_squeeze %dma_start3A_136 : memref<1x96x16xi32, #tpu.memory_space<vmem>> -> memref<96x16xi32, #tpu.memory_space<vmem>>
    %dma_start3A_138 = arith.constant 0 : i32
    %dma_start3A_139 = tpu.memref_slice %arg5[%dma_start3A_132, %dma_start3A_138] : memref<256x200xi32, #tpu.memory_space<vmem>> -> memref<1x96xi32, #tpu.memory_space<vmem>>
    %dma_start3A_140 = tpu.memref_squeeze %dma_start3A_139 : memref<1x96xi32, #tpu.memory_space<vmem>> -> memref<96xi32, #tpu.memory_space<vmem>>
    %dma_start3A_141 = arith.constant 0 : i32
    %dma_start3A_142 = arith.constant 0 : i32
    %dma_start3A_143 = tpu.memref_slice %arg3[%dma_start3A_141, %dma_start3A_142] : memref<1000000x16xi32, #tpu.memory_space<hbm>> -> memref<1000000x16xi32, #tpu.memory_space<hbm>>
    tpu.enqueue_indirect_dma source(%dma_start3A_143 : memref<1000000x16xi32, #tpu.memory_space<hbm>>) target(%dma_start3A_137 : memref<96x16xi32, #tpu.memory_space<vmem>>) offsets(%dma_start3A_140 : memref<96xi32, #tpu.memory_space<vmem>>) semaphore(%arg9 : memref<!tpu.dma_semaphore, #tpu.memory_space<semaphore_mem>>)
    %dma_start3A_144 = arith.constant 1 : i32
    %dma_start3A_145 = arith.constant 1 : i32
    %dma_start3A_146 = arith.constant 96 : i32
    %dma_start3A_147 = arith.constant 0 : i32
    %dma_start3A_148 = tpu.memref_slice %arg6[%dma_start3A_145, %dma_start3A_146, %dma_start3A_147] : memref<4x200x16xi32, #tpu.memory_space<vmem>> -> memref<1x104x16xi32, #tpu.memory_space<vmem>>
    %dma_start3A_149 = tpu.memref_squeeze %dma_start3A_148 : memref<1x104x16xi32, #tpu.memory_space<vmem>> -> memref<104x16xi32, #tpu.memory_space<vmem>>
    %dma_start3A_150 = arith.constant 96 : i32
    %dma_start3A_151 = tpu.memref_slice %arg5[%dma_start3A_144, %dma_start3A_150] : memref<256x200xi32, #tpu.memory_space<vmem>> -> memref<1x104xi32, #tpu.memory_space<vmem>>
    %dma_start3A_152 = tpu.memref_squeeze %dma_start3A_151 : memref<1x104xi32, #tpu.memory_space<vmem>> -> memref<104xi32, #tpu.memory_space<vmem>>
    %dma_start3A_153 = arith.constant 0 : i32
    %dma_start3A_154 = arith.constant 0 : i32
    %dma_start3A_155 = tpu.memref_slice %arg3[%dma_start3A_153, %dma_start3A_154] : memref<1000000x16xi32, #tpu.memory_space<hbm>> -> memref<1000000x16xi32, #tpu.memory_space<hbm>>
    tpu.enqueue_indirect_dma source(%dma_start3A_155 : memref<1000000x16xi32, #tpu.memory_space<hbm>>) target(%dma_start3A_149 : memref<104x16xi32, #tpu.memory_space<vmem>>) offsets(%dma_start3A_152 : memref<104xi32, #tpu.memory_space<vmem>>) semaphore(%arg9 : memref<!tpu.dma_semaphore, #tpu.memory_space<semaphore_mem>>)
    %dma_start3A_156 = arith.constant 2 : i32
    %dma_start3A_157 = arith.constant 2 : i32
    %dma_start3A_158 = arith.constant 0 : i32
    %dma_start3A_159 = arith.constant 0 : i32
    %dma_start3A_160 = tpu.memref_slice %arg6[%dma_start3A_157, %dma_start3A_158, %dma_start3A_159] : memref<4x200x16xi32, #tpu.memory_space<vmem>> -> memref<1x96x16xi32, #tpu.memory_space<vmem>>
    %dma_start3A_161 = tpu.memref_squeeze %dma_start3A_160 : memref<1x96x16xi32, #tpu.memory_space<vmem>> -> memref<96x16xi32, #tpu.memory_space<vmem>>
    %dma_start3A_162 = arith.constant 0 : i32
    %dma_start3A_163 = tpu.memref_slice %arg5[%dma_start3A_156, %dma_start3A_162] : memref<256x200xi32, #tpu.memory_space<vmem>> -> memref<1x96xi32, #tpu.memory_space<vmem>>
    %dma_start3A_164 = tpu.memref_squeeze %dma_start3A_163 : memref<1x96xi32, #tpu.memory_space<vmem>> -> memref<96xi32, #tpu.memory_space<vmem>>
    %dma_start3A_165 = arith.constant 0 : i32
    %dma_start3A_166 = arith.constant 0 : i32
    %dma_start3A_167 = tpu.memref_slice %arg3[%dma_start3A_165, %dma_start3A_166] : memref<1000000x16xi32, #tpu.memory_space<hbm>> -> memref<1000000x16xi32, #tpu.memory_space<hbm>>
    tpu.enqueue_indirect_dma source(%dma_start3A_167 : memref<1000000x16xi32, #tpu.memory_space<hbm>>) target(%dma_start3A_161 : memref<96x16xi32, #tpu.memory_space<vmem>>) offsets(%dma_start3A_164 : memref<96xi32, #tpu.memory_space<vmem>>) semaphore(%arg10 : memref<!tpu.dma_semaphore, #tpu.memory_space<semaphore_mem>>)
    %dma_start3A_168 = arith.constant 2 : i32
    %dma_start3A_169 = arith.constant 2 : i32
    %dma_start3A_170 = arith.constant 96 : i32
    %dma_start3A_171 = arith.constant 0 : i32
    %dma_start3A_172 = tpu.memref_slice %arg6[%dma_start3A_169, %dma_start3A_170, %dma_start3A_171] : memref<4x200x16xi32, #tpu.memory_space<vmem>> -> memref<1x104x16xi32, #tpu.memory_space<vmem>>
    %dma_start3A_173 = tpu.memref_squeeze %dma_start3A_172 : memref<1x104x16xi32, #tpu.memory_space<vmem>> -> memref<104x16xi32, #tpu.memory_space<vmem>>
    %dma_start3A_174 = arith.constant 96 : i32
    %dma_start3A_175 = tpu.memref_slice %arg5[%dma_start3A_168, %dma_start3A_174] : memref<256x200xi32, #tpu.memory_space<vmem>> -> memref<1x104xi32, #tpu.memory_space<vmem>>
    %dma_start3A_176 = tpu.memref_squeeze %dma_start3A_175 : memref<1x104xi32, #tpu.memory_space<vmem>> -> memref<104xi32, #tpu.memory_space<vmem>>
    %dma_start3A_177 = arith.constant 0 : i32
    %dma_start3A_178 = arith.constant 0 : i32
    %dma_start3A_179 = tpu.memref_slice %arg3[%dma_start3A_177, %dma_start3A_178] : memref<1000000x16xi32, #tpu.memory_space<hbm>> -> memref<1000000x16xi32, #tpu.memory_space<hbm>>
    tpu.enqueue_indirect_dma source(%dma_start3A_179 : memref<1000000x16xi32, #tpu.memory_space<hbm>>) target(%dma_start3A_173 : memref<104x16xi32, #tpu.memory_space<vmem>>) offsets(%dma_start3A_176 : memref<104xi32, #tpu.memory_space<vmem>>) semaphore(%arg10 : memref<!tpu.dma_semaphore, #tpu.memory_space<semaphore_mem>>)
    %dma_start3A_180 = arith.constant 3 : i32
    %dma_start3A_181 = arith.constant 3 : i32
    %dma_start3A_182 = arith.constant 0 : i32
    %dma_start3A_183 = arith.constant 0 : i32
    %dma_start3A_184 = tpu.memref_slice %arg6[%dma_start3A_181, %dma_start3A_182, %dma_start3A_183] : memref<4x200x16xi32, #tpu.memory_space<vmem>> -> memref<1x96x16xi32, #tpu.memory_space<vmem>>
    %dma_start3A_185 = tpu.memref_squeeze %dma_start3A_184 : memref<1x96x16xi32, #tpu.memory_space<vmem>> -> memref<96x16xi32, #tpu.memory_space<vmem>>
    %dma_start3A_186 = arith.constant 0 : i32
    %dma_start3A_187 = tpu.memref_slice %arg5[%dma_start3A_180, %dma_start3A_186] : memref<256x200xi32, #tpu.memory_space<vmem>> -> memref<1x96xi32, #tpu.memory_space<vmem>>
    %dma_start3A_188 = tpu.memref_squeeze %dma_start3A_187 : memref<1x96xi32, #tpu.memory_space<vmem>> -> memref<96xi32, #tpu.memory_space<vmem>>
    %dma_start3A_189 = arith.constant 0 : i32
    %dma_start3A_190 = arith.constant 0 : i32
    %dma_start3A_191 = tpu.memref_slice %arg3[%dma_start3A_189, %dma_start3A_190] : memref<1000000x16xi32, #tpu.memory_space<hbm>> -> memref<1000000x16xi32, #tpu.memory_space<hbm>>
    tpu.enqueue_indirect_dma source(%dma_start3A_191 : memref<1000000x16xi32, #tpu.memory_space<hbm>>) target(%dma_start3A_185 : memref<96x16xi32, #tpu.memory_space<vmem>>) offsets(%dma_start3A_188 : memref<96xi32, #tpu.memory_space<vmem>>) semaphore(%arg11 : memref<!tpu.dma_semaphore, #tpu.memory_space<semaphore_mem>>)
    %dma_start3A_192 = arith.constant 3 : i32
    %dma_start3A_193 = arith.constant 3 : i32
    %dma_start3A_194 = arith.constant 96 : i32
    %dma_start3A_195 = arith.constant 0 : i32
    %dma_start3A_196 = tpu.memref_slice %arg6[%dma_start3A_193, %dma_start3A_194, %dma_start3A_195] : memref<4x200x16xi32, #tpu.memory_space<vmem>> -> memref<1x104x16xi32, #tpu.memory_space<vmem>>
    %dma_start3A_197 = tpu.memref_squeeze %dma_start3A_196 : memref<1x104x16xi32, #tpu.memory_space<vmem>> -> memref<104x16xi32, #tpu.memory_space<vmem>>
    %dma_start3A_198 = arith.constant 96 : i32
    %dma_start3A_199 = tpu.memref_slice %arg5[%dma_start3A_192, %dma_start3A_198] : memref<256x200xi32, #tpu.memory_space<vmem>> -> memref<1x104xi32, #tpu.memory_space<vmem>>
    %dma_start3A_200 = tpu.memref_squeeze %dma_start3A_199 : memref<1x104xi32, #tpu.memory_space<vmem>> -> memref<104xi32, #tpu.memory_space<vmem>>
    %dma_start3A_201 = arith.constant 0 : i32
    %dma_start3A_202 = arith.constant 0 : i32
    %dma_start3A_203 = tpu.memref_slice %arg3[%dma_start3A_201, %dma_start3A_202] : memref<1000000x16xi32, #tpu.memory_space<hbm>> -> memref<1000000x16xi32, #tpu.memory_space<hbm>>
    tpu.enqueue_indirect_dma source(%dma_start3A_203 : memref<1000000x16xi32, #tpu.memory_space<hbm>>) target(%dma_start3A_197 : memref<104x16xi32, #tpu.memory_space<vmem>>) offsets(%dma_start3A_200 : memref<104xi32, #tpu.memory_space<vmem>>) semaphore(%arg11 : memref<!tpu.dma_semaphore, #tpu.memory_space<semaphore_mem>>)
    %scan3A_204 = arith.constant 0 : i32
    %scan3A_205 = arith.constant 0 : i32
    %scan3A_206 = arith.constant 64 : i32
    %scan3A_207 = arith.addi %scan3A_205, %scan3A_206 : i32
    %scan3A_208 = arith.constant 1 : i32
    %scan3A_209 = scf.for %scan3A_211 = %scan3A_205 to %scan3A_207 step %scan3A_208 iter_args(%scan3A_212 = %scan3A_204) -> (i32)  : i32 {
      %mul3A_213 = arith.constant 4 : i32
      %mul3A_214 = arith.muli %mul3A_213, %scan3A_211 : i32
      %dma_wait3A = arith.constant 0 : i32
      %dma_wait3A_215 = arith.constant 0 : i32
      %dma_wait3A_216 = arith.constant 0 : i32
      %dma_wait3A_217 = arith.constant 0 : i32
      %dma_wait3A_218 = tpu.memref_slice %arg6[%dma_wait3A_215, %dma_wait3A_216, %dma_wait3A_217] : memref<4x200x16xi32, #tpu.memory_space<vmem>> -> memref<1x96x16xi32, #tpu.memory_space<vmem>>
      %dma_wait3A_219 = tpu.memref_squeeze %dma_wait3A_218 : memref<1x96x16xi32, #tpu.memory_space<vmem>> -> memref<96x16xi32, #tpu.memory_space<vmem>>
      %dma_wait3A_220 = arith.constant 0 : i32
      %dma_wait3A_221 = tpu.memref_slice %arg5[%dma_wait3A, %dma_wait3A_220] : memref<256x200xi32, #tpu.memory_space<vmem>> -> memref<1x96xi32, #tpu.memory_space<vmem>>
      %dma_wait3A_222 = tpu.memref_squeeze %dma_wait3A_221 : memref<1x96xi32, #tpu.memory_space<vmem>> -> memref<96xi32, #tpu.memory_space<vmem>>
      %dma_wait3A_223 = arith.constant 0 : i32
      %dma_wait3A_224 = arith.constant 0 : i32
      %dma_wait3A_225 = tpu.memref_slice %arg3[%dma_wait3A_223, %dma_wait3A_224] : memref<1000000x16xi32, #tpu.memory_space<hbm>> -> memref<1000000x16xi32, #tpu.memory_space<hbm>>
      tpu.wait_indirect_dma semaphore(%arg8 : memref<!tpu.dma_semaphore, #tpu.memory_space<semaphore_mem>>) src(%dma_wait3A_225 : memref<1000000x16xi32, #tpu.memory_space<hbm>>) dst(%dma_wait3A_219 : memref<96x16xi32, #tpu.memory_space<vmem>>)
      %dma_wait3A_226 = arith.constant 0 : i32
      %dma_wait3A_227 = arith.constant 0 : i32
      %dma_wait3A_228 = arith.constant 96 : i32
      %dma_wait3A_229 = arith.constant 0 : i32
      %dma_wait3A_230 = tpu.memref_slice %arg6[%dma_wait3A_227, %dma_wait3A_228, %dma_wait3A_229] : memref<4x200x16xi32, #tpu.memory_space<vmem>> -> memref<1x104x16xi32, #tpu.memory_space<vmem>>
      %dma_wait3A_231 = tpu.memref_squeeze %dma_wait3A_230 : memref<1x104x16xi32, #tpu.memory_space<vmem>> -> memref<104x16xi32, #tpu.memory_space<vmem>>
      %dma_wait3A_232 = arith.constant 96 : i32
      %dma_wait3A_233 = tpu.memref_slice %arg5[%dma_wait3A_226, %dma_wait3A_232] : memref<256x200xi32, #tpu.memory_space<vmem>> -> memref<1x104xi32, #tpu.memory_space<vmem>>
      %dma_wait3A_234 = tpu.memref_squeeze %dma_wait3A_233 : memref<1x104xi32, #tpu.memory_space<vmem>> -> memref<104xi32, #tpu.memory_space<vmem>>
      %dma_wait3A_235 = arith.constant 0 : i32
      %dma_wait3A_236 = arith.constant 0 : i32
      %dma_wait3A_237 = tpu.memref_slice %arg3[%dma_wait3A_235, %dma_wait3A_236] : memref<1000000x16xi32, #tpu.memory_space<hbm>> -> memref<1000000x16xi32, #tpu.memory_space<hbm>>
      tpu.wait_indirect_dma semaphore(%arg8 : memref<!tpu.dma_semaphore, #tpu.memory_space<semaphore_mem>>) src(%dma_wait3A_237 : memref<1000000x16xi32, #tpu.memory_space<hbm>>) dst(%dma_wait3A_231 : memref<104x16xi32, #tpu.memory_space<vmem>>)
      %add3A_238 = arith.constant 0 : i32
      %add3A_239 = arith.addi %mul3A_214, %add3A_238 : i32
      %add3A_240 = arith.constant 4 : i32
      %add3A_241 = arith.addi %add3A_239, %add3A_240 : i32
      %lt3A = arith.constant 256 : i32
      %lt3A_242 = arith.cmpi slt, %add3A_241, %lt3A : i32
      %convert_element_type3A = arith.extui %lt3A_242 : i1 to i32
      %cond3A = arith.constant 0 : i32
      %cond3A_243 = arith.cmpi ne, %convert_element_type3A, %cond3A : i32
      scf.if %cond3A_243 {
        %add3A_446 = arith.constant 0 : i32
        %add3A_447 = arith.addi %mul3A_214, %add3A_446 : i32
        %add3A_448 = arith.constant 4 : i32
        %add3A_449 = arith.addi %add3A_447, %add3A_448 : i32
        %dma_start3A_450 = arith.constant 0 : i32
        %dma_start3A_451 = arith.constant 0 : i32
        %dma_start3A_452 = arith.constant 0 : i32
        %dma_start3A_453 = tpu.memref_slice %arg6[%dma_start3A_450, %dma_start3A_451, %dma_start3A_452] : memref<4x200x16xi32, #tpu.memory_space<vmem>> -> memref<1x96x16xi32, #tpu.memory_space<vmem>>
        %dma_start3A_454 = tpu.memref_squeeze %dma_start3A_453 : memref<1x96x16xi32, #tpu.memory_space<vmem>> -> memref<96x16xi32, #tpu.memory_space<vmem>>
        %dma_start3A_455 = arith.constant 0 : i32
        %dma_start3A_456 = tpu.memref_slice %arg5[%add3A_449, %dma_start3A_455] : memref<256x200xi32, #tpu.memory_space<vmem>> -> memref<1x96xi32, #tpu.memory_space<vmem>>
        %dma_start3A_457 = tpu.memref_squeeze %dma_start3A_456 : memref<1x96xi32, #tpu.memory_space<vmem>> -> memref<96xi32, #tpu.memory_space<vmem>>
        %dma_start3A_458 = arith.constant 0 : i32
        %dma_start3A_459 = arith.constant 0 : i32
        %dma_start3A_460 = tpu.memref_slice %arg3[%dma_start3A_458, %dma_start3A_459] : memref<1000000x16xi32, #tpu.memory_space<hbm>> -> memref<1000000x16xi32, #tpu.memory_space<hbm>>
        tpu.enqueue_indirect_dma source(%dma_start3A_460 : memref<1000000x16xi32, #tpu.memory_space<hbm>>) target(%dma_start3A_454 : memref<96x16xi32, #tpu.memory_space<vmem>>) offsets(%dma_start3A_457 : memref<96xi32, #tpu.memory_space<vmem>>) semaphore(%arg8 : memref<!tpu.dma_semaphore, #tpu.memory_space<semaphore_mem>>)
        %dma_start3A_461 = arith.constant 0 : i32
        %dma_start3A_462 = arith.constant 96 : i32
        %dma_start3A_463 = arith.constant 0 : i32
        %dma_start3A_464 = tpu.memref_slice %arg6[%dma_start3A_461, %dma_start3A_462, %dma_start3A_463] : memref<4x200x16xi32, #tpu.memory_space<vmem>> -> memref<1x104x16xi32, #tpu.memory_space<vmem>>
        %dma_start3A_465 = tpu.memref_squeeze %dma_start3A_464 : memref<1x104x16xi32, #tpu.memory_space<vmem>> -> memref<104x16xi32, #tpu.memory_space<vmem>>
        %dma_start3A_466 = arith.constant 96 : i32
        %dma_start3A_467 = tpu.memref_slice %arg5[%add3A_449, %dma_start3A_466] : memref<256x200xi32, #tpu.memory_space<vmem>> -> memref<1x104xi32, #tpu.memory_space<vmem>>
        %dma_start3A_468 = tpu.memref_squeeze %dma_start3A_467 : memref<1x104xi32, #tpu.memory_space<vmem>> -> memref<104xi32, #tpu.memory_space<vmem>>
        %dma_start3A_469 = arith.constant 0 : i32
        %dma_start3A_470 = arith.constant 0 : i32
        %dma_start3A_471 = tpu.memref_slice %arg3[%dma_start3A_469, %dma_start3A_470] : memref<1000000x16xi32, #tpu.memory_space<hbm>> -> memref<1000000x16xi32, #tpu.memory_space<hbm>>
        tpu.enqueue_indirect_dma source(%dma_start3A_471 : memref<1000000x16xi32, #tpu.memory_space<hbm>>) target(%dma_start3A_465 : memref<104x16xi32, #tpu.memory_space<vmem>>) offsets(%dma_start3A_468 : memref<104xi32, #tpu.memory_space<vmem>>) semaphore(%arg8 : memref<!tpu.dma_semaphore, #tpu.memory_space<semaphore_mem>>)
      } else {
      }
      %add3A_244 = arith.constant 256 : i32
      %add3A_245 = arith.addi %add3A_244, %mul3A_214 : i32
      %add3A_246 = arith.constant 0 : i32
      %add3A_247 = arith.addi %add3A_245, %add3A_246 : i32
      %broadcast_in_dim3A = arith.constant 0.000000e+00 : f32
      %broadcast_in_dim3A_248 = vector.broadcast %broadcast_in_dim3A : f32 to vector<16xf32>
      %broadcast_in_dim3A_249 = arith.constant -65536 : i32
      %broadcast_in_dim3A_250 = vector.broadcast %broadcast_in_dim3A_249 : i32 to vector<16xi32>
      %scan3A_251 = arith.constant 0 : i32
      %scan3A_252 = arith.constant 200 : i32
      %scan3A_253 = arith.addi %scan3A_251, %scan3A_252 : i32
      %scan3A_254 = arith.constant 8 : i32
      %scan3A_255:2 = scf.for %scan3A_446 = %scan3A_251 to %scan3A_253 step %scan3A_254 iter_args(%scan3A_447 = %broadcast_in_dim3A_248, %scan3A_448 = %broadcast_in_dim3A_248) -> (vector<16xf32>, vector<16xf32>)  : i32 {
        %get3A = arith.constant 0 : i32
        %get3A_449 = arith.index_cast %get3A : i32 to index
        %get3A_450 = arith.index_cast %scan3A_446 : i32 to index
        %get3A_451 = arith.constant 0 : index
        %get3A_452 = tpu.vector_load %arg6[%get3A_449, %get3A_450, %get3A_451] {strides = array<i32>} : memref<4x200x16xi32, #tpu.memory_space<vmem>>, vector<16xi32>,
        %shift_left3A = arith.constant 16 : i32
        %shift_left3A_453 = vector.broadcast %shift_left3A : i32 to vector<16xi32>
        %shift_left3A_454 = arith.shli %get3A_452, %shift_left3A_453 : vector<16xi32>
        %bitcast3A = vector.bitcast %shift_left3A_454 : vector<16xi32> to vector<16xf32>
        %add3A_455 = arith.addf %scan3A_447, %bitcast3A : vector<16xf32>
        %and3A = arith.andi %get3A_452, %broadcast_in_dim3A_250 : vector<16xi32>
        %bitcast3A_456 = vector.bitcast %and3A : vector<16xi32> to vector<16xf32>
        %add3A_457 = arith.addf %scan3A_448, %bitcast3A_456 : vector<16xf32>
        %scan3A_458 = arith.constant 1 : i32
        %scan3A_459 = arith.addi %scan3A_446, %scan3A_458 : i32
        %get3A_460 = arith.constant 0 : i32
        %get3A_461 = arith.index_cast %get3A_460 : i32 to index
        %get3A_462 = arith.index_cast %scan3A_459 : i32 to index
        %get3A_463 = arith.constant 0 : index
        %get3A_464 = tpu.vector_load %arg6[%get3A_461, %get3A_462, %get3A_463] {strides = array<i32>} : memref<4x200x16xi32, #tpu.memory_space<vmem>>, vector<16xi32>,
        %shift_left3A_465 = arith.constant 16 : i32
        %shift_left3A_466 = vector.broadcast %shift_left3A_465 : i32 to vector<16xi32>
        %shift_left3A_467 = arith.shli %get3A_464, %shift_left3A_466 : vector<16xi32>
        %bitcast3A_468 = vector.bitcast %shift_left3A_467 : vector<16xi32> to vector<16xf32>
        %add3A_469 = arith.addf %add3A_455, %bitcast3A_468 : vector<16xf32>
        %and3A_470 = arith.andi %get3A_464, %broadcast_in_dim3A_250 : vector<16xi32>
        %bitcast3A_471 = vector.bitcast %and3A_470 : vector<16xi32> to vector<16xf32>
        %add3A_472 = arith.addf %add3A_457, %bitcast3A_471 : vector<16xf32>
        %scan3A_473 = arith.constant 2 : i32
        %scan3A_474 = arith.addi %scan3A_446, %scan3A_473 : i32
        %get3A_475 = arith.constant 0 : i32
        %get3A_476 = arith.index_cast %get3A_475 : i32 to index
        %get3A_477 = arith.index_cast %scan3A_474 : i32 to index
        %get3A_478 = arith.constant 0 : index
        %get3A_479 = tpu.vector_load %arg6[%get3A_476, %get3A_477, %get3A_478] {strides = array<i32>} : memref<4x200x16xi32, #tpu.memory_space<vmem>>, vector<16xi32>,
        %shift_left3A_480 = arith.constant 16 : i32
        %shift_left3A_481 = vector.broadcast %shift_left3A_480 : i32 to vector<16xi32>
        %shift_left3A_482 = arith.shli %get3A_479, %shift_left3A_481 : vector<16xi32>
        %bitcast3A_483 = vector.bitcast %shift_left3A_482 : vector<16xi32> to vector<16xf32>
        %add3A_484 = arith.addf %add3A_469, %bitcast3A_483 : vector<16xf32>
        %and3A_485 = arith.andi %get3A_479, %broadcast_in_dim3A_250 : vector<16xi32>
        %bitcast3A_486 = vector.bitcast %and3A_485 : vector<16xi32> to vector<16xf32>
        %add3A_487 = arith.addf %add3A_472, %bitcast3A_486 : vector<16xf32>
        %scan3A_488 = arith.constant 3 : i32
        %scan3A_489 = arith.addi %scan3A_446, %scan3A_488 : i32
        %get3A_490 = arith.constant 0 : i32
        %get3A_491 = arith.index_cast %get3A_490 : i32 to index
        %get3A_492 = arith.index_cast %scan3A_489 : i32 to index
        %get3A_493 = arith.constant 0 : index
        %get3A_494 = tpu.vector_load %arg6[%get3A_491, %get3A_492, %get3A_493] {strides = array<i32>} : memref<4x200x16xi32, #tpu.memory_space<vmem>>, vector<16xi32>,
        %shift_left3A_495 = arith.constant 16 : i32
        %shift_left3A_496 = vector.broadcast %shift_left3A_495 : i32 to vector<16xi32>
        %shift_left3A_497 = arith.shli %get3A_494, %shift_left3A_496 : vector<16xi32>
        %bitcast3A_498 = vector.bitcast %shift_left3A_497 : vector<16xi32> to vector<16xf32>
        %add3A_499 = arith.addf %add3A_484, %bitcast3A_498 : vector<16xf32>
        %and3A_500 = arith.andi %get3A_494, %broadcast_in_dim3A_250 : vector<16xi32>
        %bitcast3A_501 = vector.bitcast %and3A_500 : vector<16xi32> to vector<16xf32>
        %add3A_502 = arith.addf %add3A_487, %bitcast3A_501 : vector<16xf32>
        %scan3A_503 = arith.constant 4 : i32
        %scan3A_504 = arith.addi %scan3A_446, %scan3A_503 : i32
        %get3A_505 = arith.constant 0 : i32
        %get3A_506 = arith.index_cast %get3A_505 : i32 to index
        %get3A_507 = arith.index_cast %scan3A_504 : i32 to index
        %get3A_508 = arith.constant 0 : index
        %get3A_509 = tpu.vector_load %arg6[%get3A_506, %get3A_507, %get3A_508] {strides = array<i32>} : memref<4x200x16xi32, #tpu.memory_space<vmem>>, vector<16xi32>,
        %shift_left3A_510 = arith.constant 16 : i32
        %shift_left3A_511 = vector.broadcast %shift_left3A_510 : i32 to vector<16xi32>
        %shift_left3A_512 = arith.shli %get3A_509, %shift_left3A_511 : vector<16xi32>
        %bitcast3A_513 = vector.bitcast %shift_left3A_512 : vector<16xi32> to vector<16xf32>
        %add3A_514 = arith.addf %add3A_499, %bitcast3A_513 : vector<16xf32>
        %and3A_515 = arith.andi %get3A_509, %broadcast_in_dim3A_250 : vector<16xi32>
        %bitcast3A_516 = vector.bitcast %and3A_515 : vector<16xi32> to vector<16xf32>
        %add3A_517 = arith.addf %add3A_502, %bitcast3A_516 : vector<16xf32>
        %scan3A_518 = arith.constant 5 : i32
        %scan3A_519 = arith.addi %scan3A_446, %scan3A_518 : i32
        %get3A_520 = arith.constant 0 : i32
        %get3A_521 = arith.index_cast %get3A_520 : i32 to index
        %get3A_522 = arith.index_cast %scan3A_519 : i32 to index
        %get3A_523 = arith.constant 0 : index
        %get3A_524 = tpu.vector_load %arg6[%get3A_521, %get3A_522, %get3A_523] {strides = array<i32>} : memref<4x200x16xi32, #tpu.memory_space<vmem>>, vector<16xi32>,
        %shift_left3A_525 = arith.constant 16 : i32
        %shift_left3A_526 = vector.broadcast %shift_left3A_525 : i32 to vector<16xi32>
        %shift_left3A_527 = arith.shli %get3A_524, %shift_left3A_526 : vector<16xi32>
        %bitcast3A_528 = vector.bitcast %shift_left3A_527 : vector<16xi32> to vector<16xf32>
        %add3A_529 = arith.addf %add3A_514, %bitcast3A_528 : vector<16xf32>
        %and3A_530 = arith.andi %get3A_524, %broadcast_in_dim3A_250 : vector<16xi32>
        %bitcast3A_531 = vector.bitcast %and3A_530 : vector<16xi32> to vector<16xf32>
        %add3A_532 = arith.addf %add3A_517, %bitcast3A_531 : vector<16xf32>
        %scan3A_533 = arith.constant 6 : i32
        %scan3A_534 = arith.addi %scan3A_446, %scan3A_533 : i32
        %get3A_535 = arith.constant 0 : i32
        %get3A_536 = arith.index_cast %get3A_535 : i32 to index
        %get3A_537 = arith.index_cast %scan3A_534 : i32 to index
        %get3A_538 = arith.constant 0 : index
        %get3A_539 = tpu.vector_load %arg6[%get3A_536, %get3A_537, %get3A_538] {strides = array<i32>} : memref<4x200x16xi32, #tpu.memory_space<vmem>>, vector<16xi32>,
        %shift_left3A_540 = arith.constant 16 : i32
        %shift_left3A_541 = vector.broadcast %shift_left3A_540 : i32 to vector<16xi32>
        %shift_left3A_542 = arith.shli %get3A_539, %shift_left3A_541 : vector<16xi32>
        %bitcast3A_543 = vector.bitcast %shift_left3A_542 : vector<16xi32> to vector<16xf32>
        %add3A_544 = arith.addf %add3A_529, %bitcast3A_543 : vector<16xf32>
        %and3A_545 = arith.andi %get3A_539, %broadcast_in_dim3A_250 : vector<16xi32>
        %bitcast3A_546 = vector.bitcast %and3A_545 : vector<16xi32> to vector<16xf32>
        %add3A_547 = arith.addf %add3A_532, %bitcast3A_546 : vector<16xf32>
        %scan3A_548 = arith.constant 7 : i32
        %scan3A_549 = arith.addi %scan3A_446, %scan3A_548 : i32
        %get3A_550 = arith.constant 0 : i32
        %get3A_551 = arith.index_cast %get3A_550 : i32 to index
        %get3A_552 = arith.index_cast %scan3A_549 : i32 to index
        %get3A_553 = arith.constant 0 : index
        %get3A_554 = tpu.vector_load %arg6[%get3A_551, %get3A_552, %get3A_553] {strides = array<i32>} : memref<4x200x16xi32, #tpu.memory_space<vmem>>, vector<16xi32>,
        %shift_left3A_555 = arith.constant 16 : i32
        %shift_left3A_556 = vector.broadcast %shift_left3A_555 : i32 to vector<16xi32>
        %shift_left3A_557 = arith.shli %get3A_554, %shift_left3A_556 : vector<16xi32>
        %bitcast3A_558 = vector.bitcast %shift_left3A_557 : vector<16xi32> to vector<16xf32>
        %add3A_559 = arith.addf %add3A_544, %bitcast3A_558 : vector<16xf32>
        %and3A_560 = arith.andi %get3A_554, %broadcast_in_dim3A_250 : vector<16xi32>
        %bitcast3A_561 = vector.bitcast %and3A_560 : vector<16xi32> to vector<16xf32>
        %add3A_562 = arith.addf %add3A_547, %bitcast3A_561 : vector<16xf32>
        scf.yield %add3A_559, %add3A_562 : vector<16xf32>, vector<16xf32>
      }
      %scan3A_256 = arith.constant 200 : i32
      %mul3A_257 = arith.constant 5.000000e-03 : f32
      %mul3A_258 = vector.broadcast %mul3A_257 : f32 to vector<16xf32>
      %mul3A_259 = arith.mulf %scan3A_255#0, %mul3A_258 : vector<16xf32>
      %swap3A = arith.index_cast %add3A_247 : i32 to index
      %swap3A_260 = arith.constant 0 : index
      %swap3A_261 = tpu.vector_load %arg7[%swap3A, %swap3A_260] {strides = array<i32>} : memref<512x32xf32, #tpu.memory_space<vmem>>, vector<16xf32>,
      tpu.vector_store %arg7[%swap3A, %swap3A_260], %mul3A_259 {strides = array<i32>} : memref<512x32xf32, #tpu.memory_space<vmem>>, vector<16xf32>,
      %mul3A_262 = arith.constant 5.000000e-03 : f32
      %mul3A_263 = vector.broadcast %mul3A_262 : f32 to vector<16xf32>
      %mul3A_264 = arith.mulf %scan3A_255#1, %mul3A_263 : vector<16xf32>
      %swap3A_265 = arith.index_cast %add3A_247 : i32 to index
      %swap3A_266 = arith.constant 16 : index
      %swap3A_267 = tpu.vector_load %arg7[%swap3A_265, %swap3A_266] {strides = array<i32>} : memref<512x32xf32, #tpu.memory_space<vmem>>, vector<16xf32>,
      tpu.vector_store %arg7[%swap3A_265, %swap3A_266], %mul3A_264 {strides = array<i32>} : memref<512x32xf32, #tpu.memory_space<vmem>>, vector<16xf32>,
      %dma_wait3A_268 = arith.constant 0 : i32
      %dma_wait3A_269 = arith.constant 1 : i32
      %dma_wait3A_270 = arith.constant 0 : i32
      %dma_wait3A_271 = arith.constant 0 : i32
      %dma_wait3A_272 = tpu.memref_slice %arg6[%dma_wait3A_269, %dma_wait3A_270, %dma_wait3A_271] : memref<4x200x16xi32, #tpu.memory_space<vmem>> -> memref<1x96x16xi32, #tpu.memory_space<vmem>>
      %dma_wait3A_273 = tpu.memref_squeeze %dma_wait3A_272 : memref<1x96x16xi32, #tpu.memory_space<vmem>> -> memref<96x16xi32, #tpu.memory_space<vmem>>
      %dma_wait3A_274 = arith.constant 0 : i32
      %dma_wait3A_275 = tpu.memref_slice %arg5[%dma_wait3A_268, %dma_wait3A_274] : memref<256x200xi32, #tpu.memory_space<vmem>> -> memref<1x96xi32, #tpu.memory_space<vmem>>
      %dma_wait3A_276 = tpu.memref_squeeze %dma_wait3A_275 : memref<1x96xi32, #tpu.memory_space<vmem>> -> memref<96xi32, #tpu.memory_space<vmem>>
      %dma_wait3A_277 = arith.constant 0 : i32
      %dma_wait3A_278 = arith.constant 0 : i32
      %dma_wait3A_279 = tpu.memref_slice %arg3[%dma_wait3A_277, %dma_wait3A_278] : memref<1000000x16xi32, #tpu.memory_space<hbm>> -> memref<1000000x16xi32, #tpu.memory_space<hbm>>
      tpu.wait_indirect_dma semaphore(%arg9 : memref<!tpu.dma_semaphore, #tpu.memory_space<semaphore_mem>>) src(%dma_wait3A_279 : memref<1000000x16xi32, #tpu.memory_space<hbm>>) dst(%dma_wait3A_273 : memref<96x16xi32, #tpu.memory_space<vmem>>)
      %dma_wait3A_280 = arith.constant 0 : i32
      %dma_wait3A_281 = arith.constant 1 : i32
      %dma_wait3A_282 = arith.constant 96 : i32
      %dma_wait3A_283 = arith.constant 0 : i32
      %dma_wait3A_284 = tpu.memref_slice %arg6[%dma_wait3A_281, %dma_wait3A_282, %dma_wait3A_283] : memref<4x200x16xi32, #tpu.memory_space<vmem>> -> memref<1x104x16xi32, #tpu.memory_space<vmem>>
      %dma_wait3A_285 = tpu.memref_squeeze %dma_wait3A_284 : memref<1x104x16xi32, #tpu.memory_space<vmem>> -> memref<104x16xi32, #tpu.memory_space<vmem>>
      %dma_wait3A_286 = arith.constant 96 : i32
      %dma_wait3A_287 = tpu.memref_slice %arg5[%dma_wait3A_280, %dma_wait3A_286] : memref<256x200xi32, #tpu.memory_space<vmem>> -> memref<1x104xi32, #tpu.memory_space<vmem>>
      %dma_wait3A_288 = tpu.memref_squeeze %dma_wait3A_287 : memref<1x104xi32, #tpu.memory_space<vmem>> -> memref<104xi32, #tpu.memory_space<vmem>>
      %dma_wait3A_289 = arith.constant 0 : i32
      %dma_wait3A_290 = arith.constant 0 : i32
      %dma_wait3A_291 = tpu.memref_slice %arg3[%dma_wait3A_289, %dma_wait3A_290] : memref<1000000x16xi32, #tpu.memory_space<hbm>> -> memref<1000000x16xi32, #tpu.memory_space<hbm>>
      tpu.wait_indirect_dma semaphore(%arg9 : memref<!tpu.dma_semaphore, #tpu.memory_space<semaphore_mem>>) src(%dma_wait3A_291 : memref<1000000x16xi32, #tpu.memory_space<hbm>>) dst(%dma_wait3A_285 : memref<104x16xi32, #tpu.memory_space<vmem>>)
      %add3A_292 = arith.constant 1 : i32
      %add3A_293 = arith.addi %mul3A_214, %add3A_292 : i32
      %add3A_294 = arith.constant 4 : i32
      %add3A_295 = arith.addi %add3A_293, %add3A_294 : i32
      %lt3A_296 = arith.constant 256 : i32
      %lt3A_297 = arith.cmpi slt, %add3A_295, %lt3A_296 : i32
      %convert_element_type3A_298 = arith.extui %lt3A_297 : i1 to i32
      %cond3A_299 = arith.constant 0 : i32
      %cond3A_300 = arith.cmpi ne, %convert_element_type3A_298, %cond3A_299 : i32
      scf.if %cond3A_300 {
        %add3A_446 = arith.constant 1 : i32
        %add3A_447 = arith.addi %mul3A_214, %add3A_446 : i32
        %add3A_448 = arith.constant 4 : i32
        %add3A_449 = arith.addi %add3A_447, %add3A_448 : i32
        %dma_start3A_450 = arith.constant 1 : i32
        %dma_start3A_451 = arith.constant 0 : i32
        %dma_start3A_452 = arith.constant 0 : i32
        %dma_start3A_453 = tpu.memref_slice %arg6[%dma_start3A_450, %dma_start3A_451, %dma_start3A_452] : memref<4x200x16xi32, #tpu.memory_space<vmem>> -> memref<1x96x16xi32, #tpu.memory_space<vmem>>
        %dma_start3A_454 = tpu.memref_squeeze %dma_start3A_453 : memref<1x96x16xi32, #tpu.memory_space<vmem>> -> memref<96x16xi32, #tpu.memory_space<vmem>>
        %dma_start3A_455 = arith.constant 0 : i32
        %dma_start3A_456 = tpu.memref_slice %arg5[%add3A_449, %dma_start3A_455] : memref<256x200xi32, #tpu.memory_space<vmem>> -> memref<1x96xi32, #tpu.memory_space<vmem>>
        %dma_start3A_457 = tpu.memref_squeeze %dma_start3A_456 : memref<1x96xi32, #tpu.memory_space<vmem>> -> memref<96xi32, #tpu.memory_space<vmem>>
        %dma_start3A_458 = arith.constant 0 : i32
        %dma_start3A_459 = arith.constant 0 : i32
        %dma_start3A_460 = tpu.memref_slice %arg3[%dma_start3A_458, %dma_start3A_459] : memref<1000000x16xi32, #tpu.memory_space<hbm>> -> memref<1000000x16xi32, #tpu.memory_space<hbm>>
        tpu.enqueue_indirect_dma source(%dma_start3A_460 : memref<1000000x16xi32, #tpu.memory_space<hbm>>) target(%dma_start3A_454 : memref<96x16xi32, #tpu.memory_space<vmem>>) offsets(%dma_start3A_457 : memref<96xi32, #tpu.memory_space<vmem>>) semaphore(%arg9 : memref<!tpu.dma_semaphore, #tpu.memory_space<semaphore_mem>>)
        %dma_start3A_461 = arith.constant 1 : i32
        %dma_start3A_462 = arith.constant 96 : i32
        %dma_start3A_463 = arith.constant 0 : i32
        %dma_start3A_464 = tpu.memref_slice %arg6[%dma_start3A_461, %dma_start3A_462, %dma_start3A_463] : memref<4x200x16xi32, #tpu.memory_space<vmem>> -> memref<1x104x16xi32, #tpu.memory_space<vmem>>
        %dma_start3A_465 = tpu.memref_squeeze %dma_start3A_464 : memref<1x104x16xi32, #tpu.memory_space<vmem>> -> memref<104x16xi32, #tpu.memory_space<vmem>>
        %dma_start3A_466 = arith.constant 96 : i32
        %dma_start3A_467 = tpu.memref_slice %arg5[%add3A_449, %dma_start3A_466] : memref<256x200xi32, #tpu.memory_space<vmem>> -> memref<1x104xi32, #tpu.memory_space<vmem>>
        %dma_start3A_468 = tpu.memref_squeeze %dma_start3A_467 : memref<1x104xi32, #tpu.memory_space<vmem>> -> memref<104xi32, #tpu.memory_space<vmem>>
        %dma_start3A_469 = arith.constant 0 : i32
        %dma_start3A_470 = arith.constant 0 : i32
        %dma_start3A_471 = tpu.memref_slice %arg3[%dma_start3A_469, %dma_start3A_470] : memref<1000000x16xi32, #tpu.memory_space<hbm>> -> memref<1000000x16xi32, #tpu.memory_space<hbm>>
        tpu.enqueue_indirect_dma source(%dma_start3A_471 : memref<1000000x16xi32, #tpu.memory_space<hbm>>) target(%dma_start3A_465 : memref<104x16xi32, #tpu.memory_space<vmem>>) offsets(%dma_start3A_468 : memref<104xi32, #tpu.memory_space<vmem>>) semaphore(%arg9 : memref<!tpu.dma_semaphore, #tpu.memory_space<semaphore_mem>>)
      } else {
      }
      %add3A_301 = arith.constant 256 : i32
      %add3A_302 = arith.addi %add3A_301, %mul3A_214 : i32
      %add3A_303 = arith.constant 1 : i32
      %add3A_304 = arith.addi %add3A_302, %add3A_303 : i32
      %broadcast_in_dim3A_305 = arith.constant 0.000000e+00 : f32
      %broadcast_in_dim3A_306 = vector.broadcast %broadcast_in_dim3A_305 : f32 to vector<16xf32>
      %broadcast_in_dim3A_307 = arith.constant -65536 : i32
      %broadcast_in_dim3A_308 = vector.broadcast %broadcast_in_dim3A_307 : i32 to vector<16xi32>
      %scan3A_309 = arith.constant 0 : i32
      %scan3A_310 = arith.constant 200 : i32
      %scan3A_311 = arith.addi %scan3A_309, %scan3A_310 : i32
      %scan3A_312 = arith.constant 8 : i32
      %scan3A_313:2 = scf.for %scan3A_446 = %scan3A_309 to %scan3A_311 step %scan3A_312 iter_args(%scan3A_447 = %broadcast_in_dim3A_306, %scan3A_448 = %broadcast_in_dim3A_306) -> (vector<16xf32>, vector<16xf32>)  : i32 {
        %get3A = arith.constant 1 : i32
        %get3A_449 = arith.index_cast %get3A : i32 to index
        %get3A_450 = arith.index_cast %scan3A_446 : i32 to index
        %get3A_451 = arith.constant 0 : index
        %get3A_452 = tpu.vector_load %arg6[%get3A_449, %get3A_450, %get3A_451] {strides = array<i32>} : memref<4x200x16xi32, #tpu.memory_space<vmem>>, vector<16xi32>,
        %shift_left3A = arith.constant 16 : i32
        %shift_left3A_453 = vector.broadcast %shift_left3A : i32 to vector<16xi32>
        %shift_left3A_454 = arith.shli %get3A_452, %shift_left3A_453 : vector<16xi32>
        %bitcast3A = vector.bitcast %shift_left3A_454 : vector<16xi32> to vector<16xf32>
        %add3A_455 = arith.addf %scan3A_447, %bitcast3A : vector<16xf32>
        %and3A = arith.andi %get3A_452, %broadcast_in_dim3A_308 : vector<16xi32>
        %bitcast3A_456 = vector.bitcast %and3A : vector<16xi32> to vector<16xf32>
        %add3A_457 = arith.addf %scan3A_448, %bitcast3A_456 : vector<16xf32>
        %scan3A_458 = arith.constant 1 : i32
        %scan3A_459 = arith.addi %scan3A_446, %scan3A_458 : i32
        %get3A_460 = arith.constant 1 : i32
        %get3A_461 = arith.index_cast %get3A_460 : i32 to index
        %get3A_462 = arith.index_cast %scan3A_459 : i32 to index
        %get3A_463 = arith.constant 0 : index
        %get3A_464 = tpu.vector_load %arg6[%get3A_461, %get3A_462, %get3A_463] {strides = array<i32>} : memref<4x200x16xi32, #tpu.memory_space<vmem>>, vector<16xi32>,
        %shift_left3A_465 = arith.constant 16 : i32
        %shift_left3A_466 = vector.broadcast %shift_left3A_465 : i32 to vector<16xi32>
        %shift_left3A_467 = arith.shli %get3A_464, %shift_left3A_466 : vector<16xi32>
        %bitcast3A_468 = vector.bitcast %shift_left3A_467 : vector<16xi32> to vector<16xf32>
        %add3A_469 = arith.addf %add3A_455, %bitcast3A_468 : vector<16xf32>
        %and3A_470 = arith.andi %get3A_464, %broadcast_in_dim3A_308 : vector<16xi32>
        %bitcast3A_471 = vector.bitcast %and3A_470 : vector<16xi32> to vector<16xf32>
        %add3A_472 = arith.addf %add3A_457, %bitcast3A_471 : vector<16xf32>
        %scan3A_473 = arith.constant 2 : i32
        %scan3A_474 = arith.addi %scan3A_446, %scan3A_473 : i32
        %get3A_475 = arith.constant 1 : i32
        %get3A_476 = arith.index_cast %get3A_475 : i32 to index
        %get3A_477 = arith.index_cast %scan3A_474 : i32 to index
        %get3A_478 = arith.constant 0 : index
        %get3A_479 = tpu.vector_load %arg6[%get3A_476, %get3A_477, %get3A_478] {strides = array<i32>} : memref<4x200x16xi32, #tpu.memory_space<vmem>>, vector<16xi32>,
        %shift_left3A_480 = arith.constant 16 : i32
        %shift_left3A_481 = vector.broadcast %shift_left3A_480 : i32 to vector<16xi32>
        %shift_left3A_482 = arith.shli %get3A_479, %shift_left3A_481 : vector<16xi32>
        %bitcast3A_483 = vector.bitcast %shift_left3A_482 : vector<16xi32> to vector<16xf32>
        %add3A_484 = arith.addf %add3A_469, %bitcast3A_483 : vector<16xf32>
        %and3A_485 = arith.andi %get3A_479, %broadcast_in_dim3A_308 : vector<16xi32>
        %bitcast3A_486 = vector.bitcast %and3A_485 : vector<16xi32> to vector<16xf32>
        %add3A_487 = arith.addf %add3A_472, %bitcast3A_486 : vector<16xf32>
        %scan3A_488 = arith.constant 3 : i32
        %scan3A_489 = arith.addi %scan3A_446, %scan3A_488 : i32
        %get3A_490 = arith.constant 1 : i32
        %get3A_491 = arith.index_cast %get3A_490 : i32 to index
        %get3A_492 = arith.index_cast %scan3A_489 : i32 to index
        %get3A_493 = arith.constant 0 : index
        %get3A_494 = tpu.vector_load %arg6[%get3A_491, %get3A_492, %get3A_493] {strides = array<i32>} : memref<4x200x16xi32, #tpu.memory_space<vmem>>, vector<16xi32>,
        %shift_left3A_495 = arith.constant 16 : i32
        %shift_left3A_496 = vector.broadcast %shift_left3A_495 : i32 to vector<16xi32>
        %shift_left3A_497 = arith.shli %get3A_494, %shift_left3A_496 : vector<16xi32>
        %bitcast3A_498 = vector.bitcast %shift_left3A_497 : vector<16xi32> to vector<16xf32>
        %add3A_499 = arith.addf %add3A_484, %bitcast3A_498 : vector<16xf32>
        %and3A_500 = arith.andi %get3A_494, %broadcast_in_dim3A_308 : vector<16xi32>
        %bitcast3A_501 = vector.bitcast %and3A_500 : vector<16xi32> to vector<16xf32>
        %add3A_502 = arith.addf %add3A_487, %bitcast3A_501 : vector<16xf32>
        %scan3A_503 = arith.constant 4 : i32
        %scan3A_504 = arith.addi %scan3A_446, %scan3A_503 : i32
        %get3A_505 = arith.constant 1 : i32
        %get3A_506 = arith.index_cast %get3A_505 : i32 to index
        %get3A_507 = arith.index_cast %scan3A_504 : i32 to index
        %get3A_508 = arith.constant 0 : index
        %get3A_509 = tpu.vector_load %arg6[%get3A_506, %get3A_507, %get3A_508] {strides = array<i32>} : memref<4x200x16xi32, #tpu.memory_space<vmem>>, vector<16xi32>,
        %shift_left3A_510 = arith.constant 16 : i32
        %shift_left3A_511 = vector.broadcast %shift_left3A_510 : i32 to vector<16xi32>
        %shift_left3A_512 = arith.shli %get3A_509, %shift_left3A_511 : vector<16xi32>
        %bitcast3A_513 = vector.bitcast %shift_left3A_512 : vector<16xi32> to vector<16xf32>
        %add3A_514 = arith.addf %add3A_499, %bitcast3A_513 : vector<16xf32>
        %and3A_515 = arith.andi %get3A_509, %broadcast_in_dim3A_308 : vector<16xi32>
        %bitcast3A_516 = vector.bitcast %and3A_515 : vector<16xi32> to vector<16xf32>
        %add3A_517 = arith.addf %add3A_502, %bitcast3A_516 : vector<16xf32>
        %scan3A_518 = arith.constant 5 : i32
        %scan3A_519 = arith.addi %scan3A_446, %scan3A_518 : i32
        %get3A_520 = arith.constant 1 : i32
        %get3A_521 = arith.index_cast %get3A_520 : i32 to index
        %get3A_522 = arith.index_cast %scan3A_519 : i32 to index
        %get3A_523 = arith.constant 0 : index
        %get3A_524 = tpu.vector_load %arg6[%get3A_521, %get3A_522, %get3A_523] {strides = array<i32>} : memref<4x200x16xi32, #tpu.memory_space<vmem>>, vector<16xi32>,
        %shift_left3A_525 = arith.constant 16 : i32
        %shift_left3A_526 = vector.broadcast %shift_left3A_525 : i32 to vector<16xi32>
        %shift_left3A_527 = arith.shli %get3A_524, %shift_left3A_526 : vector<16xi32>
        %bitcast3A_528 = vector.bitcast %shift_left3A_527 : vector<16xi32> to vector<16xf32>
        %add3A_529 = arith.addf %add3A_514, %bitcast3A_528 : vector<16xf32>
        %and3A_530 = arith.andi %get3A_524, %broadcast_in_dim3A_308 : vector<16xi32>
        %bitcast3A_531 = vector.bitcast %and3A_530 : vector<16xi32> to vector<16xf32>
        %add3A_532 = arith.addf %add3A_517, %bitcast3A_531 : vector<16xf32>
        %scan3A_533 = arith.constant 6 : i32
        %scan3A_534 = arith.addi %scan3A_446, %scan3A_533 : i32
        %get3A_535 = arith.constant 1 : i32
        %get3A_536 = arith.index_cast %get3A_535 : i32 to index
        %get3A_537 = arith.index_cast %scan3A_534 : i32 to index
        %get3A_538 = arith.constant 0 : index
        %get3A_539 = tpu.vector_load %arg6[%get3A_536, %get3A_537, %get3A_538] {strides = array<i32>} : memref<4x200x16xi32, #tpu.memory_space<vmem>>, vector<16xi32>,
        %shift_left3A_540 = arith.constant 16 : i32
        %shift_left3A_541 = vector.broadcast %shift_left3A_540 : i32 to vector<16xi32>
        %shift_left3A_542 = arith.shli %get3A_539, %shift_left3A_541 : vector<16xi32>
        %bitcast3A_543 = vector.bitcast %shift_left3A_542 : vector<16xi32> to vector<16xf32>
        %add3A_544 = arith.addf %add3A_529, %bitcast3A_543 : vector<16xf32>
        %and3A_545 = arith.andi %get3A_539, %broadcast_in_dim3A_308 : vector<16xi32>
        %bitcast3A_546 = vector.bitcast %and3A_545 : vector<16xi32> to vector<16xf32>
        %add3A_547 = arith.addf %add3A_532, %bitcast3A_546 : vector<16xf32>
        %scan3A_548 = arith.constant 7 : i32
        %scan3A_549 = arith.addi %scan3A_446, %scan3A_548 : i32
        %get3A_550 = arith.constant 1 : i32
        %get3A_551 = arith.index_cast %get3A_550 : i32 to index
        %get3A_552 = arith.index_cast %scan3A_549 : i32 to index
        %get3A_553 = arith.constant 0 : index
        %get3A_554 = tpu.vector_load %arg6[%get3A_551, %get3A_552, %get3A_553] {strides = array<i32>} : memref<4x200x16xi32, #tpu.memory_space<vmem>>, vector<16xi32>,
        %shift_left3A_555 = arith.constant 16 : i32
        %shift_left3A_556 = vector.broadcast %shift_left3A_555 : i32 to vector<16xi32>
        %shift_left3A_557 = arith.shli %get3A_554, %shift_left3A_556 : vector<16xi32>
        %bitcast3A_558 = vector.bitcast %shift_left3A_557 : vector<16xi32> to vector<16xf32>
        %add3A_559 = arith.addf %add3A_544, %bitcast3A_558 : vector<16xf32>
        %and3A_560 = arith.andi %get3A_554, %broadcast_in_dim3A_308 : vector<16xi32>
        %bitcast3A_561 = vector.bitcast %and3A_560 : vector<16xi32> to vector<16xf32>
        %add3A_562 = arith.addf %add3A_547, %bitcast3A_561 : vector<16xf32>
        scf.yield %add3A_559, %add3A_562 : vector<16xf32>, vector<16xf32>
      }
      %scan3A_314 = arith.constant 200 : i32
      %mul3A_315 = arith.constant 5.000000e-03 : f32
      %mul3A_316 = vector.broadcast %mul3A_315 : f32 to vector<16xf32>
      %mul3A_317 = arith.mulf %scan3A_313#0, %mul3A_316 : vector<16xf32>
      %swap3A_318 = arith.index_cast %add3A_304 : i32 to index
      %swap3A_319 = arith.constant 0 : index
      %swap3A_320 = tpu.vector_load %arg7[%swap3A_318, %swap3A_319] {strides = array<i32>} : memref<512x32xf32, #tpu.memory_space<vmem>>, vector<16xf32>,
      tpu.vector_store %arg7[%swap3A_318, %swap3A_319], %mul3A_317 {strides = array<i32>} : memref<512x32xf32, #tpu.memory_space<vmem>>, vector<16xf32>,
      %mul3A_321 = arith.constant 5.000000e-03 : f32
      %mul3A_322 = vector.broadcast %mul3A_321 : f32 to vector<16xf32>
      %mul3A_323 = arith.mulf %scan3A_313#1, %mul3A_322 : vector<16xf32>
      %swap3A_324 = arith.index_cast %add3A_304 : i32 to index
      %swap3A_325 = arith.constant 16 : index
      %swap3A_326 = tpu.vector_load %arg7[%swap3A_324, %swap3A_325] {strides = array<i32>} : memref<512x32xf32, #tpu.memory_space<vmem>>, vector<16xf32>,
      tpu.vector_store %arg7[%swap3A_324, %swap3A_325], %mul3A_323 {strides = array<i32>} : memref<512x32xf32, #tpu.memory_space<vmem>>, vector<16xf32>,
      %dma_wait3A_327 = arith.constant 0 : i32
      %dma_wait3A_328 = arith.constant 2 : i32
      %dma_wait3A_329 = arith.constant 0 : i32
      %dma_wait3A_330 = arith.constant 0 : i32
      %dma_wait3A_331 = tpu.memref_slice %arg6[%dma_wait3A_328, %dma_wait3A_329, %dma_wait3A_330] : memref<4x200x16xi32, #tpu.memory_space<vmem>> -> memref<1x96x16xi32, #tpu.memory_space<vmem>>
      %dma_wait3A_332 = tpu.memref_squeeze %dma_wait3A_331 : memref<1x96x16xi32, #tpu.memory_space<vmem>> -> memref<96x16xi32, #tpu.memory_space<vmem>>
      %dma_wait3A_333 = arith.constant 0 : i32
      %dma_wait3A_334 = tpu.memref_slice %arg5[%dma_wait3A_327, %dma_wait3A_333] : memref<256x200xi32, #tpu.memory_space<vmem>> -> memref<1x96xi32, #tpu.memory_space<vmem>>
      %dma_wait3A_335 = tpu.memref_squeeze %dma_wait3A_334 : memref<1x96xi32, #tpu.memory_space<vmem>> -> memref<96xi32, #tpu.memory_space<vmem>>
      %dma_wait3A_336 = arith.constant 0 : i32
      %dma_wait3A_337 = arith.constant 0 : i32
      %dma_wait3A_338 = tpu.memref_slice %arg3[%dma_wait3A_336, %dma_wait3A_337] : memref<1000000x16xi32, #tpu.memory_space<hbm>> -> memref<1000000x16xi32, #tpu.memory_space<hbm>>
      tpu.wait_indirect_dma semaphore(%arg10 : memref<!tpu.dma_semaphore, #tpu.memory_space<semaphore_mem>>) src(%dma_wait3A_338 : memref<1000000x16xi32, #tpu.memory_space<hbm>>) dst(%dma_wait3A_332 : memref<96x16xi32, #tpu.memory_space<vmem>>)
      %dma_wait3A_339 = arith.constant 0 : i32
      %dma_wait3A_340 = arith.constant 2 : i32
      %dma_wait3A_341 = arith.constant 96 : i32
      %dma_wait3A_342 = arith.constant 0 : i32
      %dma_wait3A_343 = tpu.memref_slice %arg6[%dma_wait3A_340, %dma_wait3A_341, %dma_wait3A_342] : memref<4x200x16xi32, #tpu.memory_space<vmem>> -> memref<1x104x16xi32, #tpu.memory_space<vmem>>
      %dma_wait3A_344 = tpu.memref_squeeze %dma_wait3A_343 : memref<1x104x16xi32, #tpu.memory_space<vmem>> -> memref<104x16xi32, #tpu.memory_space<vmem>>
      %dma_wait3A_345 = arith.constant 96 : i32
      %dma_wait3A_346 = tpu.memref_slice %arg5[%dma_wait3A_339, %dma_wait3A_345] : memref<256x200xi32, #tpu.memory_space<vmem>> -> memref<1x104xi32, #tpu.memory_space<vmem>>
      %dma_wait3A_347 = tpu.memref_squeeze %dma_wait3A_346 : memref<1x104xi32, #tpu.memory_space<vmem>> -> memref<104xi32, #tpu.memory_space<vmem>>
      %dma_wait3A_348 = arith.constant 0 : i32
      %dma_wait3A_349 = arith.constant 0 : i32
      %dma_wait3A_350 = tpu.memref_slice %arg3[%dma_wait3A_348, %dma_wait3A_349] : memref<1000000x16xi32, #tpu.memory_space<hbm>> -> memref<1000000x16xi32, #tpu.memory_space<hbm>>
      tpu.wait_indirect_dma semaphore(%arg10 : memref<!tpu.dma_semaphore, #tpu.memory_space<semaphore_mem>>) src(%dma_wait3A_350 : memref<1000000x16xi32, #tpu.memory_space<hbm>>) dst(%dma_wait3A_344 : memref<104x16xi32, #tpu.memory_space<vmem>>)
      %add3A_351 = arith.constant 2 : i32
      %add3A_352 = arith.addi %mul3A_214, %add3A_351 : i32
      %add3A_353 = arith.constant 4 : i32
      %add3A_354 = arith.addi %add3A_352, %add3A_353 : i32
      %lt3A_355 = arith.constant 256 : i32
      %lt3A_356 = arith.cmpi slt, %add3A_354, %lt3A_355 : i32
      %convert_element_type3A_357 = arith.extui %lt3A_356 : i1 to i32
      %cond3A_358 = arith.constant 0 : i32
      %cond3A_359 = arith.cmpi ne, %convert_element_type3A_357, %cond3A_358 : i32
      scf.if %cond3A_359 {
        %add3A_446 = arith.constant 2 : i32
        %add3A_447 = arith.addi %mul3A_214, %add3A_446 : i32
        %add3A_448 = arith.constant 4 : i32
        %add3A_449 = arith.addi %add3A_447, %add3A_448 : i32
        %dma_start3A_450 = arith.constant 2 : i32
        %dma_start3A_451 = arith.constant 0 : i32
        %dma_start3A_452 = arith.constant 0 : i32
        %dma_start3A_453 = tpu.memref_slice %arg6[%dma_start3A_450, %dma_start3A_451, %dma_start3A_452] : memref<4x200x16xi32, #tpu.memory_space<vmem>> -> memref<1x96x16xi32, #tpu.memory_space<vmem>>
        %dma_start3A_454 = tpu.memref_squeeze %dma_start3A_453 : memref<1x96x16xi32, #tpu.memory_space<vmem>> -> memref<96x16xi32, #tpu.memory_space<vmem>>
        %dma_start3A_455 = arith.constant 0 : i32
        %dma_start3A_456 = tpu.memref_slice %arg5[%add3A_449, %dma_start3A_455] : memref<256x200xi32, #tpu.memory_space<vmem>> -> memref<1x96xi32, #tpu.memory_space<vmem>>
        %dma_start3A_457 = tpu.memref_squeeze %dma_start3A_456 : memref<1x96xi32, #tpu.memory_space<vmem>> -> memref<96xi32, #tpu.memory_space<vmem>>
        %dma_start3A_458 = arith.constant 0 : i32
        %dma_start3A_459 = arith.constant 0 : i32
        %dma_start3A_460 = tpu.memref_slice %arg3[%dma_start3A_458, %dma_start3A_459] : memref<1000000x16xi32, #tpu.memory_space<hbm>> -> memref<1000000x16xi32, #tpu.memory_space<hbm>>
        tpu.enqueue_indirect_dma source(%dma_start3A_460 : memref<1000000x16xi32, #tpu.memory_space<hbm>>) target(%dma_start3A_454 : memref<96x16xi32, #tpu.memory_space<vmem>>) offsets(%dma_start3A_457 : memref<96xi32, #tpu.memory_space<vmem>>) semaphore(%arg10 : memref<!tpu.dma_semaphore, #tpu.memory_space<semaphore_mem>>)
        %dma_start3A_461 = arith.constant 2 : i32
        %dma_start3A_462 = arith.constant 96 : i32
        %dma_start3A_463 = arith.constant 0 : i32
        %dma_start3A_464 = tpu.memref_slice %arg6[%dma_start3A_461, %dma_start3A_462, %dma_start3A_463] : memref<4x200x16xi32, #tpu.memory_space<vmem>> -> memref<1x104x16xi32, #tpu.memory_space<vmem>>
        %dma_start3A_465 = tpu.memref_squeeze %dma_start3A_464 : memref<1x104x16xi32, #tpu.memory_space<vmem>> -> memref<104x16xi32, #tpu.memory_space<vmem>>
        %dma_start3A_466 = arith.constant 96 : i32
        %dma_start3A_467 = tpu.memref_slice %arg5[%add3A_449, %dma_start3A_466] : memref<256x200xi32, #tpu.memory_space<vmem>> -> memref<1x104xi32, #tpu.memory_space<vmem>>
        %dma_start3A_468 = tpu.memref_squeeze %dma_start3A_467 : memref<1x104xi32, #tpu.memory_space<vmem>> -> memref<104xi32, #tpu.memory_space<vmem>>
        %dma_start3A_469 = arith.constant 0 : i32
        %dma_start3A_470 = arith.constant 0 : i32
        %dma_start3A_471 = tpu.memref_slice %arg3[%dma_start3A_469, %dma_start3A_470] : memref<1000000x16xi32, #tpu.memory_space<hbm>> -> memref<1000000x16xi32, #tpu.memory_space<hbm>>
        tpu.enqueue_indirect_dma source(%dma_start3A_471 : memref<1000000x16xi32, #tpu.memory_space<hbm>>) target(%dma_start3A_465 : memref<104x16xi32, #tpu.memory_space<vmem>>) offsets(%dma_start3A_468 : memref<104xi32, #tpu.memory_space<vmem>>) semaphore(%arg10 : memref<!tpu.dma_semaphore, #tpu.memory_space<semaphore_mem>>)
      } else {
      }
      %add3A_360 = arith.constant 256 : i32
      %add3A_361 = arith.addi %add3A_360, %mul3A_214 : i32
      %add3A_362 = arith.constant 2 : i32
      %add3A_363 = arith.addi %add3A_361, %add3A_362 : i32
      %broadcast_in_dim3A_364 = arith.constant 0.000000e+00 : f32
      %broadcast_in_dim3A_365 = vector.broadcast %broadcast_in_dim3A_364 : f32 to vector<16xf32>
      %broadcast_in_dim3A_366 = arith.constant -65536 : i32
      %broadcast_in_dim3A_367 = vector.broadcast %broadcast_in_dim3A_366 : i32 to vector<16xi32>
      %scan3A_368 = arith.constant 0 : i32
      %scan3A_369 = arith.constant 200 : i32
      %scan3A_370 = arith.addi %scan3A_368, %scan3A_369 : i32
      %scan3A_371 = arith.constant 8 : i32
      %scan3A_372:2 = scf.for %scan3A_446 = %scan3A_368 to %scan3A_370 step %scan3A_371 iter_args(%scan3A_447 = %broadcast_in_dim3A_365, %scan3A_448 = %broadcast_in_dim3A_365) -> (vector<16xf32>, vector<16xf32>)  : i32 {
        %get3A = arith.constant 2 : i32
        %get3A_449 = arith.index_cast %get3A : i32 to index
        %get3A_450 = arith.index_cast %scan3A_446 : i32 to index
        %get3A_451 = arith.constant 0 : index
        %get3A_452 = tpu.vector_load %arg6[%get3A_449, %get3A_450, %get3A_451] {strides = array<i32>} : memref<4x200x16xi32, #tpu.memory_space<vmem>>, vector<16xi32>,
        %shift_left3A = arith.constant 16 : i32
        %shift_left3A_453 = vector.broadcast %shift_left3A : i32 to vector<16xi32>
        %shift_left3A_454 = arith.shli %get3A_452, %shift_left3A_453 : vector<16xi32>
        %bitcast3A = vector.bitcast %shift_left3A_454 : vector<16xi32> to vector<16xf32>
        %add3A_455 = arith.addf %scan3A_447, %bitcast3A : vector<16xf32>
        %and3A = arith.andi %get3A_452, %broadcast_in_dim3A_367 : vector<16xi32>
        %bitcast3A_456 = vector.bitcast %and3A : vector<16xi32> to vector<16xf32>
        %add3A_457 = arith.addf %scan3A_448, %bitcast3A_456 : vector<16xf32>
        %scan3A_458 = arith.constant 1 : i32
        %scan3A_459 = arith.addi %scan3A_446, %scan3A_458 : i32
        %get3A_460 = arith.constant 2 : i32
        %get3A_461 = arith.index_cast %get3A_460 : i32 to index
        %get3A_462 = arith.index_cast %scan3A_459 : i32 to index
        %get3A_463 = arith.constant 0 : index
        %get3A_464 = tpu.vector_load %arg6[%get3A_461, %get3A_462, %get3A_463] {strides = array<i32>} : memref<4x200x16xi32, #tpu.memory_space<vmem>>, vector<16xi32>,
        %shift_left3A_465 = arith.constant 16 : i32
        %shift_left3A_466 = vector.broadcast %shift_left3A_465 : i32 to vector<16xi32>
        %shift_left3A_467 = arith.shli %get3A_464, %shift_left3A_466 : vector<16xi32>
        %bitcast3A_468 = vector.bitcast %shift_left3A_467 : vector<16xi32> to vector<16xf32>
        %add3A_469 = arith.addf %add3A_455, %bitcast3A_468 : vector<16xf32>
        %and3A_470 = arith.andi %get3A_464, %broadcast_in_dim3A_367 : vector<16xi32>
        %bitcast3A_471 = vector.bitcast %and3A_470 : vector<16xi32> to vector<16xf32>
        %add3A_472 = arith.addf %add3A_457, %bitcast3A_471 : vector<16xf32>
        %scan3A_473 = arith.constant 2 : i32
        %scan3A_474 = arith.addi %scan3A_446, %scan3A_473 : i32
        %get3A_475 = arith.constant 2 : i32
        %get3A_476 = arith.index_cast %get3A_475 : i32 to index
        %get3A_477 = arith.index_cast %scan3A_474 : i32 to index
        %get3A_478 = arith.constant 0 : index
        %get3A_479 = tpu.vector_load %arg6[%get3A_476, %get3A_477, %get3A_478] {strides = array<i32>} : memref<4x200x16xi32, #tpu.memory_space<vmem>>, vector<16xi32>,
        %shift_left3A_480 = arith.constant 16 : i32
        %shift_left3A_481 = vector.broadcast %shift_left3A_480 : i32 to vector<16xi32>
        %shift_left3A_482 = arith.shli %get3A_479, %shift_left3A_481 : vector<16xi32>
        %bitcast3A_483 = vector.bitcast %shift_left3A_482 : vector<16xi32> to vector<16xf32>
        %add3A_484 = arith.addf %add3A_469, %bitcast3A_483 : vector<16xf32>
        %and3A_485 = arith.andi %get3A_479, %broadcast_in_dim3A_367 : vector<16xi32>
        %bitcast3A_486 = vector.bitcast %and3A_485 : vector<16xi32> to vector<16xf32>
        %add3A_487 = arith.addf %add3A_472, %bitcast3A_486 : vector<16xf32>
        %scan3A_488 = arith.constant 3 : i32
        %scan3A_489 = arith.addi %scan3A_446, %scan3A_488 : i32
        %get3A_490 = arith.constant 2 : i32
        %get3A_491 = arith.index_cast %get3A_490 : i32 to index
        %get3A_492 = arith.index_cast %scan3A_489 : i32 to index
        %get3A_493 = arith.constant 0 : index
        %get3A_494 = tpu.vector_load %arg6[%get3A_491, %get3A_492, %get3A_493] {strides = array<i32>} : memref<4x200x16xi32, #tpu.memory_space<vmem>>, vector<16xi32>,
        %shift_left3A_495 = arith.constant 16 : i32
        %shift_left3A_496 = vector.broadcast %shift_left3A_495 : i32 to vector<16xi32>
        %shift_left3A_497 = arith.shli %get3A_494, %shift_left3A_496 : vector<16xi32>
        %bitcast3A_498 = vector.bitcast %shift_left3A_497 : vector<16xi32> to vector<16xf32>
        %add3A_499 = arith.addf %add3A_484, %bitcast3A_498 : vector<16xf32>
        %and3A_500 = arith.andi %get3A_494, %broadcast_in_dim3A_367 : vector<16xi32>
        %bitcast3A_501 = vector.bitcast %and3A_500 : vector<16xi32> to vector<16xf32>
        %add3A_502 = arith.addf %add3A_487, %bitcast3A_501 : vector<16xf32>
        %scan3A_503 = arith.constant 4 : i32
        %scan3A_504 = arith.addi %scan3A_446, %scan3A_503 : i32
        %get3A_505 = arith.constant 2 : i32
        %get3A_506 = arith.index_cast %get3A_505 : i32 to index
        %get3A_507 = arith.index_cast %scan3A_504 : i32 to index
        %get3A_508 = arith.constant 0 : index
        %get3A_509 = tpu.vector_load %arg6[%get3A_506, %get3A_507, %get3A_508] {strides = array<i32>} : memref<4x200x16xi32, #tpu.memory_space<vmem>>, vector<16xi32>,
        %shift_left3A_510 = arith.constant 16 : i32
        %shift_left3A_511 = vector.broadcast %shift_left3A_510 : i32 to vector<16xi32>
        %shift_left3A_512 = arith.shli %get3A_509, %shift_left3A_511 : vector<16xi32>
        %bitcast3A_513 = vector.bitcast %shift_left3A_512 : vector<16xi32> to vector<16xf32>
        %add3A_514 = arith.addf %add3A_499, %bitcast3A_513 : vector<16xf32>
        %and3A_515 = arith.andi %get3A_509, %broadcast_in_dim3A_367 : vector<16xi32>
        %bitcast3A_516 = vector.bitcast %and3A_515 : vector<16xi32> to vector<16xf32>
        %add3A_517 = arith.addf %add3A_502, %bitcast3A_516 : vector<16xf32>
        %scan3A_518 = arith.constant 5 : i32
        %scan3A_519 = arith.addi %scan3A_446, %scan3A_518 : i32
        %get3A_520 = arith.constant 2 : i32
        %get3A_521 = arith.index_cast %get3A_520 : i32 to index
        %get3A_522 = arith.index_cast %scan3A_519 : i32 to index
        %get3A_523 = arith.constant 0 : index
        %get3A_524 = tpu.vector_load %arg6[%get3A_521, %get3A_522, %get3A_523] {strides = array<i32>} : memref<4x200x16xi32, #tpu.memory_space<vmem>>, vector<16xi32>,
        %shift_left3A_525 = arith.constant 16 : i32
        %shift_left3A_526 = vector.broadcast %shift_left3A_525 : i32 to vector<16xi32>
        %shift_left3A_527 = arith.shli %get3A_524, %shift_left3A_526 : vector<16xi32>
        %bitcast3A_528 = vector.bitcast %shift_left3A_527 : vector<16xi32> to vector<16xf32>
        %add3A_529 = arith.addf %add3A_514, %bitcast3A_528 : vector<16xf32>
        %and3A_530 = arith.andi %get3A_524, %broadcast_in_dim3A_367 : vector<16xi32>
        %bitcast3A_531 = vector.bitcast %and3A_530 : vector<16xi32> to vector<16xf32>
        %add3A_532 = arith.addf %add3A_517, %bitcast3A_531 : vector<16xf32>
        %scan3A_533 = arith.constant 6 : i32
        %scan3A_534 = arith.addi %scan3A_446, %scan3A_533 : i32
        %get3A_535 = arith.constant 2 : i32
        %get3A_536 = arith.index_cast %get3A_535 : i32 to index
        %get3A_537 = arith.index_cast %scan3A_534 : i32 to index
        %get3A_538 = arith.constant 0 : index
        %get3A_539 = tpu.vector_load %arg6[%get3A_536, %get3A_537, %get3A_538] {strides = array<i32>} : memref<4x200x16xi32, #tpu.memory_space<vmem>>, vector<16xi32>,
        %shift_left3A_540 = arith.constant 16 : i32
        %shift_left3A_541 = vector.broadcast %shift_left3A_540 : i32 to vector<16xi32>
        %shift_left3A_542 = arith.shli %get3A_539, %shift_left3A_541 : vector<16xi32>
        %bitcast3A_543 = vector.bitcast %shift_left3A_542 : vector<16xi32> to vector<16xf32>
        %add3A_544 = arith.addf %add3A_529, %bitcast3A_543 : vector<16xf32>
        %and3A_545 = arith.andi %get3A_539, %broadcast_in_dim3A_367 : vector<16xi32>
        %bitcast3A_546 = vector.bitcast %and3A_545 : vector<16xi32> to vector<16xf32>
        %add3A_547 = arith.addf %add3A_532, %bitcast3A_546 : vector<16xf32>
        %scan3A_548 = arith.constant 7 : i32
        %scan3A_549 = arith.addi %scan3A_446, %scan3A_548 : i32
        %get3A_550 = arith.constant 2 : i32
        %get3A_551 = arith.index_cast %get3A_550 : i32 to index
        %get3A_552 = arith.index_cast %scan3A_549 : i32 to index
        %get3A_553 = arith.constant 0 : index
        %get3A_554 = tpu.vector_load %arg6[%get3A_551, %get3A_552, %get3A_553] {strides = array<i32>} : memref<4x200x16xi32, #tpu.memory_space<vmem>>, vector<16xi32>,
        %shift_left3A_555 = arith.constant 16 : i32
        %shift_left3A_556 = vector.broadcast %shift_left3A_555 : i32 to vector<16xi32>
        %shift_left3A_557 = arith.shli %get3A_554, %shift_left3A_556 : vector<16xi32>
        %bitcast3A_558 = vector.bitcast %shift_left3A_557 : vector<16xi32> to vector<16xf32>
        %add3A_559 = arith.addf %add3A_544, %bitcast3A_558 : vector<16xf32>
        %and3A_560 = arith.andi %get3A_554, %broadcast_in_dim3A_367 : vector<16xi32>
        %bitcast3A_561 = vector.bitcast %and3A_560 : vector<16xi32> to vector<16xf32>
        %add3A_562 = arith.addf %add3A_547, %bitcast3A_561 : vector<16xf32>
        scf.yield %add3A_559, %add3A_562 : vector<16xf32>, vector<16xf32>
      }
      %scan3A_373 = arith.constant 200 : i32
      %mul3A_374 = arith.constant 5.000000e-03 : f32
      %mul3A_375 = vector.broadcast %mul3A_374 : f32 to vector<16xf32>
      %mul3A_376 = arith.mulf %scan3A_372#0, %mul3A_375 : vector<16xf32>
      %swap3A_377 = arith.index_cast %add3A_363 : i32 to index
      %swap3A_378 = arith.constant 0 : index
      %swap3A_379 = tpu.vector_load %arg7[%swap3A_377, %swap3A_378] {strides = array<i32>} : memref<512x32xf32, #tpu.memory_space<vmem>>, vector<16xf32>,
      tpu.vector_store %arg7[%swap3A_377, %swap3A_378], %mul3A_376 {strides = array<i32>} : memref<512x32xf32, #tpu.memory_space<vmem>>, vector<16xf32>,
      %mul3A_380 = arith.constant 5.000000e-03 : f32
      %mul3A_381 = vector.broadcast %mul3A_380 : f32 to vector<16xf32>
      %mul3A_382 = arith.mulf %scan3A_372#1, %mul3A_381 : vector<16xf32>
      %swap3A_383 = arith.index_cast %add3A_363 : i32 to index
      %swap3A_384 = arith.constant 16 : index
      %swap3A_385 = tpu.vector_load %arg7[%swap3A_383, %swap3A_384] {strides = array<i32>} : memref<512x32xf32, #tpu.memory_space<vmem>>, vector<16xf32>,
      tpu.vector_store %arg7[%swap3A_383, %swap3A_384], %mul3A_382 {strides = array<i32>} : memref<512x32xf32, #tpu.memory_space<vmem>>, vector<16xf32>,
      %dma_wait3A_386 = arith.constant 0 : i32
      %dma_wait3A_387 = arith.constant 3 : i32
      %dma_wait3A_388 = arith.constant 0 : i32
      %dma_wait3A_389 = arith.constant 0 : i32
      %dma_wait3A_390 = tpu.memref_slice %arg6[%dma_wait3A_387, %dma_wait3A_388, %dma_wait3A_389] : memref<4x200x16xi32, #tpu.memory_space<vmem>> -> memref<1x96x16xi32, #tpu.memory_space<vmem>>
      %dma_wait3A_391 = tpu.memref_squeeze %dma_wait3A_390 : memref<1x96x16xi32, #tpu.memory_space<vmem>> -> memref<96x16xi32, #tpu.memory_space<vmem>>
      %dma_wait3A_392 = arith.constant 0 : i32
      %dma_wait3A_393 = tpu.memref_slice %arg5[%dma_wait3A_386, %dma_wait3A_392] : memref<256x200xi32, #tpu.memory_space<vmem>> -> memref<1x96xi32, #tpu.memory_space<vmem>>
      %dma_wait3A_394 = tpu.memref_squeeze %dma_wait3A_393 : memref<1x96xi32, #tpu.memory_space<vmem>> -> memref<96xi32, #tpu.memory_space<vmem>>
      %dma_wait3A_395 = arith.constant 0 : i32
      %dma_wait3A_396 = arith.constant 0 : i32
      %dma_wait3A_397 = tpu.memref_slice %arg3[%dma_wait3A_395, %dma_wait3A_396] : memref<1000000x16xi32, #tpu.memory_space<hbm>> -> memref<1000000x16xi32, #tpu.memory_space<hbm>>
      tpu.wait_indirect_dma semaphore(%arg11 : memref<!tpu.dma_semaphore, #tpu.memory_space<semaphore_mem>>) src(%dma_wait3A_397 : memref<1000000x16xi32, #tpu.memory_space<hbm>>) dst(%dma_wait3A_391 : memref<96x16xi32, #tpu.memory_space<vmem>>)
      %dma_wait3A_398 = arith.constant 0 : i32
      %dma_wait3A_399 = arith.constant 3 : i32
      %dma_wait3A_400 = arith.constant 96 : i32
      %dma_wait3A_401 = arith.constant 0 : i32
      %dma_wait3A_402 = tpu.memref_slice %arg6[%dma_wait3A_399, %dma_wait3A_400, %dma_wait3A_401] : memref<4x200x16xi32, #tpu.memory_space<vmem>> -> memref<1x104x16xi32, #tpu.memory_space<vmem>>
      %dma_wait3A_403 = tpu.memref_squeeze %dma_wait3A_402 : memref<1x104x16xi32, #tpu.memory_space<vmem>> -> memref<104x16xi32, #tpu.memory_space<vmem>>
      %dma_wait3A_404 = arith.constant 96 : i32
      %dma_wait3A_405 = tpu.memref_slice %arg5[%dma_wait3A_398, %dma_wait3A_404] : memref<256x200xi32, #tpu.memory_space<vmem>> -> memref<1x104xi32, #tpu.memory_space<vmem>>
      %dma_wait3A_406 = tpu.memref_squeeze %dma_wait3A_405 : memref<1x104xi32, #tpu.memory_space<vmem>> -> memref<104xi32, #tpu.memory_space<vmem>>
      %dma_wait3A_407 = arith.constant 0 : i32
      %dma_wait3A_408 = arith.constant 0 : i32
      %dma_wait3A_409 = tpu.memref_slice %arg3[%dma_wait3A_407, %dma_wait3A_408] : memref<1000000x16xi32, #tpu.memory_space<hbm>> -> memref<1000000x16xi32, #tpu.memory_space<hbm>>
      tpu.wait_indirect_dma semaphore(%arg11 : memref<!tpu.dma_semaphore, #tpu.memory_space<semaphore_mem>>) src(%dma_wait3A_409 : memref<1000000x16xi32, #tpu.memory_space<hbm>>) dst(%dma_wait3A_403 : memref<104x16xi32, #tpu.memory_space<vmem>>)
      %add3A_410 = arith.constant 3 : i32
      %add3A_411 = arith.addi %mul3A_214, %add3A_410 : i32
      %add3A_412 = arith.constant 4 : i32
      %add3A_413 = arith.addi %add3A_411, %add3A_412 : i32
      %lt3A_414 = arith.constant 256 : i32
      %lt3A_415 = arith.cmpi slt, %add3A_413, %lt3A_414 : i32
      %convert_element_type3A_416 = arith.extui %lt3A_415 : i1 to i32
      %cond3A_417 = arith.constant 0 : i32
      %cond3A_418 = arith.cmpi ne, %convert_element_type3A_416, %cond3A_417 : i32
      scf.if %cond3A_418 {
        %add3A_446 = arith.constant 3 : i32
        %add3A_447 = arith.addi %mul3A_214, %add3A_446 : i32
        %add3A_448 = arith.constant 4 : i32
        %add3A_449 = arith.addi %add3A_447, %add3A_448 : i32
        %dma_start3A_450 = arith.constant 3 : i32
        %dma_start3A_451 = arith.constant 0 : i32
        %dma_start3A_452 = arith.constant 0 : i32
        %dma_start3A_453 = tpu.memref_slice %arg6[%dma_start3A_450, %dma_start3A_451, %dma_start3A_452] : memref<4x200x16xi32, #tpu.memory_space<vmem>> -> memref<1x96x16xi32, #tpu.memory_space<vmem>>
        %dma_start3A_454 = tpu.memref_squeeze %dma_start3A_453 : memref<1x96x16xi32, #tpu.memory_space<vmem>> -> memref<96x16xi32, #tpu.memory_space<vmem>>
        %dma_start3A_455 = arith.constant 0 : i32
        %dma_start3A_456 = tpu.memref_slice %arg5[%add3A_449, %dma_start3A_455] : memref<256x200xi32, #tpu.memory_space<vmem>> -> memref<1x96xi32, #tpu.memory_space<vmem>>
        %dma_start3A_457 = tpu.memref_squeeze %dma_start3A_456 : memref<1x96xi32, #tpu.memory_space<vmem>> -> memref<96xi32, #tpu.memory_space<vmem>>
        %dma_start3A_458 = arith.constant 0 : i32
        %dma_start3A_459 = arith.constant 0 : i32
        %dma_start3A_460 = tpu.memref_slice %arg3[%dma_start3A_458, %dma_start3A_459] : memref<1000000x16xi32, #tpu.memory_space<hbm>> -> memref<1000000x16xi32, #tpu.memory_space<hbm>>
        tpu.enqueue_indirect_dma source(%dma_start3A_460 : memref<1000000x16xi32, #tpu.memory_space<hbm>>) target(%dma_start3A_454 : memref<96x16xi32, #tpu.memory_space<vmem>>) offsets(%dma_start3A_457 : memref<96xi32, #tpu.memory_space<vmem>>) semaphore(%arg11 : memref<!tpu.dma_semaphore, #tpu.memory_space<semaphore_mem>>)
        %dma_start3A_461 = arith.constant 3 : i32
        %dma_start3A_462 = arith.constant 96 : i32
        %dma_start3A_463 = arith.constant 0 : i32
        %dma_start3A_464 = tpu.memref_slice %arg6[%dma_start3A_461, %dma_start3A_462, %dma_start3A_463] : memref<4x200x16xi32, #tpu.memory_space<vmem>> -> memref<1x104x16xi32, #tpu.memory_space<vmem>>
        %dma_start3A_465 = tpu.memref_squeeze %dma_start3A_464 : memref<1x104x16xi32, #tpu.memory_space<vmem>> -> memref<104x16xi32, #tpu.memory_space<vmem>>
        %dma_start3A_466 = arith.constant 96 : i32
        %dma_start3A_467 = tpu.memref_slice %arg5[%add3A_449, %dma_start3A_466] : memref<256x200xi32, #tpu.memory_space<vmem>> -> memref<1x104xi32, #tpu.memory_space<vmem>>
        %dma_start3A_468 = tpu.memref_squeeze %dma_start3A_467 : memref<1x104xi32, #tpu.memory_space<vmem>> -> memref<104xi32, #tpu.memory_space<vmem>>
        %dma_start3A_469 = arith.constant 0 : i32
        %dma_start3A_470 = arith.constant 0 : i32
        %dma_start3A_471 = tpu.memref_slice %arg3[%dma_start3A_469, %dma_start3A_470] : memref<1000000x16xi32, #tpu.memory_space<hbm>> -> memref<1000000x16xi32, #tpu.memory_space<hbm>>
        tpu.enqueue_indirect_dma source(%dma_start3A_471 : memref<1000000x16xi32, #tpu.memory_space<hbm>>) target(%dma_start3A_465 : memref<104x16xi32, #tpu.memory_space<vmem>>) offsets(%dma_start3A_468 : memref<104xi32, #tpu.memory_space<vmem>>) semaphore(%arg11 : memref<!tpu.dma_semaphore, #tpu.memory_space<semaphore_mem>>)
      } else {
      }
      %add3A_419 = arith.constant 256 : i32
      %add3A_420 = arith.addi %add3A_419, %mul3A_214 : i32
      %add3A_421 = arith.constant 3 : i32
      %add3A_422 = arith.addi %add3A_420, %add3A_421 : i32
      %broadcast_in_dim3A_423 = arith.constant 0.000000e+00 : f32
      %broadcast_in_dim3A_424 = vector.broadcast %broadcast_in_dim3A_423 : f32 to vector<16xf32>
      %broadcast_in_dim3A_425 = arith.constant -65536 : i32
      %broadcast_in_dim3A_426 = vector.broadcast %broadcast_in_dim3A_425 : i32 to vector<16xi32>
      %scan3A_427 = arith.constant 0 : i32
      %scan3A_428 = arith.constant 200 : i32
      %scan3A_429 = arith.addi %scan3A_427, %scan3A_428 : i32
      %scan3A_430 = arith.constant 8 : i32
      %scan3A_431:2 = scf.for %scan3A_446 = %scan3A_427 to %scan3A_429 step %scan3A_430 iter_args(%scan3A_447 = %broadcast_in_dim3A_424, %scan3A_448 = %broadcast_in_dim3A_424) -> (vector<16xf32>, vector<16xf32>)  : i32 {
        %get3A = arith.constant 3 : i32
        %get3A_449 = arith.index_cast %get3A : i32 to index
        %get3A_450 = arith.index_cast %scan3A_446 : i32 to index
        %get3A_451 = arith.constant 0 : index
        %get3A_452 = tpu.vector_load %arg6[%get3A_449, %get3A_450, %get3A_451] {strides = array<i32>} : memref<4x200x16xi32, #tpu.memory_space<vmem>>, vector<16xi32>,
        %shift_left3A = arith.constant 16 : i32
        %shift_left3A_453 = vector.broadcast %shift_left3A : i32 to vector<16xi32>
        %shift_left3A_454 = arith.shli %get3A_452, %shift_left3A_453 : vector<16xi32>
        %bitcast3A = vector.bitcast %shift_left3A_454 : vector<16xi32> to vector<16xf32>
        %add3A_455 = arith.addf %scan3A_447, %bitcast3A : vector<16xf32>
        %and3A = arith.andi %get3A_452, %broadcast_in_dim3A_426 : vector<16xi32>
        %bitcast3A_456 = vector.bitcast %and3A : vector<16xi32> to vector<16xf32>
        %add3A_457 = arith.addf %scan3A_448, %bitcast3A_456 : vector<16xf32>
        %scan3A_458 = arith.constant 1 : i32
        %scan3A_459 = arith.addi %scan3A_446, %scan3A_458 : i32
        %get3A_460 = arith.constant 3 : i32
        %get3A_461 = arith.index_cast %get3A_460 : i32 to index
        %get3A_462 = arith.index_cast %scan3A_459 : i32 to index
        %get3A_463 = arith.constant 0 : index
        %get3A_464 = tpu.vector_load %arg6[%get3A_461, %get3A_462, %get3A_463] {strides = array<i32>} : memref<4x200x16xi32, #tpu.memory_space<vmem>>, vector<16xi32>,
        %shift_left3A_465 = arith.constant 16 : i32
        %shift_left3A_466 = vector.broadcast %shift_left3A_465 : i32 to vector<16xi32>
        %shift_left3A_467 = arith.shli %get3A_464, %shift_left3A_466 : vector<16xi32>
        %bitcast3A_468 = vector.bitcast %shift_left3A_467 : vector<16xi32> to vector<16xf32>
        %add3A_469 = arith.addf %add3A_455, %bitcast3A_468 : vector<16xf32>
        %and3A_470 = arith.andi %get3A_464, %broadcast_in_dim3A_426 : vector<16xi32>
        %bitcast3A_471 = vector.bitcast %and3A_470 : vector<16xi32> to vector<16xf32>
        %add3A_472 = arith.addf %add3A_457, %bitcast3A_471 : vector<16xf32>
        %scan3A_473 = arith.constant 2 : i32
        %scan3A_474 = arith.addi %scan3A_446, %scan3A_473 : i32
        %get3A_475 = arith.constant 3 : i32
        %get3A_476 = arith.index_cast %get3A_475 : i32 to index
        %get3A_477 = arith.index_cast %scan3A_474 : i32 to index
        %get3A_478 = arith.constant 0 : index
        %get3A_479 = tpu.vector_load %arg6[%get3A_476, %get3A_477, %get3A_478] {strides = array<i32>} : memref<4x200x16xi32, #tpu.memory_space<vmem>>, vector<16xi32>,
        %shift_left3A_480 = arith.constant 16 : i32
        %shift_left3A_481 = vector.broadcast %shift_left3A_480 : i32 to vector<16xi32>
        %shift_left3A_482 = arith.shli %get3A_479, %shift_left3A_481 : vector<16xi32>
        %bitcast3A_483 = vector.bitcast %shift_left3A_482 : vector<16xi32> to vector<16xf32>
        %add3A_484 = arith.addf %add3A_469, %bitcast3A_483 : vector<16xf32>
        %and3A_485 = arith.andi %get3A_479, %broadcast_in_dim3A_426 : vector<16xi32>
        %bitcast3A_486 = vector.bitcast %and3A_485 : vector<16xi32> to vector<16xf32>
        %add3A_487 = arith.addf %add3A_472, %bitcast3A_486 : vector<16xf32>
        %scan3A_488 = arith.constant 3 : i32
        %scan3A_489 = arith.addi %scan3A_446, %scan3A_488 : i32
        %get3A_490 = arith.constant 3 : i32
        %get3A_491 = arith.index_cast %get3A_490 : i32 to index
        %get3A_492 = arith.index_cast %scan3A_489 : i32 to index
        %get3A_493 = arith.constant 0 : index
        %get3A_494 = tpu.vector_load %arg6[%get3A_491, %get3A_492, %get3A_493] {strides = array<i32>} : memref<4x200x16xi32, #tpu.memory_space<vmem>>, vector<16xi32>,
        %shift_left3A_495 = arith.constant 16 : i32
        %shift_left3A_496 = vector.broadcast %shift_left3A_495 : i32 to vector<16xi32>
        %shift_left3A_497 = arith.shli %get3A_494, %shift_left3A_496 : vector<16xi32>
        %bitcast3A_498 = vector.bitcast %shift_left3A_497 : vector<16xi32> to vector<16xf32>
        %add3A_499 = arith.addf %add3A_484, %bitcast3A_498 : vector<16xf32>
        %and3A_500 = arith.andi %get3A_494, %broadcast_in_dim3A_426 : vector<16xi32>
        %bitcast3A_501 = vector.bitcast %and3A_500 : vector<16xi32> to vector<16xf32>
        %add3A_502 = arith.addf %add3A_487, %bitcast3A_501 : vector<16xf32>
        %scan3A_503 = arith.constant 4 : i32
        %scan3A_504 = arith.addi %scan3A_446, %scan3A_503 : i32
        %get3A_505 = arith.constant 3 : i32
        %get3A_506 = arith.index_cast %get3A_505 : i32 to index
        %get3A_507 = arith.index_cast %scan3A_504 : i32 to index
        %get3A_508 = arith.constant 0 : index
        %get3A_509 = tpu.vector_load %arg6[%get3A_506, %get3A_507, %get3A_508] {strides = array<i32>} : memref<4x200x16xi32, #tpu.memory_space<vmem>>, vector<16xi32>,
        %shift_left3A_510 = arith.constant 16 : i32
        %shift_left3A_511 = vector.broadcast %shift_left3A_510 : i32 to vector<16xi32>
        %shift_left3A_512 = arith.shli %get3A_509, %shift_left3A_511 : vector<16xi32>
        %bitcast3A_513 = vector.bitcast %shift_left3A_512 : vector<16xi32> to vector<16xf32>
        %add3A_514 = arith.addf %add3A_499, %bitcast3A_513 : vector<16xf32>
        %and3A_515 = arith.andi %get3A_509, %broadcast_in_dim3A_426 : vector<16xi32>
        %bitcast3A_516 = vector.bitcast %and3A_515 : vector<16xi32> to vector<16xf32>
        %add3A_517 = arith.addf %add3A_502, %bitcast3A_516 : vector<16xf32>
        %scan3A_518 = arith.constant 5 : i32
        %scan3A_519 = arith.addi %scan3A_446, %scan3A_518 : i32
        %get3A_520 = arith.constant 3 : i32
        %get3A_521 = arith.index_cast %get3A_520 : i32 to index
        %get3A_522 = arith.index_cast %scan3A_519 : i32 to index
        %get3A_523 = arith.constant 0 : index
        %get3A_524 = tpu.vector_load %arg6[%get3A_521, %get3A_522, %get3A_523] {strides = array<i32>} : memref<4x200x16xi32, #tpu.memory_space<vmem>>, vector<16xi32>,
        %shift_left3A_525 = arith.constant 16 : i32
        %shift_left3A_526 = vector.broadcast %shift_left3A_525 : i32 to vector<16xi32>
        %shift_left3A_527 = arith.shli %get3A_524, %shift_left3A_526 : vector<16xi32>
        %bitcast3A_528 = vector.bitcast %shift_left3A_527 : vector<16xi32> to vector<16xf32>
        %add3A_529 = arith.addf %add3A_514, %bitcast3A_528 : vector<16xf32>
        %and3A_530 = arith.andi %get3A_524, %broadcast_in_dim3A_426 : vector<16xi32>
        %bitcast3A_531 = vector.bitcast %and3A_530 : vector<16xi32> to vector<16xf32>
        %add3A_532 = arith.addf %add3A_517, %bitcast3A_531 : vector<16xf32>
        %scan3A_533 = arith.constant 6 : i32
        %scan3A_534 = arith.addi %scan3A_446, %scan3A_533 : i32
        %get3A_535 = arith.constant 3 : i32
        %get3A_536 = arith.index_cast %get3A_535 : i32 to index
        %get3A_537 = arith.index_cast %scan3A_534 : i32 to index
        %get3A_538 = arith.constant 0 : index
        %get3A_539 = tpu.vector_load %arg6[%get3A_536, %get3A_537, %get3A_538] {strides = array<i32>} : memref<4x200x16xi32, #tpu.memory_space<vmem>>, vector<16xi32>,
        %shift_left3A_540 = arith.constant 16 : i32
        %shift_left3A_541 = vector.broadcast %shift_left3A_540 : i32 to vector<16xi32>
        %shift_left3A_542 = arith.shli %get3A_539, %shift_left3A_541 : vector<16xi32>
        %bitcast3A_543 = vector.bitcast %shift_left3A_542 : vector<16xi32> to vector<16xf32>
        %add3A_544 = arith.addf %add3A_529, %bitcast3A_543 : vector<16xf32>
        %and3A_545 = arith.andi %get3A_539, %broadcast_in_dim3A_426 : vector<16xi32>
        %bitcast3A_546 = vector.bitcast %and3A_545 : vector<16xi32> to vector<16xf32>
        %add3A_547 = arith.addf %add3A_532, %bitcast3A_546 : vector<16xf32>
        %scan3A_548 = arith.constant 7 : i32
        %scan3A_549 = arith.addi %scan3A_446, %scan3A_548 : i32
        %get3A_550 = arith.constant 3 : i32
        %get3A_551 = arith.index_cast %get3A_550 : i32 to index
        %get3A_552 = arith.index_cast %scan3A_549 : i32 to index
        %get3A_553 = arith.constant 0 : index
        %get3A_554 = tpu.vector_load %arg6[%get3A_551, %get3A_552, %get3A_553] {strides = array<i32>} : memref<4x200x16xi32, #tpu.memory_space<vmem>>, vector<16xi32>,
        %shift_left3A_555 = arith.constant 16 : i32
        %shift_left3A_556 = vector.broadcast %shift_left3A_555 : i32 to vector<16xi32>
        %shift_left3A_557 = arith.shli %get3A_554, %shift_left3A_556 : vector<16xi32>
        %bitcast3A_558 = vector.bitcast %shift_left3A_557 : vector<16xi32> to vector<16xf32>
        %add3A_559 = arith.addf %add3A_544, %bitcast3A_558 : vector<16xf32>
        %and3A_560 = arith.andi %get3A_554, %broadcast_in_dim3A_426 : vector<16xi32>
        %bitcast3A_561 = vector.bitcast %and3A_560 : vector<16xi32> to vector<16xf32>
        %add3A_562 = arith.addf %add3A_547, %bitcast3A_561 : vector<16xf32>
        scf.yield %add3A_559, %add3A_562 : vector<16xf32>, vector<16xf32>
      }
      %scan3A_432 = arith.constant 200 : i32
      %mul3A_433 = arith.constant 5.000000e-03 : f32
      %mul3A_434 = vector.broadcast %mul3A_433 : f32 to vector<16xf32>
      %mul3A_435 = arith.mulf %scan3A_431#0, %mul3A_434 : vector<16xf32>
      %swap3A_436 = arith.index_cast %add3A_422 : i32 to index
      %swap3A_437 = arith.constant 0 : index
      %swap3A_438 = tpu.vector_load %arg7[%swap3A_436, %swap3A_437] {strides = array<i32>} : memref<512x32xf32, #tpu.memory_space<vmem>>, vector<16xf32>,
      tpu.vector_store %arg7[%swap3A_436, %swap3A_437], %mul3A_435 {strides = array<i32>} : memref<512x32xf32, #tpu.memory_space<vmem>>, vector<16xf32>,
      %mul3A_439 = arith.constant 5.000000e-03 : f32
      %mul3A_440 = vector.broadcast %mul3A_439 : f32 to vector<16xf32>
      %mul3A_441 = arith.mulf %scan3A_431#1, %mul3A_440 : vector<16xf32>
      %swap3A_442 = arith.index_cast %add3A_422 : i32 to index
      %swap3A_443 = arith.constant 16 : index
      %swap3A_444 = tpu.vector_load %arg7[%swap3A_442, %swap3A_443] {strides = array<i32>} : memref<512x32xf32, #tpu.memory_space<vmem>>, vector<16xf32>,
      tpu.vector_store %arg7[%swap3A_442, %swap3A_443], %mul3A_441 {strides = array<i32>} : memref<512x32xf32, #tpu.memory_space<vmem>>, vector<16xf32>,
      %scan3A_445 = arith.constant 0 : i32
      scf.yield %scan3A_445 : i32
    }
    %scan3A_210 = arith.constant 64 : i32
    "tpu.region"() ({
      %run_scoped3A = tpu.sem_alloc : memref<!tpu.dma_semaphore, #tpu.memory_space<semaphore_mem>>
      %dma_start3A_211 = arith.constant 0 : i32
      %dma_start3A_212 = tpu.memref_slice %arg4[%mul3A_2, %dma_start3A_211] : memref<16384x32xf32, #tpu.memory_space<hbm>> -> memref<512x32xf32, #tpu.memory_space<hbm>>
      %dma_start3A_213 = arith.constant 0 : i32
      %dma_start3A_214 = tpu.memref_slice %arg4[%mul3A_2, %dma_start3A_213] : memref<16384x32xf32, #tpu.memory_space<hbm>> -> memref<512x32xf32, #tpu.memory_space<hbm>>
      tpu.enqueue_dma source(%arg7 : memref<512x32xf32, #tpu.memory_space<vmem>>) target(%dma_start3A_214 : memref<512x32xf32, #tpu.memory_space<hbm>>) target_semaphore(%run_scoped3A : memref<!tpu.dma_semaphore, #tpu.memory_space<semaphore_mem>>)
      %dma_wait3A = arith.constant 0 : i32
      %dma_wait3A_215 = tpu.memref_slice %arg4[%mul3A_2, %dma_wait3A] : memref<16384x32xf32, #tpu.memory_space<hbm>> -> memref<512x32xf32, #tpu.memory_space<hbm>>
      %dma_wait3A_216 = arith.constant 0 : i32
      %dma_wait3A_217 = tpu.memref_slice %arg4[%mul3A_2, %dma_wait3A_216] : memref<16384x32xf32, #tpu.memory_space<hbm>> -> memref<512x32xf32, #tpu.memory_space<hbm>>
      tpu.wait_dma2 semaphore(%run_scoped3A : memref<!tpu.dma_semaphore, #tpu.memory_space<semaphore_mem>>) src(%arg7 : memref<512x32xf32, #tpu.memory_space<vmem>>) dst(%dma_wait3A_217 : memref<512x32xf32, #tpu.memory_space<hbm>>)
      tpu.yield
    }) : () -> ()
    return
  }
}

module attributes {stable_mosaic.version = 14 : i64} {
  func.func @_pack_body(%arg0: i32, %arg1: memref<32x16384xf32, #tpu.memory_space<vmem>>, %arg2: memref<2048x128xi32, #tpu.memory_space<vmem>>) attributes {dimension_semantics = [#tpu.dimension_semantics<arbitrary>], iteration_bounds = array<i64: 62>, scalar_prefetch = 0 : i64, scratch_operands = 0 : i64, tpu.core_type = #tpu.core_type<tc>, window_params = [{transform_indices = @transform_0, window_bounds = array<i64: 32, 16384>}, {transform_indices = @transform_1, window_bounds = array<i64: 2048, 128>}]} {
    %get3A = arith.constant 0 : index
    %get3A_0 = arith.constant 0 : index
    %get3A_1 = vector.load %arg1[%get3A, %get3A_0] : memref<32x16384xf32, #tpu.memory_space<vmem>>, vector<32x16384xf32>
    %bitcast_convert_type3A = tpu.bitcast %get3A_1 : vector<32x16384xf32> -> vector<32x16384xi32>
    %add3A = arith.constant 32767 : i32
    %add3A_2 = vector.broadcast %add3A : i32 to vector<32x16384xi32>
    %add3A_3 = arith.addi %bitcast_convert_type3A, %add3A_2 : vector<32x16384xi32>
    %shift_right_arithmetic3A = arith.constant 16 : i32
    %shift_right_arithmetic3A_4 = vector.broadcast %shift_right_arithmetic3A : i32 to vector<32x16384xi32>
    %shift_right_arithmetic3A_5 = arith.shrsi %bitcast_convert_type3A, %shift_right_arithmetic3A_4 : vector<32x16384xi32>
    %and3A = arith.constant 1 : i32
    %and3A_6 = vector.broadcast %and3A : i32 to vector<32x16384xi32>
    %and3A_7 = arith.andi %shift_right_arithmetic3A_5, %and3A_6 : vector<32x16384xi32>
    %add3A_8 = arith.addi %add3A_3, %and3A_7 : vector<32x16384xi32>
    %slice3A = vector.extract_strided_slice %add3A_8 {offsets = [0, 0], sizes = [16, 16384], strides = [1, 1]} : vector<32x16384xi32> to vector<16x16384xi32>
    %shift_right_arithmetic3A_9 = arith.constant 16 : i32
    %shift_right_arithmetic3A_10 = vector.broadcast %shift_right_arithmetic3A_9 : i32 to vector<16x16384xi32>
    %shift_right_arithmetic3A_11 = arith.shrsi %slice3A, %shift_right_arithmetic3A_10 : vector<16x16384xi32>
    %and3A_12 = arith.constant 65535 : i32
    %and3A_13 = vector.broadcast %and3A_12 : i32 to vector<16x16384xi32>
    %and3A_14 = arith.andi %shift_right_arithmetic3A_11, %and3A_13 : vector<16x16384xi32>
    %slice3A_15 = vector.extract_strided_slice %add3A_8 {offsets = [16, 0], sizes = [16, 16384], strides = [1, 1]} : vector<32x16384xi32> to vector<16x16384xi32>
    %and3A_16 = arith.constant -65536 : i32
    %and3A_17 = vector.broadcast %and3A_16 : i32 to vector<16x16384xi32>
    %and3A_18 = arith.andi %slice3A_15, %and3A_17 : vector<16x16384xi32>
    %or3A = arith.ori %and3A_14, %and3A_18 : vector<16x16384xi32>
    %lt3A = arith.constant 61 : i32
    %lt3A_19 = arith.cmpi slt, %arg0, %lt3A : i32
    %convert_element_type3A = arith.extui %lt3A_19 : i1 to i32
    %cond3A = arith.constant 0 : i32
    %cond3A_20 = arith.cmpi ne, %convert_element_type3A, %cond3A : i32
    scf.if %cond3A_20 {
      %slice3A_25 = vector.extract_strided_slice %or3A {offsets = [0, 0], sizes = [16, 2048], strides = [1, 1]} : vector<16x16384xi32> to vector<16x2048xi32>
      %slice3A_26 = vector.extract_strided_slice %or3A {offsets = [0, 2048], sizes = [16, 2048], strides = [1, 1]} : vector<16x16384xi32> to vector<16x2048xi32>
      %slice3A_27 = vector.extract_strided_slice %or3A {offsets = [0, 4096], sizes = [16, 2048], strides = [1, 1]} : vector<16x16384xi32> to vector<16x2048xi32>
      %slice3A_28 = vector.extract_strided_slice %or3A {offsets = [0, 6144], sizes = [16, 2048], strides = [1, 1]} : vector<16x16384xi32> to vector<16x2048xi32>
      %slice3A_29 = vector.extract_strided_slice %or3A {offsets = [0, 8192], sizes = [16, 2048], strides = [1, 1]} : vector<16x16384xi32> to vector<16x2048xi32>
      %slice3A_30 = vector.extract_strided_slice %or3A {offsets = [0, 10240], sizes = [16, 2048], strides = [1, 1]} : vector<16x16384xi32> to vector<16x2048xi32>
      %slice3A_31 = vector.extract_strided_slice %or3A {offsets = [0, 12288], sizes = [16, 2048], strides = [1, 1]} : vector<16x16384xi32> to vector<16x2048xi32>
      %slice3A_32 = vector.extract_strided_slice %or3A {offsets = [0, 14336], sizes = [16, 2048], strides = [1, 1]} : vector<16x16384xi32> to vector<16x2048xi32>
      %concatenate3A = tpu.concatenate %slice3A_25, %slice3A_26, %slice3A_27, %slice3A_28, %slice3A_29, %slice3A_30, %slice3A_31, %slice3A_32 in 0 : vector<16x2048xi32>, vector<16x2048xi32>, vector<16x2048xi32>, vector<16x2048xi32>, vector<16x2048xi32>, vector<16x2048xi32>, vector<16x2048xi32>, vector<16x2048xi32> -> vector<128x2048xi32>
      %transpose3A = tpu.transpose %concatenate3A, [1, 0] : vector<128x2048xi32> -> vector<2048x128xi32>
      %swap3A = arith.constant 0 : index
      %swap3A_33 = arith.constant 0 : index
      %swap3A_34 = vector.load %arg2[%swap3A, %swap3A_33] : memref<2048x128xi32, #tpu.memory_space<vmem>>, vector<2048x128xi32>
      tpu.vector_store %arg2[%swap3A, %swap3A_33], %transpose3A {strides = array<i32>} : memref<2048x128xi32, #tpu.memory_space<vmem>>, vector<2048x128xi32>,
    } else {
    }
    %eq3A = arith.constant 61 : i32
    %eq3A_21 = arith.cmpi eq, %arg0, %eq3A : i32
    %convert_element_type3A_22 = arith.extui %eq3A_21 : i1 to i32
    %cond3A_23 = arith.constant 0 : i32
    %cond3A_24 = arith.cmpi ne, %convert_element_type3A_22, %cond3A_23 : i32
    scf.if %cond3A_24 {
      %slice3A_25 = vector.extract_strided_slice %or3A {offsets = [0, 0], sizes = [16, 72], strides = [1, 1]} : vector<16x16384xi32> to vector<16x72xi32>
      %slice3A_26 = vector.extract_strided_slice %or3A {offsets = [0, 72], sizes = [16, 72], strides = [1, 1]} : vector<16x16384xi32> to vector<16x72xi32>
      %slice3A_27 = vector.extract_strided_slice %or3A {offsets = [0, 144], sizes = [16, 72], strides = [1, 1]} : vector<16x16384xi32> to vector<16x72xi32>
      %slice3A_28 = vector.extract_strided_slice %or3A {offsets = [0, 216], sizes = [16, 72], strides = [1, 1]} : vector<16x16384xi32> to vector<16x72xi32>
      %slice3A_29 = vector.extract_strided_slice %or3A {offsets = [0, 288], sizes = [16, 72], strides = [1, 1]} : vector<16x16384xi32> to vector<16x72xi32>
      %slice3A_30 = vector.extract_strided_slice %or3A {offsets = [0, 360], sizes = [16, 72], strides = [1, 1]} : vector<16x16384xi32> to vector<16x72xi32>
      %slice3A_31 = vector.extract_strided_slice %or3A {offsets = [0, 432], sizes = [16, 72], strides = [1, 1]} : vector<16x16384xi32> to vector<16x72xi32>
      %slice3A_32 = vector.extract_strided_slice %or3A {offsets = [0, 504], sizes = [16, 72], strides = [1, 1]} : vector<16x16384xi32> to vector<16x72xi32>
      %concatenate3A = tpu.concatenate %slice3A_25, %slice3A_26, %slice3A_27, %slice3A_28, %slice3A_29, %slice3A_30, %slice3A_31, %slice3A_32 in 0 : vector<16x72xi32>, vector<16x72xi32>, vector<16x72xi32>, vector<16x72xi32>, vector<16x72xi32>, vector<16x72xi32>, vector<16x72xi32>, vector<16x72xi32> -> vector<128x72xi32>
      %transpose3A = tpu.transpose %concatenate3A, [1, 0] : vector<128x72xi32> -> vector<72x128xi32>
      %swap3A = arith.constant 0 : index
      %swap3A_33 = arith.constant 0 : index
      %swap3A_34 = vector.load %arg2[%swap3A, %swap3A_33] : memref<2048x128xi32, #tpu.memory_space<vmem>>, vector<72x128xi32>
      tpu.vector_store %arg2[%swap3A, %swap3A_33], %transpose3A {strides = array<i32>} : memref<2048x128xi32, #tpu.memory_space<vmem>>, vector<72x128xi32>,
    } else {
    }
    return
  }
  func.func @transform_0(%arg0: i32) -> (i32, i32) {
    %c0_i32 = arith.constant 0 : i32
    %c0_i32_0 = arith.constant 0 : i32
    return %c0_i32, %arg0 : i32, i32
  }
  func.func @transform_1(%arg0: i32) -> (i32, i32) {
    %c0_i32 = arith.constant 0 : i32
    %c0_i32_0 = arith.constant 0 : i32
    return %arg0, %c0_i32 : i32, i32
  }
}

module attributes {stable_mosaic.version = 14 : i64} {
  func.func @_fc_body(%arg0: i32, %arg1: memref<2048x32xf32, #tpu.memory_space<vmem>>, %arg2: memref<32x128xf32, #tpu.memory_space<vmem>>, %arg3: memref<1x128xf32, #tpu.memory_space<vmem>>, %arg4: memref<128x10xf32, #tpu.memory_space<vmem>>, %arg5: memref<1x10xf32, #tpu.memory_space<vmem>>, %arg6: memref<2048x10xf32, #tpu.memory_space<vmem>>) attributes {dimension_semantics = [#tpu.dimension_semantics<arbitrary>], iteration_bounds = array<i64: 8>, scalar_prefetch = 0 : i64, scratch_operands = 0 : i64, tpu.core_type = #tpu.core_type<tc>, window_params = [{transform_indices = @transform_0, window_bounds = array<i64: 2048, 32>}, {pipeline_mode = #tpu.pipeline_mode<synchronous>, transform_indices = @transform_1, window_bounds = array<i64: 32, 128>}, {pipeline_mode = #tpu.pipeline_mode<synchronous>, transform_indices = @transform_2, window_bounds = array<i64: 1, 128>}, {pipeline_mode = #tpu.pipeline_mode<synchronous>, transform_indices = @transform_3, window_bounds = array<i64: 128, 10>}, {pipeline_mode = #tpu.pipeline_mode<synchronous>, transform_indices = @transform_4, window_bounds = array<i64: 1, 10>}, {transform_indices = @transform_5, window_bounds = array<i64: 2048, 10>}]} {
    %get3A = arith.constant 0 : index
    %get3A_0 = arith.constant 0 : index
    %get3A_1 = vector.load %arg1[%get3A, %get3A_0] : memref<2048x32xf32, #tpu.memory_space<vmem>>, vector<2048x32xf32>
    %get3A_2 = arith.constant 0 : index
    %get3A_3 = arith.constant 0 : index
    %get3A_4 = vector.load %arg2[%get3A_2, %get3A_3] : memref<32x128xf32, #tpu.memory_space<vmem>>, vector<32x128xf32>
    %dot_general3A = arith.constant dense<0.000000e+00> : vector<2048x128xf32>
    %dot_general3A_5 = tpu.matmul %get3A_1, %get3A_4, %dot_general3A {dimension_numbers = #tpu.dot_dimension_numbers<[1], [0], [0], [1], [0, 0, 1, 1], [], []>, transpose_lhs_hint = false} : vector<2048x32xf32>, vector<32x128xf32>, vector<2048x128xf32> -> vector<2048x128xf32>
    %get3A_6 = arith.constant 0 : index
    %get3A_7 = arith.constant 0 : index
    %get3A_8 = vector.load %arg3[%get3A_6, %get3A_7] : memref<1x128xf32, #tpu.memory_space<vmem>>, vector<1x128xf32>
    %add3A = vector.broadcast %get3A_8 : vector<1x128xf32> to vector<2048x128xf32>
    %add3A_9 = arith.addf %dot_general3A_5, %add3A : vector<2048x128xf32>
    %max3A = arith.constant 0.000000e+00 : f32
    %max3A_10 = vector.broadcast %max3A : f32 to vector<2048x128xf32>
    %max3A_11 = arith.maximumf %add3A_9, %max3A_10 : vector<2048x128xf32>
    %get3A_12 = arith.constant 0 : index
    %get3A_13 = arith.constant 0 : index
    %get3A_14 = vector.load %arg4[%get3A_12, %get3A_13] : memref<128x10xf32, #tpu.memory_space<vmem>>, vector<128x10xf32>
    %dot_general3A_15 = arith.constant dense<0.000000e+00> : vector<2048x10xf32>
    %dot_general3A_16 = tpu.matmul %max3A_11, %get3A_14, %dot_general3A_15 {dimension_numbers = #tpu.dot_dimension_numbers<[1], [0], [0], [1], [0, 0, 1, 1], [], []>, transpose_lhs_hint = false} : vector<2048x128xf32>, vector<128x10xf32>, vector<2048x10xf32> -> vector<2048x10xf32>
    %get3A_17 = arith.constant 0 : index
    %get3A_18 = arith.constant 0 : index
    %get3A_19 = vector.load %arg5[%get3A_17, %get3A_18] : memref<1x10xf32, #tpu.memory_space<vmem>>, vector<1x10xf32>
    %add3A_20 = vector.broadcast %get3A_19 : vector<1x10xf32> to vector<2048x10xf32>
    %add3A_21 = arith.addf %dot_general3A_16, %add3A_20 : vector<2048x10xf32>
    %swap3A = arith.constant 0 : index
    %swap3A_22 = arith.constant 0 : index
    %swap3A_23 = vector.load %arg6[%swap3A, %swap3A_22] : memref<2048x10xf32, #tpu.memory_space<vmem>>, vector<2048x10xf32>
    tpu.vector_store %arg6[%swap3A, %swap3A_22], %add3A_21 {strides = array<i32>} : memref<2048x10xf32, #tpu.memory_space<vmem>>, vector<2048x10xf32>,
    return
  }
  func.func @transform_0(%arg0: i32) -> (i32, i32) {
    %c0_i32 = arith.constant 0 : i32
    %c0_i32_0 = arith.constant 0 : i32
    return %arg0, %c0_i32 : i32, i32
  }
  func.func @transform_1(%arg0: i32) -> (i32, i32) {
    %c0_i32 = arith.constant 0 : i32
    %c0_i32_0 = arith.constant 0 : i32
    %c0_i32_1 = arith.constant 0 : i32
    return %c0_i32, %c0_i32_0 : i32, i32
  }
  func.func @transform_2(%arg0: i32) -> (i32, i32) {
    %c0_i32 = arith.constant 0 : i32
    %c0_i32_0 = arith.constant 0 : i32
    %c0_i32_1 = arith.constant 0 : i32
    return %c0_i32, %c0_i32_0 : i32, i32
  }
  func.func @transform_3(%arg0: i32) -> (i32, i32) {
    %c0_i32 = arith.constant 0 : i32
    %c0_i32_0 = arith.constant 0 : i32
    %c0_i32_1 = arith.constant 0 : i32
    return %c0_i32, %c0_i32_0 : i32, i32
  }
  func.func @transform_4(%arg0: i32) -> (i32, i32) {
    %c0_i32 = arith.constant 0 : i32
    %c0_i32_0 = arith.constant 0 : i32
    %c0_i32_1 = arith.constant 0 : i32
    return %c0_i32, %c0_i32_0 : i32, i32
  }
  func.func @transform_5(%arg0: i32) -> (i32, i32) {
    %c0_i32 = arith.constant 0 : i32
    %c0_i32_0 = arith.constant 0 : i32
    return %arg0, %c0_i32 : i32, i32
  }
}

</mosaic_0001>

<sc_bundles>
// kernel: kernel.5.cloned.1.call-start
scs
__scs_entry_jumppad:
0x0: {  	(pc) =	sbr.rel $0x88, $3  }
0x1: {  	(tag) =	ssettag $0x0;
	lr =	simm.s32 $0x1  }
0x2: {  	[smem:$0x3F9B] =	sst lr;
	_ =	strace $0xD0000000  }
0x3: {  	_ = 	snop  }
0x4: {  	_ = 	snop  }
0x5: {  	_ = 	snop  }
0x6: {  	_ = 	snop  }
0x7: {  	_ = 	snop  }
__scs_overlays_trampoline_lowered:
0x8: {  	[smem:$0x3FAA] =	sst s0  }
0x9: {  	[smem:$0x3FAB] =	sst s1  }
0xa: {  	[smem:$0x3FAC] =	sst s2  }
0xb: {  	[smem:$0x3FAD] =	sst s3  }
0xc: {  	[smem:$0x3FAE] =	sst s4  }
0xd: {  	[smem:$0x3FAF] =	sst s5  }
0xe: {  	[smem:$0x3FB0] =	sst s6  }
0xf: {  	[smem:$0x3FB1] =	sst s7  }
0x10: {  	[smem:$0x3FB2] =	sst s8  }
0x11: {  	[smem:$0x3FB3] =	sst s9;
	s0 =	simm.s32 @!p0 $0x0  }
0x12: {  	s1 =	sld [smem:$0x3F99];
	s0 =	simm.s32 @p0 $0x1  }
0x13: {  	[smem:$0x3FB4] =	sst s0;
	s0 =	simm.s32 @!p1 $0x0  }
0x14: {  	s2 =	sld [smem:$0x3F98];
	s0 =	simm.s32 @p1 $0x1  }
0x15: {  	[smem:$0x3FB5] =	sst s0;
	s0 =	simm.s32 @!p2 $0x0  }
0x16: {  	s3 =	sld [smem:$0x3FDB];
	s0 =	simm.s32 @p2 $0x1  }
0x17: {  	s4 =	simm.s32 $0x1BF5;
	[smem:$0x3FB7] =	sst s0  }
0x18: {  	s0 =	sld [smem:$0x3F9A];
	_ =	swait.ge [sflag:s4], $0x0  }
0x19: {  	s7 =	sld [smem:$0x3F9B]  }
0x1a: {  	s8 =	sadd.s32 $0xFFFFE003, lr  }
0x1b: {  	s9 =	sadd.s32 $0xFFFFFEF7, lr;
	s5 =	simm.s32 $0xFFFFFFFF;
	p2 =	slt.u32 s8, $0xFFFFF086  }
0x1c: {  	p1 =	slt.u32 s9, $0xF7A;
	s5 =	simm.s32 @!p2 $0x0  }
0x1d: {  	s5 =	simm.s32 @p1 $0x1;
	p0 =	seq.s32 s7, s2  }
0x1e: {  	s7 =	smul.u32 @!p0 $0xF7A, s2;
	p2 =	seq.s32 @!p0 s5, $0x0  }
0x1f: {  	s9 =	smul.u32 $0xF7A, s1;
	s8 =	simm.s32 @!p0 $0x1BF5;
	p2 =	por !p2, p0  }
0x20: {  	[sflag:s8] =	ssyncset.s32 @!p0 $0xFFFFF086;
	s6 =	sadd.s32 @!p0 s3, s7;
	s7 =	simm.s32 @!p0 $0x108  }
0x21: {  	s3 =	sadd.s32 s3, s9;
	s6 =	sadd.s32 @!p0 $0x88, s6;
	s7 =	simm.s32 @p2 $0x1082  }
0x22: {  	[simem:s7], [sflag:s8] =	dma.local @!p0 [hbm:s6], $0xF7A  }
0x23: {  	s9 =	sor.u32 $0xD0000000, s2;
	s6 =	simm.s32 $0x108;
	_ =	swait.ge @!p0 [sflag:s8], $0x0  }
0x24: {  	s3 =	sadd.s32 $0x88, s3;
	s6 =	simm.s32 @!p1 $0x1082;
	[sflag:s4] =	ssyncset.s32 $0xFFFFF086  }
0x25: {  	[simem:s6], [sflag:s4] =	dma.local [hbm:s3], $0xF7A  }
0x26: {  	[smem:$0x3F9B] =	sst s1;
	(tag) =	ssettag s2;
	_ =	strace s9  }
0x27: {  	s1 =	sld [smem:$0x3FAB]  }
0x28: {  	s2 =	sld [smem:$0x3FAC]  }
0x29: {  	s4 =	sld [smem:$0x3FAE]  }
0x2a: {  	p0 =	seq.s32 s5, $0x0;
	s5 =	sld [smem:$0x3FAF]  }
0x2b: {  	s6 =	sld [smem:$0x3FB0]  }
0x2c: {  	s7 =	sld [smem:$0x3FB1]  }
0x2d: {  	s3 =	simm.s32 $0x108;
	s8 =	sld [smem:$0x3FB2]  }
0x2e: {  	s3 =	simm.s32 @!p0 $0x1082;
	s9 =	sld [smem:$0x3FB3]  }
0x2f: {  	lr =	sadd.s32 s0, s3;
	s0 =	sld [smem:$0x3FAA]  }
0x30: {  	s3 =	sld [smem:$0x3FAD]  }
0x31: {  	[smem:$0x3FB6] =	sst s10  }
0x32: {  	s10 =	sld [smem:$0x3FB4];
	_ =	sdelay $0x3  }
0x33: {  	p0 =	seq.s32 s10, $0x1;
	s10 =	sld [smem:$0x3FB6];
	_ =	sdelay $0x3  }
0x34: {  	[smem:$0x3FB6] =	sst s10  }
0x35: {  	s10 =	sld [smem:$0x3FB5];
	_ =	sdelay $0x3  }
0x36: {  	p1 =	seq.s32 s10, $0x1;
	s10 =	sld [smem:$0x3FB6];
	_ =	sdelay $0x3  }
0x37: {  	[smem:$0x3FB6] =	sst s10  }
0x38: {  	s10 =	sld [smem:$0x3FB7]  }
0x39: {  	_ = 	snop;
	(pc) =	sbr.ind lr, $3  }
0x3a: {  	_ = 	snop  }
0x3b: {  	_ = 	snop  }
0x3c: {  	p2 =	seq.s32 s10, $0x1;
	s10 =	sld [smem:$0x3FB6]  }
0x3d: {  	_ =	shalt  }
0x3e: {  	_ =	shalt  }
0x3f: {  	_ =	shalt  }
0x40: {  	_ =	shalt  }
0x41: {  	_ =	shalt  }
0x42: {  	_ =	shalt  }
0x43: {  	_ =	shalt  }
0x44: {  	_ =	shalt  }
0x45: {  	_ =	shalt  }
0x46: {  	_ =	shalt  }
0x47: {  	_ =	shalt  }
0x48: {  	_ =	shalt  }
0x49: {  	_ =	shalt  }
0x4a: {  	_ =	shalt  }
0x4b: {  	_ =	shalt  }
0x4c: {  	_ =	shalt  }
0x4d: {  	_ =	shalt  }
0x4e: {  	_ =	shalt  }
0x4f: {  	_ =	shalt  }
0x50: {  	_ =	shalt  }
0x51: {  	_ =	shalt  }
0x52: {  	_ =	shalt  }
0x53: {  	_ =	shalt  }
0x54: {  	_ =	shalt  }
0x55: {  	_ =	shalt  }
0x56: {  	_ =	shalt  }
0x57: {  	_ =	shalt  }
0x58: {  	_ =	shalt  }
0x59: {  	_ =	shalt  }
0x5a: {  	_ =	shalt  }
0x5b: {  	_ =	shalt  }
0x5c: {  	_ =	shalt  }
0x5d: {  	_ =	shalt  }
0x5e: {  	_ =	shalt  }
0x5f: {  	_ =	shalt  }
0x60: {  	_ =	shalt  }
0x61: {  	_ =	shalt  }
0x62: {  	_ =	shalt  }
0x63: {  	_ =	shalt  }
0x64: {  	_ =	shalt  }
0x65: {  	_ =	shalt  }
0x66: {  	_ =	shalt  }
0x67: {  	_ =	shalt  }
0x68: {  	_ =	shalt  }
0x69: {  	_ =	shalt  }
0x6a: {  	_ =	shalt  }
0x6b: {  	_ =	shalt  }
0x6c: {  	_ =	shalt  }
0x6d: {  	_ =	shalt  }
0x6e: {  	_ =	shalt  }
0x6f: {  	_ =	shalt  }
0x70: {  	_ =	shalt  }
0x71: {  	_ =	shalt  }
0x72: {  	_ =	shalt  }
0x73: {  	_ =	shalt  }
0x74: {  	_ =	shalt  }
0x75: {  	_ =	shalt  }
0x76: {  	_ =	shalt  }
0x77: {  	_ =	shalt  }
0x78: {  	_ =	shalt  }
0x79: {  	_ =	shalt  }
0x7a: {  	_ =	shalt  }
0x7b: {  	_ =	shalt  }
0x7c: {  	_ =	shalt  }
0x7d: {  	_ =	shalt  }
0x7e: {  	_ =	shalt  }
0x7f: {  	_ =	shalt  }
0x80: {  	_ =	shalt  }
0x81: {  	_ =	shalt  }
0x82: {  	_ =	shalt  }
0x83: {  	_ =	shalt  }
0x84: {  	_ =	shalt  }
0x85: {  	_ =	shalt  }
0x86: {  	_ =	shalt  }
0x87: {  	_ =	shalt  }
.Lfunc_end0:
.L_simem_size_0:
called_computation_lowered:
.L_overlay_start_0:
0x88: {  	s2 =	sld [smem:$0x3FD9]  }
0x89: {  	s3 =	sld [smem:$0x3FFE];
	_ =	sdelay $0x1  }
0x8a: {  	s1 =	srdreg.scid  }
0x8b: {  	s0 =	sand.u32 $0x1, s1  }
0x8c: {  	s16 =	sshll.u32 s0, $0xA;
	s2 =	sadd.s32 s3, s2  }
0x8d: {  	s2 =	sadd.s32 s2, s16  }
0x8e: {  	[smem:$0x3FC2] =	sst s2  }
0x8f: {  	_ = 	snop  }
0x90: {  	(tm) =	ssettm $0x1  }
0x91: {  	s17 =	sld [smem:$0x3FFB];
	_ =	sdelay $0x3  }
0x92: {  	_ =	strace s17  }
0x93: {  	s2 =	sld [smem:$0x3FFC];
	_ =	sdelay $0x3  }
0x94: {  	_ =	strace s2  }
0x95: {  	s2 =	sld [smem:$0x3FFD];
	_ =	sdelay $0x3  }
0x96: {  	_ =	strace s2  }
0x97: {  	_ =	strace $0x8FFFFFFF  }
0x98: {  	s18 =	sld [smem:$0x3FDB];
	_ =	sdelay $0x1  }
0x99: {  	s19 =	simm.s32 $_scs_section_size  }
0x9a: {  	s4 =	simm.s32 $_size__tile_overlayer_lowered;
	s5 =	simm.s32 $_tile_overlayer_lowered  }
0x9b: {  	s22 =	simm.s32 $0x1BFF;
	s21 =	sshll.u32 s5, $0x1;
	s2 =	sadd.s32 s19, s18  }
0x9c: {  	s6 =	simm.s32 $0x0;
	s20 =	sshll.u32 s4, $0x1;
	s4 =	sadd.s32 s21, s2  }
0x9d: {  	[timem:s6], [sflag:s22] =	dma.local [hbm:s4], s20  }
0x9e: {  	_ =	swait.ge [sflag:s22], s20  }
0x9f: {  	s3 =	ssub.s32 $0x0, s20;
	[sflag:s22] =	ssyncset.done $0x0  }
0xa0: {  	[sflag:s22] =	ssyncadd.s32 s3;
	_ =	sdelay $0x1  }
0xa1: {  	s23 =	simm.s32 $0x1B8B  }
0xa2: {  	_ =	swait.ge [sflag:s23], $0x1  }
0xa3: {  	[sflag:s23] =	ssyncset.done $0x0  }
0xa4: {  	s25 =	simm.s32 $0x1B8E;
	s24 =	sld [smem:$0x3FFE];
	[sflag:s23] =	ssyncadd.s32 $0xFFFFFFFF  }
0xa5: {  	s26 =	simm.s32 $execute0_lowered;
	[smem:$0x3FD2] =	sst s25  }
0xa6: {  	s4 =	sshll.u32 s26, $0x1;
	_ =	strace $0x80000046;
	[dreg:$0x1] =	wrdreg $0xFFFFFFFF  }
0xa7: {  	s28 =	simm.s32 $_size_execute0_lowered;
	s2 =	sadd.s32 s2, s4;
	[dreg:$0x0] =	wrdreg $0x0  }
0xa8: {  	s4 =	sshll.u32 s28, $0x1;
	[dreg:$0x2] =	wrdreg s2  }
0xa9: {  	[dreg:$0x3] =	wrdreg s4  }
0xaa: {  	[dreg:$0x4] =	wrdreg $0xC0  }
0xab: {  	_ =	task [dreg:s6], $0x5FFFF  }
0xac: {  	[dreg:$0x1] =	wrdreg $0xFFFFFFFF  }
0xad: {  	[dreg:$0x0] =	wrdreg $0x60  }
0xae: {  	[dreg:$0x2] =	wrdreg s24  }
0xaf: {  	[dreg:$0x3] =	wrdreg $0x9  }
0xb0: {  	_ =	task.clear_ibuf [dreg:s6], $0x4FFFF;
	_ =	strace $0x90000046  }
0xb1: {  	s29 =	simm.s32 $0x9;
	_ =	strace $0x80000048  }
0xb2: {  	_ =	swait.ge [sflag:s29], $0x1  }
0xb3: {  	[sflag:s29] =	ssyncadd.s32 $0xFFFFFFFF  }
0xb4: {  	_ =	strace $0x90000048  }
0xb5: {  	_ =	sfence  }
0xb6: {  	s30 =	sld [smem:$0x0];
	_ =	sdelay $0x2  }
0xb7: {  	s31 =	sshll.u32 s1, $0xD;
	s1 =	sshrl.u32 s1, $0x2  }
0xb8: {  	s3 =	sand.u32 $0x4000, s31;
	s1 =	sadd.s32 s1, s30  }
0xb9: {  	s0 =	sor.u32 s3, s0;
	s1 =	sshll.u32 s1, $0x11  }
0xba: {  	s0 =	sor.u32 s1, s0  }
0xbb: {  	s0 =	sadd.s32 $0x8F2B, s0  }
0xbc: {  	[sflag:s0] =	ssyncadd.remote.s32 $0x1  }
0xbd: {  	_ =	sfence.sel $0xFFFF  }
0xbe: {  	[dreg:$0x0] =	wrdreg $0xFFFFFFFF;
	(pc) =	sbr.abs _section_cstart, $3  }
0xbf: {  	[dreg:$0x1] =	wrdreg $0xFFFFFFFF  }
0xc0: {  	_ =	task.clear_ibuf [dreg:s6], $0x2FFFF;
	_ =	strace $0x9FFFFFFF  }
0xc1: {  	(tm) =	ssettm $0x7FFFFFFF  }
tec
execute0_lowered:
.L_overlay_start_1:
0x0: {  	(tag) =	ssettag $0x1  }
0x1: {  	s0 =	rddreg [dreg:$0x0];
	s1 =	srdreg.scid  }
0x2: {  	s3 =	stileid.u32;
	s2 =	simm.s32 $0x0;
	s9 =	simm.s32 $0x60  }
0x3: {  	s11 =	simm.s32 $0x68;
	s14 =	simm.s32 $0xD480;
	s15 =	simm.s32 $0x128  }
0x4: {  	s16 =	simm.s32 $0xDA80;
	s17 =	simm.s32 $0x190;
	s18 =	simm.s32 $0xE100  }
0x5: {  	s19 =	simm.s32 $0x1F0;
	s20 =	simm.s32 $0xE700;
	s21 =	simm.s32 $0x258  }
0x6: {  	s22 =	simm.s32 $0xED80;
	s23 =	simm.s32 $0x2B8;
	s24 =	simm.s32 $0xF380  }
0x7: {  	s25 =	simm.s32 $0x1;
	s26 =	simm.s32 $0x2;
	s28 =	simm.s32 $0x3  }
0x8: {  	s29 =	simm.s32 $0x4;
	s31 =	simm.s32 $0x0;
	s1 =	sand.u32 $0x1, s1  }
0x9: {  	s3 =	sshll.u32 s3, $0xA;
	[smem:$0x7FF] =	sst s2;
	s4 =	sshll.u32 s1, $0x9  }
0xa: {  	s5 =	sadd.s32 $0xC00, s0;
	_ =	strace $0x80000047;
	s4 =	sor.u32 s4, s3  }
0xb: {  	s1 =	ssub.s32 $0x2, s1;
	s3 =	sadd.s32 $0x64C00, s0;
	s6 =	smul.u32 $0xC8, s4  }
0xc: {  	s8 =	sshrl.u32 s1, $0x1;
	s7 =	sshll.u32 s4, $0x2;
	s4 =	smul.u32 $0x19, s4  }
0xd: {  	s1 =	ssub.s32 s1, s8;
	s8 =	simm.s32 $0x5;
	s6 =	sshrl.u32 s6, $0x3  }
0xe: {  	s0 =	sadd.s32 s7, s0;
	s7 =	smax.u32 s1, $0x1;
	s6 =	sadd.s32 s5, s6  }
0xf: {  	s4 =	sadd.s32 s5, s4;
	s5 =	sadd.s32 $0x1900, s6;
	s6 =	sadd.s32 $0x24D200, s0  }
.LBB2_1:
0x10: {  	[tilespmem:s2], [sflag:$0x5] =	stream.linear.gather [hbm4b:s4+s2], $0xC800, $0x38;
	[tilespmem:$0x13A00] =	vst v63  }
0x11: {  	_ =	swait.ge [sflag:s8], $0xC800  }
0x12: {  	[sflag:s8] =	ssyncset.done $0x0  }
0x13: {  	s0 =	simm.s32 $0xC800;
	[sflag:s8] =	ssyncadd.s32 $0xFFFF3800  }
0x14: {  	[tilespmem:s0], [sflag:$0x1] =	stream.indirect.gather [hbm4b:s3+s9], $0x10, s2, s9, $0xb8;
	[tilespmem:$0x13A00] =	vst v63  }
0x15: {  	s13 =	simm.s32 $0xCE00  }
0x16: {  	[tilespmem:s13], [sflag:$0x1] =	stream.indirect.gather [hbm4b:s3+s11], $0x10, s9, s11, $0xb8;
	[tilespmem:$0x13A00] =	vst v63  }
0x17: {  	s30 =	simm.s32 $0xC8  }
0x18: {  	[tilespmem:s14], [sflag:$0x2] =	stream.indirect.gather [hbm4b:s3+s9], $0x10, s30, s9, $0xb8;
	[tilespmem:$0x13A00] =	vst v63  }
0x19: {  	_ = 	snop  }
0x1a: {  	[tilespmem:s16], [sflag:$0x2] =	stream.indirect.gather [hbm4b:s3+s11], $0x10, s15, s11, $0xb8;
	[tilespmem:$0x13A00] =	vst v63  }
0x1b: {  	_ = 	snop  }
0x1c: {  	[tilespmem:s18], [sflag:$0x3] =	stream.indirect.gather [hbm4b:s3+s9], $0x10, s17, s9, $0xb8;
	[tilespmem:$0x13A00] =	vst v63  }
0x1d: {  	_ = 	snop  }
0x1e: {  	[tilespmem:s20], [sflag:$0x3] =	stream.indirect.gather [hbm4b:s3+s11], $0x10, s19, s11, $0xb8;
	[tilespmem:$0x13A00] =	vst v63  }
0x1f: {  	_ = 	snop  }
0x20: {  	[tilespmem:s22], [sflag:$0x4] =	stream.indirect.gather [hbm4b:s3+s9], $0x10, s21, s9, $0xb8;
	[tilespmem:$0x13A00] =	vst v63  }
0x21: {  	s0 =	simm.s32 $0x0  }
0x22: {  	[tilespmem:s24], [sflag:$0x4] =	stream.indirect.gather [hbm4b:s3+s11], $0x10, s23, s11, $0xb8;
	[tilespmem:$0x13A00] =	vst v63  }
.LBB2_2:
0x23: {  	_ =	swait.ge [sflag:s25], $0x600  }
0x24: {  	p0 =	seq.s32 s0, $0x3F;
	[sflag:s25] =	ssyncset.done $0x0  }
0x25: {  	s1 =	smul.u32 @!p0 $0xC80, s0;
	[sflag:s25] =	ssyncadd.s32 $0xFFFFFA00  }
0x26: {  	s13 =	simm.s32 $0xC840;
	_ =	swait.ge [sflag:s25], $0x680  }
0x27: {  	s12 =	simm.s32 @!p0 $0x60;
	s1 =	sshra.s32 @!p0 s1, $0x2;
	[sflag:s25] =	ssyncset.done $0x0  }
0x28: {  	s30 =	simm.s32 @!p0 $0xC800;
	s10 =	sadd.s32 @!p0 $0x320, s1;
	[sflag:s25] =	ssyncadd.s32 $0xFFFFF980  }
0x29: {  	[tilespmem:s30], [sflag:$0x1] =	stream.indirect.gather @!p0 [hbm4b:s3+s12], $0x10, s10, s12, $0xb8;
	[tilespmem:$0x13A00] =	vst v63  }
0x2a: {  	s10 =	sadd.s32 @!p0 $0x380, s1;
	s12 =	simm.s32 @!p0 $0x68;
	s30 =	simm.s32 @!p0 $0xCE00  }
0x2b: {  	[tilespmem:s30], [sflag:$0x1] =	stream.indirect.gather @!p0 [hbm4b:s3+s12], $0x10, s10, s12, $0xb8;
	[tilespmem:$0x13A00] =	vst v63  }
0x2c: {  	v0 =	vld [tilespmem:s13+$0xFFFFFFC0];
	_ =	sdelay $0x1  }
0x2d: {  	v1 =	vld [tilespmem:s13+$0xFFFFFFD0];
	_ =	sdelay $0x1  }
0x2e: {  	v2 =	vld [tilespmem:s13+$0xFFFFFFE0]  }
0x2f: {  	v3 =	vimm.f32 $0.0e+00;
	v4 =	vshll.u32 v0, $0x10;
	v0 =	vand.u32 $0xFFFF0000, v0  }
0x30: {  	v5 =	vld [tilespmem:s13+$0xFFFFFFF0];
	v4 =	vadd.f32 v4, v3;
	v0 =	vadd.f32 v0, v3  }
0x31: {  	v3 =	vshll.u32 v1, $0x10;
	v1 =	vand.u32 $0xFFFF0000, v1  }
0x32: {  	v3 =	vadd.f32 v3, v4;
	v4 =	vld [tilespmem:s13+$0x0];
	v0 =	vadd.f32 v1, v0  }
0x33: {  	v1 =	vshll.u32 v2, $0x10;
	v2 =	vand.u32 $0xFFFF0000, v2  }
0x34: {  	v6 =	vld [tilespmem:s13+$0x10];
	v1 =	vadd.f32 v1, v3;
	v0 =	vadd.f32 v2, v0  }
0x35: {  	v2 =	vshll.u32 v5, $0x10;
	v3 =	vand.u32 $0xFFFF0000, v5  }
0x36: {  	v1 =	vadd.f32 v2, v1;
	v3 =	vadd.f32 v3, v0;
	v0 =	vld [tilespmem:s13+$0x20]  }
0x37: {  	v2 =	vshll.u32 v4, $0x10;
	v4 =	vand.u32 $0xFFFF0000, v4  }
0x38: {  	v2 =	vadd.f32 v2, v1;
	v3 =	vadd.f32 v4, v3;
	v1 =	vld [tilespmem:s13+$0x30]  }
0x39: {  	s30 =	simm.s32 $0x0;
	s10 =	simm.s32 $0xC8C0;
	v5 =	vand.u32 $0xFFFF0000, v6;
	v4 =	vshll.u32 v6, $0x10  }
.LBB2_3:
0x3a: {  	v6 =	vld [tilespmem:s10+$0xFFFFFFC0];
	s30 =	sadd.s32 $0x8, s30;
	v2 =	vadd.f32 v4, v2;
	v3 =	vadd.f32 v5, v3  }
0x3b: {  	p1 =	slt.u32 s30, $0xC0;
	v4 =	vshll.u32 v0, $0x10;
	v0 =	vand.u32 $0xFFFF0000, v0  }
0x3c: {  	v5 =	vld [tilespmem:s10+$0xFFFFFFD0];
	v2 =	vadd.f32 v4, v2;
	v0 =	vadd.f32 v0, v3  }
0x3d: {  	v3 =	vshll.u32 v1, $0x10;
	v1 =	vand.u32 $0xFFFF0000, v1  }
0x3e: {  	v4 =	vld [tilespmem:s10+$0xFFFFFFE0];
	v2 =	vadd.f32 v3, v2;
	v0 =	vadd.f32 v1, v0  }
0x3f: {  	v1 =	vshll.u32 v6, $0x10;
	v3 =	vand.u32 $0xFFFF0000, v6  }
0x40: {  	v1 =	vadd.f32 v1, v2;
	v0 =	vadd.f32 v3, v0;
	v2 =	vld [tilespmem:s10+$0xFFFFFFF0]  }
0x41: {  	v3 =	vshll.u32 v5, $0x10;
	v5 =	vand.u32 $0xFFFF0000, v5  }
0x42: {  	v1 =	vadd.f32 v3, v1;
	v0 =	vadd.f32 v5, v0;
	v3 =	vld [tilespmem:s10+$0x0]  }
0x43: {  	v5 =	vshll.u32 v4, $0x10;
	v4 =	vand.u32 $0xFFFF0000, v4  }
0x44: {  	v1 =	vadd.f32 v5, v1;
	v0 =	vadd.f32 v4, v0;
	v5 =	vld [tilespmem:s10+$0x10]  }
.Ltmp0:
0x45: {  	v4 =	vshll.u32 v2, $0x10;
	v2 =	vand.u32 $0xFFFF0000, v2;
	(pc) =	sbr.rel @p1 .LBB2_3-.Ltmp0, $4  }
0x46: {  	v1 =	vadd.f32 v4, v1;
	v4 =	vadd.f32 v2, v0;
	v0 =	vld [tilespmem:s10+$0x20]  }
0x47: {  	v2 =	vshll.u32 v3, $0x10;
	v3 =	vand.u32 $0xFFFF0000, v3  }
0x48: {  	v2 =	vadd.f32 v2, v1;
	v3 =	vadd.f32 v3, v4;
	v1 =	vld [tilespmem:s10+$0x30]  }
0x49: {  	s10 =	sadd.s32 $0x80, s10;
	v4 =	vshll.u32 v5, $0x10;
	v5 =	vand.u32 $0xFFFF0000, v5  }
0x4a: {  	v2 =	vadd.f32 v4, v2  }
0x4b: {  	v3 =	vadd.f32 v5, v3;
	v4 =	vshll.u32 v0, $0x10  }
0x4c: {  	v0 =	vand.u32 $0xFFFF0000, v0;
	v2 =	vadd.f32 v4, v2  }
0x4d: {  	v0 =	vadd.f32 v0, v3;
	v3 =	vshll.u32 v1, $0x10  }
0x4e: {  	v1 =	vand.u32 $0xFFFF0000, v1;
	v2 =	vadd.f32 v3, v2  }
0x4f: {  	v0 =	vadd.f32 v1, v0  }
0x50: {  	s10 =	sshll.u32 s0, $0x7;
	v1 =	vmul.f32 $4.999999890e-03, v2  }
0x51: {  	s30 =	sand.u32 $0x3FFFFF80, s10;
	v0 =	vmul.f32 $4.999999890e-03, v0  }
0x52: {  	[tilespmem:s30+$0xFA00] =	vst v1  }
0x53: {  	[tilespmem:s30+$0xFA10] =	vst v0  }
0x54: {  	_ =	swait.ge [sflag:s26], $0x600  }
0x55: {  	[sflag:s26] =	ssyncset.done $0x0  }
0x56: {  	[sflag:s26] =	ssyncadd.s32 $0xFFFFFA00  }
0x57: {  	_ =	swait.ge [sflag:s26], $0x680  }
0x58: {  	s12 =	simm.s32 @!p0 $0x60;
	[sflag:s26] =	ssyncset.done $0x0  }
0x59: {  	s13 =	simm.s32 @!p0 $0xD480;
	s10 =	sadd.s32 @!p0 $0x3E8, s1;
	[sflag:s26] =	ssyncadd.s32 $0xFFFFF980  }
0x5a: {  	[tilespmem:s13], [sflag:$0x2] =	stream.indirect.gather @!p0 [hbm4b:s3+s12], $0x10, s10, s12, $0xb8;
	[tilespmem:$0x13A00] =	vst v63  }
0x5b: {  	s10 =	sadd.s32 @!p0 $0x448, s1;
	s12 =	simm.s32 @!p0 $0x68;
	s13 =	simm.s32 @!p0 $0xDA80  }
0x5c: {  	[tilespmem:s13], [sflag:$0x2] =	stream.indirect.gather @!p0 [hbm4b:s3+s12], $0x10, s10, s12, $0xb8;
	[tilespmem:$0x13A00] =	vst v63  }
0x5d: {  	s13 =	simm.s32 $0xD4F0  }
0x5e: {  	v0 =	vld [tilespmem:s13+$0xFFFFFF90];
	_ =	sdelay $0x1  }
0x5f: {  	v1 =	vld [tilespmem:s13+$0xFFFFFFA0];
	_ =	sdelay $0x1  }
0x60: {  	v2 =	vld [tilespmem:s13+$0xFFFFFFB0]  }
0x61: {  	v3 =	vimm.f32 $0.0e+00;
	v4 =	vshll.u32 v0, $0x10;
	v0 =	vand.u32 $0xFFFF0000, v0  }
0x62: {  	v5 =	vld [tilespmem:s13+$0xFFFFFFC0];
	v4 =	vadd.f32 v4, v3;
	v0 =	vadd.f32 v0, v3  }
0x63: {  	v3 =	vshll.u32 v1, $0x10;
	v1 =	vand.u32 $0xFFFF0000, v1  }
0x64: {  	v3 =	vadd.f32 v3, v4;
	v4 =	vld [tilespmem:s13+$0xFFFFFFD0];
	v0 =	vadd.f32 v1, v0  }
0x65: {  	v1 =	vshll.u32 v2, $0x10;
	v2 =	vand.u32 $0xFFFF0000, v2  }
0x66: {  	v6 =	vld [tilespmem:s13+$0xFFFFFFE0];
	v1 =	vadd.f32 v1, v3;
	v0 =	vadd.f32 v2, v0  }
0x67: {  	v2 =	vshll.u32 v5, $0x10;
	v3 =	vand.u32 $0xFFFF0000, v5  }
0x68: {  	v1 =	vadd.f32 v2, v1;
	v3 =	vadd.f32 v3, v0;
	v0 =	vld [tilespmem:s13+$0xFFFFFFF0]  }
0x69: {  	v2 =	vshll.u32 v4, $0x10;
	v4 =	vand.u32 $0xFFFF0000, v4  }
0x6a: {  	v2 =	vadd.f32 v2, v1;
	v3 =	vadd.f32 v4, v3;
	v1 =	vld [tilespmem:s13+$0x0]  }
0x6b: {  	s10 =	simm.s32 $0x0;
	s12 =	simm.s32 $0xD570;
	v5 =	vand.u32 $0xFFFF0000, v6;
	v4 =	vshll.u32 v6, $0x10  }
.LBB2_5:
0x6c: {  	v6 =	vld [tilespmem:s12+$0xFFFFFF90];
	s10 =	sadd.s32 $0x8, s10;
	v2 =	vadd.f32 v4, v2;
	v3 =	vadd.f32 v5, v3  }
0x6d: {  	p1 =	slt.u32 s10, $0xC0;
	v4 =	vshll.u32 v0, $0x10;
	v0 =	vand.u32 $0xFFFF0000, v0  }
0x6e: {  	v5 =	vld [tilespmem:s12+$0xFFFFFFA0];
	v2 =	vadd.f32 v4, v2;
	v0 =	vadd.f32 v0, v3  }
0x6f: {  	v3 =	vshll.u32 v1, $0x10;
	v1 =	vand.u32 $0xFFFF0000, v1  }
0x70: {  	v4 =	vld [tilespmem:s12+$0xFFFFFFB0];
	v2 =	vadd.f32 v3, v2;
	v0 =	vadd.f32 v1, v0  }
0x71: {  	v1 =	vshll.u32 v6, $0x10;
	v3 =	vand.u32 $0xFFFF0000, v6  }
0x72: {  	v1 =	vadd.f32 v1, v2;
	v0 =	vadd.f32 v3, v0;
	v2 =	vld [tilespmem:s12+$0xFFFFFFC0]  }
0x73: {  	v3 =	vshll.u32 v5, $0x10;
	v5 =	vand.u32 $0xFFFF0000, v5  }
0x74: {  	v1 =	vadd.f32 v3, v1;
	v0 =	vadd.f32 v5, v0;
	v3 =	vld [tilespmem:s12+$0xFFFFFFD0]  }
0x75: {  	v5 =	vshll.u32 v4, $0x10;
	v4 =	vand.u32 $0xFFFF0000, v4  }
0x76: {  	v1 =	vadd.f32 v5, v1;
	v0 =	vadd.f32 v4, v0;
	v5 =	vld [tilespmem:s12+$0xFFFFFFE0]  }
.Ltmp1:
0x77: {  	v4 =	vshll.u32 v2, $0x10;
	v2 =	vand.u32 $0xFFFF0000, v2;
	(pc) =	sbr.rel @p1 .LBB2_5-.Ltmp1, $4  }
0x78: {  	v1 =	vadd.f32 v4, v1;
	v4 =	vadd.f32 v2, v0;
	v0 =	vld [tilespmem:s12+$0xFFFFFFF0]  }
0x79: {  	v2 =	vshll.u32 v3, $0x10;
	v3 =	vand.u32 $0xFFFF0000, v3  }
0x7a: {  	v2 =	vadd.f32 v2, v1;
	v3 =	vadd.f32 v3, v4;
	v1 =	vld [tilespmem:s12+$0x0]  }
0x7b: {  	s12 =	sadd.s32 $0x80, s12;
	v4 =	vshll.u32 v5, $0x10;
	v5 =	vand.u32 $0xFFFF0000, v5  }
0x7c: {  	v2 =	vadd.f32 v4, v2  }
0x7d: {  	v3 =	vadd.f32 v5, v3;
	v4 =	vshll.u32 v0, $0x10  }
0x7e: {  	v0 =	vand.u32 $0xFFFF0000, v0;
	v2 =	vadd.f32 v4, v2  }
0x7f: {  	v0 =	vadd.f32 v0, v3;
	v3 =	vshll.u32 v1, $0x10  }
0x80: {  	v1 =	vand.u32 $0xFFFF0000, v1;
	v2 =	vadd.f32 v3, v2  }
0x81: {  	v0 =	vadd.f32 v1, v0  }
0x82: {  	v1 =	vmul.f32 $4.999999890e-03, v2  }
0x83: {  	v0 =	vmul.f32 $4.999999890e-03, v0  }
0x84: {  	[tilespmem:s30+$0xFA20] =	vst v1  }
0x85: {  	[tilespmem:s30+$0xFA30] =	vst v0  }
0x86: {  	_ =	swait.ge [sflag:s28], $0x600  }
0x87: {  	[sflag:s28] =	ssyncset.done $0x0  }
0x88: {  	[sflag:s28] =	ssyncadd.s32 $0xFFFFFA00  }
0x89: {  	_ =	swait.ge [sflag:s28], $0x680  }
0x8a: {  	s10 =	sadd.s32 @!p0 $0x4B0, s1;
	[sflag:s28] =	ssyncset.done $0x0  }
0x8b: {  	s12 =	simm.s32 @!p0 $0x60;
	s13 =	simm.s32 @!p0 $0xE100;
	[sflag:s28] =	ssyncadd.s32 $0xFFFFF980  }
0x8c: {  	[tilespmem:s13], [sflag:$0x3] =	stream.indirect.gather @!p0 [hbm4b:s3+s12], $0x10, s10, s12, $0xb8;
	[tilespmem:$0x13A00] =	vst v63  }
0x8d: {  	s10 =	sadd.s32 @!p0 $0x510, s1;
	s12 =	simm.s32 @!p0 $0x68;
	s13 =	simm.s32 @!p0 $0xE700  }
0x8e: {  	[tilespmem:s13], [sflag:$0x3] =	stream.indirect.gather @!p0 [hbm4b:s3+s12], $0x10, s10, s12, $0xb8;
	[tilespmem:$0x13A00] =	vst v63  }
0x8f: {  	s13 =	simm.s32 $0xE170  }
0x90: {  	v0 =	vld [tilespmem:s13+$0xFFFFFF90];
	_ =	sdelay $0x1  }
0x91: {  	v1 =	vld [tilespmem:s13+$0xFFFFFFA0];
	_ =	sdelay $0x1  }
0x92: {  	v2 =	vld [tilespmem:s13+$0xFFFFFFB0]  }
0x93: {  	v3 =	vimm.f32 $0.0e+00;
	v4 =	vshll.u32 v0, $0x10;
	v0 =	vand.u32 $0xFFFF0000, v0  }
0x94: {  	v5 =	vld [tilespmem:s13+$0xFFFFFFC0];
	v4 =	vadd.f32 v4, v3;
	v0 =	vadd.f32 v0, v3  }
0x95: {  	v3 =	vshll.u32 v1, $0x10;
	v1 =	vand.u32 $0xFFFF0000, v1  }
0x96: {  	v3 =	vadd.f32 v3, v4;
	v4 =	vld [tilespmem:s13+$0xFFFFFFD0];
	v0 =	vadd.f32 v1, v0  }
0x97: {  	v1 =	vshll.u32 v2, $0x10;
	v2 =	vand.u32 $0xFFFF0000, v2  }
0x98: {  	v6 =	vld [tilespmem:s13+$0xFFFFFFE0];
	v1 =	vadd.f32 v1, v3;
	v0 =	vadd.f32 v2, v0  }
0x99: {  	v2 =	vshll.u32 v5, $0x10;
	v3 =	vand.u32 $0xFFFF0000, v5  }
0x9a: {  	v1 =	vadd.f32 v2, v1;
	v3 =	vadd.f32 v3, v0;
	v0 =	vld [tilespmem:s13+$0xFFFFFFF0]  }
0x9b: {  	v2 =	vshll.u32 v4, $0x10;
	v4 =	vand.u32 $0xFFFF0000, v4  }
0x9c: {  	v2 =	vadd.f32 v2, v1;
	v3 =	vadd.f32 v4, v3;
	v1 =	vld [tilespmem:s13+$0x0]  }
0x9d: {  	s10 =	simm.s32 $0x0;
	s12 =	simm.s32 $0xE1F0;
	v5 =	vand.u32 $0xFFFF0000, v6;
	v4 =	vshll.u32 v6, $0x10  }
.LBB2_7:
0x9e: {  	v6 =	vld [tilespmem:s12+$0xFFFFFF90];
	s10 =	sadd.s32 $0x8, s10;
	v2 =	vadd.f32 v4, v2;
	v3 =	vadd.f32 v5, v3  }
0x9f: {  	p1 =	slt.u32 s10, $0xC0;
	v4 =	vshll.u32 v0, $0x10;
	v0 =	vand.u32 $0xFFFF0000, v0  }
0xa0: {  	v5 =	vld [tilespmem:s12+$0xFFFFFFA0];
	v2 =	vadd.f32 v4, v2;
	v0 =	vadd.f32 v0, v3  }
0xa1: {  	v3 =	vshll.u32 v1, $0x10;
	v1 =	vand.u32 $0xFFFF0000, v1  }
0xa2: {  	v4 =	vld [tilespmem:s12+$0xFFFFFFB0];
	v2 =	vadd.f32 v3, v2;
	v0 =	vadd.f32 v1, v0  }
0xa3: {  	v1 =	vshll.u32 v6, $0x10;
	v3 =	vand.u32 $0xFFFF0000, v6  }
0xa4: {  	v1 =	vadd.f32 v1, v2;
	v0 =	vadd.f32 v3, v0;
	v2 =	vld [tilespmem:s12+$0xFFFFFFC0]  }
0xa5: {  	v3 =	vshll.u32 v5, $0x10;
	v5 =	vand.u32 $0xFFFF0000, v5  }
0xa6: {  	v1 =	vadd.f32 v3, v1;
	v0 =	vadd.f32 v5, v0;
	v3 =	vld [tilespmem:s12+$0xFFFFFFD0]  }
0xa7: {  	v5 =	vshll.u32 v4, $0x10;
	v4 =	vand.u32 $0xFFFF0000, v4  }
0xa8: {  	v1 =	vadd.f32 v5, v1;
	v0 =	vadd.f32 v4, v0;
	v5 =	vld [tilespmem:s12+$0xFFFFFFE0]  }
.Ltmp2:
0xa9: {  	v4 =	vshll.u32 v2, $0x10;
	v2 =	vand.u32 $0xFFFF0000, v2;
	(pc) =	sbr.rel @p1 .LBB2_7-.Ltmp2, $4  }
0xaa: {  	v1 =	vadd.f32 v4, v1;
	v4 =	vadd.f32 v2, v0;
	v0 =	vld [tilespmem:s12+$0xFFFFFFF0]  }
0xab: {  	v2 =	vshll.u32 v3, $0x10;
	v3 =	vand.u32 $0xFFFF0000, v3  }
0xac: {  	v2 =	vadd.f32 v2, v1;
	v3 =	vadd.f32 v3, v4;
	v1 =	vld [tilespmem:s12+$0x0]  }
0xad: {  	s12 =	sadd.s32 $0x80, s12;
	v4 =	vshll.u32 v5, $0x10;
	v5 =	vand.u32 $0xFFFF0000, v5  }
0xae: {  	v2 =	vadd.f32 v4, v2  }
0xaf: {  	v3 =	vadd.f32 v5, v3;
	v4 =	vshll.u32 v0, $0x10  }
0xb0: {  	v0 =	vand.u32 $0xFFFF0000, v0;
	v2 =	vadd.f32 v4, v2  }
0xb1: {  	v0 =	vadd.f32 v0, v3;
	v3 =	vshll.u32 v1, $0x10  }
0xb2: {  	v1 =	vand.u32 $0xFFFF0000, v1;
	v2 =	vadd.f32 v3, v2  }
0xb3: {  	v0 =	vadd.f32 v1, v0  }
0xb4: {  	v1 =	vmul.f32 $4.999999890e-03, v2  }
0xb5: {  	v0 =	vmul.f32 $4.999999890e-03, v0  }
0xb6: {  	[tilespmem:s30+$0xFA40] =	vst v1  }
0xb7: {  	[tilespmem:s30+$0xFA50] =	vst v0  }
0xb8: {  	_ =	swait.ge [sflag:s29], $0x600  }
0xb9: {  	[sflag:s29] =	ssyncset.done $0x0  }
0xba: {  	[sflag:s29] =	ssyncadd.s32 $0xFFFFFA00  }
0xbb: {  	_ =	swait.ge [sflag:s29], $0x680  }
0xbc: {  	s10 =	sadd.s32 @!p0 $0x578, s1;
	s12 =	simm.s32 @!p0 $0x60;
	[sflag:s29] =	ssyncset.done $0x0  }
0xbd: {  	s13 =	simm.s32 @!p0 $0xED80;
	s1 =	sadd.s32 @!p0 $0x5D8, s1;
	[sflag:s29] =	ssyncadd.s32 $0xFFFFF980  }
0xbe: {  	[tilespmem:s13], [sflag:$0x4] =	stream.indirect.gather @!p0 [hbm4b:s3+s12], $0x10, s10, s12, $0xb8;
	[tilespmem:$0x13A00] =	vst v63  }
0xbf: {  	s10 =	simm.s32 @!p0 $0x68;
	s12 =	simm.s32 @!p0 $0xF380;
	s13 =	simm.s32 $0xEDF0  }
0xc0: {  	[tilespmem:s12], [sflag:$0x4] =	stream.indirect.gather @!p0 [hbm4b:s3+s10], $0x10, s1, s10, $0xb8;
	[tilespmem:$0x13A00] =	vst v63  }
0xc1: {  	v0 =	vld [tilespmem:s13+$0xFFFFFF90];
	_ =	sdelay $0x1  }
0xc2: {  	v1 =	vld [tilespmem:s13+$0xFFFFFFA0];
	_ =	sdelay $0x1  }
0xc3: {  	v2 =	vld [tilespmem:s13+$0xFFFFFFB0]  }
0xc4: {  	v3 =	vimm.f32 $0.0e+00;
	v4 =	vshll.u32 v0, $0x10;
	v0 =	vand.u32 $0xFFFF0000, v0  }
0xc5: {  	v5 =	vld [tilespmem:s13+$0xFFFFFFC0];
	v4 =	vadd.f32 v4, v3;
	v0 =	vadd.f32 v0, v3  }
0xc6: {  	v3 =	vshll.u32 v1, $0x10;
	v1 =	vand.u32 $0xFFFF0000, v1  }
0xc7: {  	v3 =	vadd.f32 v3, v4;
	v4 =	vld [tilespmem:s13+$0xFFFFFFD0];
	v0 =	vadd.f32 v1, v0  }
0xc8: {  	v1 =	vshll.u32 v2, $0x10;
	v2 =	vand.u32 $0xFFFF0000, v2  }
0xc9: {  	v6 =	vld [tilespmem:s13+$0xFFFFFFE0];
	v1 =	vadd.f32 v1, v3;
	v0 =	vadd.f32 v2, v0  }
0xca: {  	v2 =	vshll.u32 v5, $0x10;
	v3 =	vand.u32 $0xFFFF0000, v5  }
0xcb: {  	v1 =	vadd.f32 v2, v1;
	v3 =	vadd.f32 v3, v0;
	v0 =	vld [tilespmem:s13+$0xFFFFFFF0]  }
0xcc: {  	v2 =	vshll.u32 v4, $0x10;
	v4 =	vand.u32 $0xFFFF0000, v4  }
0xcd: {  	v2 =	vadd.f32 v2, v1;
	v3 =	vadd.f32 v4, v3;
	v1 =	vld [tilespmem:s13+$0x0]  }
0xce: {  	s1 =	simm.s32 $0x0;
	s10 =	simm.s32 $0xEE70;
	v5 =	vand.u32 $0xFFFF0000, v6;
	v4 =	vshll.u32 v6, $0x10  }
.LBB2_9:
0xcf: {  	v6 =	vld [tilespmem:s10+$0xFFFFFF90];
	s1 =	sadd.s32 $0x8, s1;
	v2 =	vadd.f32 v4, v2;
	v3 =	vadd.f32 v5, v3  }
0xd0: {  	p0 =	slt.u32 s1, $0xC0;
	v4 =	vshll.u32 v0, $0x10;
	v0 =	vand.u32 $0xFFFF0000, v0  }
0xd1: {  	v5 =	vld [tilespmem:s10+$0xFFFFFFA0];
	v2 =	vadd.f32 v4, v2;
	v0 =	vadd.f32 v0, v3  }
0xd2: {  	v3 =	vshll.u32 v1, $0x10;
	v1 =	vand.u32 $0xFFFF0000, v1  }
0xd3: {  	v4 =	vld [tilespmem:s10+$0xFFFFFFB0];
	v2 =	vadd.f32 v3, v2;
	v0 =	vadd.f32 v1, v0  }
0xd4: {  	v1 =	vshll.u32 v6, $0x10;
	v3 =	vand.u32 $0xFFFF0000, v6  }
0xd5: {  	v1 =	vadd.f32 v1, v2;
	v0 =	vadd.f32 v3, v0;
	v2 =	vld [tilespmem:s10+$0xFFFFFFC0]  }
0xd6: {  	v3 =	vshll.u32 v5, $0x10;
	v5 =	vand.u32 $0xFFFF0000, v5  }
0xd7: {  	v1 =	vadd.f32 v3, v1;
	v0 =	vadd.f32 v5, v0;
	v3 =	vld [tilespmem:s10+$0xFFFFFFD0]  }
0xd8: {  	v5 =	vshll.u32 v4, $0x10;
	v4 =	vand.u32 $0xFFFF0000, v4  }
0xd9: {  	v1 =	vadd.f32 v5, v1;
	v0 =	vadd.f32 v4, v0;
	v5 =	vld [tilespmem:s10+$0xFFFFFFE0]  }
.Ltmp3:
0xda: {  	v4 =	vshll.u32 v2, $0x10;
	v2 =	vand.u32 $0xFFFF0000, v2;
	(pc) =	sbr.rel @p0 .LBB2_9-.Ltmp3, $4  }
0xdb: {  	v1 =	vadd.f32 v4, v1;
	v4 =	vadd.f32 v2, v0;
	v0 =	vld [tilespmem:s10+$0xFFFFFFF0]  }
0xdc: {  	v2 =	vshll.u32 v3, $0x10;
	v3 =	vand.u32 $0xFFFF0000, v3  }
0xdd: {  	v2 =	vadd.f32 v2, v1;
	v3 =	vadd.f32 v3, v4;
	v1 =	vld [tilespmem:s10+$0x0]  }
0xde: {  	s10 =	sadd.s32 $0x80, s10;
	v4 =	vshll.u32 v5, $0x10;
	v5 =	vand.u32 $0xFFFF0000, v5  }
0xdf: {  	v2 =	vadd.f32 v4, v2  }
0xe0: {  	v3 =	vadd.f32 v5, v3;
	v59 =	vshll.u32 v0, $0x10  }
0xe1: {  	v60 =	vand.u32 $0xFFFF0000, v0;
	v2 =	vadd.f32 v59, v2  }
0xe2: {  	s0 =	sadd.s32 $0x1, s0;
	v0 =	vadd.f32 v60, v3;
	v61 =	vshll.u32 v1, $0x10  }
0xe3: {  	p0 =	sne.s32 s0, $0x40;
	v62 =	vand.u32 $0xFFFF0000, v1;
	v2 =	vadd.f32 v61, v2  }
.Ltmp4:
0xe4: {  	v0 =	vadd.f32 v62, v0;
	(pc) =	sbr.rel @p0 .LBB2_2-.Ltmp4, $4  }
0xe5: {  	v63 =	vmul.f32 $4.999999890e-03, v2  }
0xe6: {  	v0 =	vmul.f32 $4.999999890e-03, v0  }
0xe7: {  	[tilespmem:s30+$0xFA60] =	vst v63  }
0xe8: {  	[tilespmem:s30+$0xFA70] =	vst v0  }
0xe9: {  	s0 =	simm.s32 $0x0  }
0xea: {  	[tilespmem:s0], [sflag:$0x5] =	stream.linear.gather [hbm4b:s5+s0], $0xC800, $0x38;
	[tilespmem:$0x13A00] =	vst v63  }
0xeb: {  	_ =	swait.ge [sflag:s8], $0xC800  }
0xec: {  	[sflag:s8] =	ssyncset.done $0x0  }
0xed: {  	s1 =	simm.s32 $0xC800;
	[sflag:s8] =	ssyncadd.s32 $0xFFFF3800  }
0xee: {  	[tilespmem:s1], [sflag:$0x1] =	stream.indirect.gather [hbm4b:s3+s9], $0x10, s0, s9, $0xb8;
	[tilespmem:$0x13A00] =	vst v63  }
0xef: {  	s13 =	simm.s32 $0xCE00  }
0xf0: {  	[tilespmem:s13], [sflag:$0x1] =	stream.indirect.gather [hbm4b:s3+s11], $0x10, s9, s11, $0xb8;
	[tilespmem:$0x13A00] =	vst v63  }
0xf1: {  	s30 =	simm.s32 $0xC8  }
0xf2: {  	[tilespmem:s14], [sflag:$0x2] =	stream.indirect.gather [hbm4b:s3+s9], $0x10, s30, s9, $0xb8;
	[tilespmem:$0x13A00] =	vst v63  }
0xf3: {  	_ = 	snop  }
0xf4: {  	[tilespmem:s16], [sflag:$0x2] =	stream.indirect.gather [hbm4b:s3+s11], $0x10, s15, s11, $0xb8;
	[tilespmem:$0x13A00] =	vst v63  }
0xf5: {  	_ = 	snop  }
0xf6: {  	[tilespmem:s18], [sflag:$0x3] =	stream.indirect.gather [hbm4b:s3+s9], $0x10, s17, s9, $0xb8;
	[tilespmem:$0x13A00] =	vst v63  }
0xf7: {  	_ = 	snop  }
0xf8: {  	[tilespmem:s20], [sflag:$0x3] =	stream.indirect.gather [hbm4b:s3+s11], $0x10, s19, s11, $0xb8;
	[tilespmem:$0x13A00] =	vst v63  }
0xf9: {  	_ = 	snop  }
0xfa: {  	[tilespmem:s22], [sflag:$0x4] =	stream.indirect.gather [hbm4b:s3+s9], $0x10, s21, s9, $0xb8;
	[tilespmem:$0x13A00] =	vst v63  }
0xfb: {  	_ = 	snop  }
0xfc: {  	[tilespmem:s24], [sflag:$0x4] =	stream.indirect.gather [hbm4b:s3+s11], $0x10, s23, s11, $0xb8;
	[tilespmem:$0x13A00] =	vst v63  }
.LBB2_12:
0xfd: {  	_ =	swait.ge [sflag:s25], $0x600  }
0xfe: {  	p0 =	seq.s32 s0, $0x3F;
	[sflag:s25] =	ssyncset.done $0x0  }
0xff: {  	s1 =	smul.u32 @!p0 $0xC80, s0;
	[sflag:s25] =	ssyncadd.s32 $0xFFFFFA00  }
0x100: {  	s30 =	simm.s32 $0xC840;
	_ =	swait.ge [sflag:s25], $0x680  }
0x101: {  	s12 =	simm.s32 @!p0 $0x60;
	s1 =	sshra.s32 @!p0 s1, $0x2;
	[sflag:s25] =	ssyncset.done $0x0  }
0x102: {  	s13 =	simm.s32 @!p0 $0xC800;
	s10 =	sadd.s32 @!p0 $0x320, s1;
	[sflag:s25] =	ssyncadd.s32 $0xFFFFF980  }
0x103: {  	[tilespmem:s13], [sflag:$0x1] =	stream.indirect.gather @!p0 [hbm4b:s3+s12], $0x10, s10, s12, $0xb8;
	[tilespmem:$0x13A00] =	vst v63  }
0x104: {  	s10 =	sadd.s32 @!p0 $0x380, s1;
	s12 =	simm.s32 @!p0 $0x68;
	s13 =	simm.s32 @!p0 $0xCE00  }
0x105: {  	[tilespmem:s13], [sflag:$0x1] =	stream.indirect.gather @!p0 [hbm4b:s3+s12], $0x10, s10, s12, $0xb8;
	[tilespmem:$0x13A00] =	vst v63  }
0x106: {  	v0 =	vld [tilespmem:s30+$0xFFFFFFC0];
	_ =	sdelay $0x1  }
0x107: {  	v1 =	vld [tilespmem:s30+$0xFFFFFFD0];
	_ =	sdelay $0x1  }
0x108: {  	v2 =	vld [tilespmem:s30+$0xFFFFFFE0]  }
0x109: {  	v3 =	vimm.f32 $0.0e+00;
	v4 =	vshll.u32 v0, $0x10;
	v0 =	vand.u32 $0xFFFF0000, v0  }
0x10a: {  	v5 =	vld [tilespmem:s30+$0xFFFFFFF0];
	v4 =	vadd.f32 v4, v3;
	v0 =	vadd.f32 v0, v3  }
0x10b: {  	v3 =	vshll.u32 v1, $0x10;
	v1 =	vand.u32 $0xFFFF0000, v1  }
0x10c: {  	v3 =	vadd.f32 v3, v4;
	v4 =	vld [tilespmem:s30+$0x0];
	v0 =	vadd.f32 v1, v0  }
0x10d: {  	v1 =	vshll.u32 v2, $0x10;
	v2 =	vand.u32 $0xFFFF0000, v2  }
0x10e: {  	v6 =	vld [tilespmem:s30+$0x10];
	v1 =	vadd.f32 v1, v3;
	v0 =	vadd.f32 v2, v0  }
0x10f: {  	v2 =	vshll.u32 v5, $0x10;
	v3 =	vand.u32 $0xFFFF0000, v5  }
0x110: {  	v1 =	vadd.f32 v2, v1;
	v3 =	vadd.f32 v3, v0;
	v0 =	vld [tilespmem:s30+$0x20]  }
0x111: {  	v2 =	vshll.u32 v4, $0x10;
	v4 =	vand.u32 $0xFFFF0000, v4  }
0x112: {  	v2 =	vadd.f32 v2, v1;
	v3 =	vadd.f32 v4, v3;
	v1 =	vld [tilespmem:s30+$0x30]  }
0x113: {  	s10 =	simm.s32 $0x0;
	s12 =	simm.s32 $0xC8C0;
	v5 =	vand.u32 $0xFFFF0000, v6;
	v4 =	vshll.u32 v6, $0x10  }
.LBB2_13:
0x114: {  	v6 =	vld [tilespmem:s12+$0xFFFFFFC0];
	s10 =	sadd.s32 $0x8, s10;
	v2 =	vadd.f32 v4, v2;
	v3 =	vadd.f32 v5, v3  }
0x115: {  	p1 =	slt.u32 s10, $0xC0;
	v4 =	vshll.u32 v0, $0x10;
	v0 =	vand.u32 $0xFFFF0000, v0  }
0x116: {  	v5 =	vld [tilespmem:s12+$0xFFFFFFD0];
	v2 =	vadd.f32 v4, v2;
	v0 =	vadd.f32 v0, v3  }
0x117: {  	v3 =	vshll.u32 v1, $0x10;
	v1 =	vand.u32 $0xFFFF0000, v1  }
0x118: {  	v4 =	vld [tilespmem:s12+$0xFFFFFFE0];
	v2 =	vadd.f32 v3, v2;
	v0 =	vadd.f32 v1, v0  }
0x119: {  	v1 =	vshll.u32 v6, $0x10;
	v3 =	vand.u32 $0xFFFF0000, v6  }
0x11a: {  	v1 =	vadd.f32 v1, v2;
	v0 =	vadd.f32 v3, v0;
	v2 =	vld [tilespmem:s12+$0xFFFFFFF0]  }
0x11b: {  	v3 =	vshll.u32 v5, $0x10;
	v5 =	vand.u32 $0xFFFF0000, v5  }
0x11c: {  	v1 =	vadd.f32 v3, v1;
	v0 =	vadd.f32 v5, v0;
	v3 =	vld [tilespmem:s12+$0x0]  }
0x11d: {  	v5 =	vshll.u32 v4, $0x10;
	v4 =	vand.u32 $0xFFFF0000, v4  }
0x11e: {  	v1 =	vadd.f32 v5, v1;
	v0 =	vadd.f32 v4, v0;
	v5 =	vld [tilespmem:s12+$0x10]  }
.Ltmp5:
0x11f: {  	v4 =	vshll.u32 v2, $0x10;
	v2 =	vand.u32 $0xFFFF0000, v2;
	(pc) =	sbr.rel @p1 .LBB2_13-.Ltmp5, $4  }
0x120: {  	v1 =	vadd.f32 v4, v1;
	v4 =	vadd.f32 v2, v0;
	v0 =	vld [tilespmem:s12+$0x20]  }
0x121: {  	v2 =	vshll.u32 v3, $0x10;
	v3 =	vand.u32 $0xFFFF0000, v3  }
0x122: {  	v2 =	vadd.f32 v2, v1;
	v3 =	vadd.f32 v3, v4;
	v1 =	vld [tilespmem:s12+$0x30]  }
0x123: {  	s12 =	sadd.s32 $0x80, s12;
	v4 =	vshll.u32 v5, $0x10;
	v5 =	vand.u32 $0xFFFF0000, v5  }
0x124: {  	v2 =	vadd.f32 v4, v2  }
0x125: {  	v3 =	vadd.f32 v5, v3;
	v4 =	vshll.u32 v0, $0x10  }
0x126: {  	v0 =	vand.u32 $0xFFFF0000, v0;
	v2 =	vadd.f32 v4, v2  }
0x127: {  	v0 =	vadd.f32 v0, v3;
	v3 =	vshll.u32 v1, $0x10  }
0x128: {  	v1 =	vand.u32 $0xFFFF0000, v1;
	v2 =	vadd.f32 v3, v2  }
0x129: {  	v0 =	vadd.f32 v1, v0  }
0x12a: {  	s10 =	sshll.u32 s0, $0x7;
	v1 =	vmul.f32 $4.999999890e-03, v2  }
0x12b: {  	s30 =	sand.u32 $0x3FFFFF80, s10;
	v0 =	vmul.f32 $4.999999890e-03, v0  }
0x12c: {  	[tilespmem:s30+$0x11A00] =	vst v1  }
0x12d: {  	[tilespmem:s30+$0x11A10] =	vst v0  }
0x12e: {  	_ =	swait.ge [sflag:s26], $0x600  }
0x12f: {  	[sflag:s26] =	ssyncset.done $0x0  }
0x130: {  	[sflag:s26] =	ssyncadd.s32 $0xFFFFFA00  }
0x131: {  	_ =	swait.ge [sflag:s26], $0x680  }
0x132: {  	s12 =	simm.s32 @!p0 $0x60;
	[sflag:s26] =	ssyncset.done $0x0  }
0x133: {  	s13 =	simm.s32 @!p0 $0xD480;
	s10 =	sadd.s32 @!p0 $0x3E8, s1;
	[sflag:s26] =	ssyncadd.s32 $0xFFFFF980  }
0x134: {  	[tilespmem:s13], [sflag:$0x2] =	stream.indirect.gather @!p0 [hbm4b:s3+s12], $0x10, s10, s12, $0xb8;
	[tilespmem:$0x13A00] =	vst v63  }
0x135: {  	s10 =	sadd.s32 @!p0 $0x448, s1;
	s12 =	simm.s32 @!p0 $0x68;
	s13 =	simm.s32 @!p0 $0xDA80  }
0x136: {  	[tilespmem:s13], [sflag:$0x2] =	stream.indirect.gather @!p0 [hbm4b:s3+s12], $0x10, s10, s12, $0xb8;
	[tilespmem:$0x13A00] =	vst v63  }
0x137: {  	s13 =	simm.s32 $0xD4F0  }
0x138: {  	v0 =	vld [tilespmem:s13+$0xFFFFFF90];
	_ =	sdelay $0x1  }
0x139: {  	v1 =	vld [tilespmem:s13+$0xFFFFFFA0];
	_ =	sdelay $0x1  }
0x13a: {  	v2 =	vld [tilespmem:s13+$0xFFFFFFB0]  }
0x13b: {  	v3 =	vimm.f32 $0.0e+00;
	v4 =	vshll.u32 v0, $0x10;
	v0 =	vand.u32 $0xFFFF0000, v0  }
0x13c: {  	v5 =	vld [tilespmem:s13+$0xFFFFFFC0];
	v4 =	vadd.f32 v4, v3;
	v0 =	vadd.f32 v0, v3  }
0x13d: {  	v3 =	vshll.u32 v1, $0x10;
	v1 =	vand.u32 $0xFFFF0000, v1  }
0x13e: {  	v3 =	vadd.f32 v3, v4;
	v4 =	vld [tilespmem:s13+$0xFFFFFFD0];
	v0 =	vadd.f32 v1, v0  }
0x13f: {  	v1 =	vshll.u32 v2, $0x10;
	v2 =	vand.u32 $0xFFFF0000, v2  }
0x140: {  	v6 =	vld [tilespmem:s13+$0xFFFFFFE0];
	v1 =	vadd.f32 v1, v3;
	v0 =	vadd.f32 v2, v0  }
0x141: {  	v2 =	vshll.u32 v5, $0x10;
	v3 =	vand.u32 $0xFFFF0000, v5  }
0x142: {  	v1 =	vadd.f32 v2, v1;
	v3 =	vadd.f32 v3, v0;
	v0 =	vld [tilespmem:s13+$0xFFFFFFF0]  }
0x143: {  	v2 =	vshll.u32 v4, $0x10;
	v4 =	vand.u32 $0xFFFF0000, v4  }
0x144: {  	v2 =	vadd.f32 v2, v1;
	v3 =	vadd.f32 v4, v3;
	v1 =	vld [tilespmem:s13+$0x0]  }
0x145: {  	s10 =	simm.s32 $0x0;
	s12 =	simm.s32 $0xD570;
	v5 =	vand.u32 $0xFFFF0000, v6;
	v4 =	vshll.u32 v6, $0x10  }
.LBB2_15:
0x146: {  	v6 =	vld [tilespmem:s12+$0xFFFFFF90];
	s10 =	sadd.s32 $0x8, s10;
	v2 =	vadd.f32 v4, v2;
	v3 =	vadd.f32 v5, v3  }
0x147: {  	p1 =	slt.u32 s10, $0xC0;
	v4 =	vshll.u32 v0, $0x10;
	v0 =	vand.u32 $0xFFFF0000, v0  }
0x148: {  	v5 =	vld [tilespmem:s12+$0xFFFFFFA0];
	v2 =	vadd.f32 v4, v2;
	v0 =	vadd.f32 v0, v3  }
0x149: {  	v3 =	vshll.u32 v1, $0x10;
	v1 =	vand.u32 $0xFFFF0000, v1  }
0x14a: {  	v4 =	vld [tilespmem:s12+$0xFFFFFFB0];
	v2 =	vadd.f32 v3, v2;
	v0 =	vadd.f32 v1, v0  }
0x14b: {  	v1 =	vshll.u32 v6, $0x10;
	v3 =	vand.u32 $0xFFFF0000, v6  }
0x14c: {  	v1 =	vadd.f32 v1, v2;
	v0 =	vadd.f32 v3, v0;
	v2 =	vld [tilespmem:s12+$0xFFFFFFC0]  }
0x14d: {  	v3 =	vshll.u32 v5, $0x10;
	v5 =	vand.u32 $0xFFFF0000, v5  }
0x14e: {  	v1 =	vadd.f32 v3, v1;
	v0 =	vadd.f32 v5, v0;
	v3 =	vld [tilespmem:s12+$0xFFFFFFD0]  }
0x14f: {  	v5 =	vshll.u32 v4, $0x10;
	v4 =	vand.u32 $0xFFFF0000, v4  }
0x150: {  	v1 =	vadd.f32 v5, v1;
	v0 =	vadd.f32 v4, v0;
	v5 =	vld [tilespmem:s12+$0xFFFFFFE0]  }
.Ltmp6:
0x151: {  	v4 =	vshll.u32 v2, $0x10;
	v2 =	vand.u32 $0xFFFF0000, v2;
	(pc) =	sbr.rel @p1 .LBB2_15-.Ltmp6, $4  }
0x152: {  	v1 =	vadd.f32 v4, v1;
	v4 =	vadd.f32 v2, v0;
	v0 =	vld [tilespmem:s12+$0xFFFFFFF0]  }
0x153: {  	v2 =	vshll.u32 v3, $0x10;
	v3 =	vand.u32 $0xFFFF0000, v3  }
0x154: {  	v2 =	vadd.f32 v2, v1;
	v3 =	vadd.f32 v3, v4;
	v1 =	vld [tilespmem:s12+$0x0]  }
0x155: {  	s12 =	sadd.s32 $0x80, s12;
	v4 =	vshll.u32 v5, $0x10;
	v5 =	vand.u32 $0xFFFF0000, v5  }
0x156: {  	v2 =	vadd.f32 v4, v2  }
0x157: {  	v3 =	vadd.f32 v5, v3;
	v4 =	vshll.u32 v0, $0x10  }
0x158: {  	v0 =	vand.u32 $0xFFFF0000, v0;
	v2 =	vadd.f32 v4, v2  }
0x159: {  	v0 =	vadd.f32 v0, v3;
	v3 =	vshll.u32 v1, $0x10  }
0x15a: {  	v1 =	vand.u32 $0xFFFF0000, v1;
	v2 =	vadd.f32 v3, v2  }
0x15b: {  	v0 =	vadd.f32 v1, v0  }
0x15c: {  	v1 =	vmul.f32 $4.999999890e-03, v2  }
0x15d: {  	v0 =	vmul.f32 $4.999999890e-03, v0  }
0x15e: {  	[tilespmem:s30+$0x11A20] =	vst v1  }
0x15f: {  	[tilespmem:s30+$0x11A30] =	vst v0  }
0x160: {  	_ =	swait.ge [sflag:s28], $0x600  }
0x161: {  	[sflag:s28] =	ssyncset.done $0x0  }
0x162: {  	[sflag:s28] =	ssyncadd.s32 $0xFFFFFA00  }
0x163: {  	_ =	swait.ge [sflag:s28], $0x680  }
0x164: {  	s10 =	sadd.s32 @!p0 $0x4B0, s1;
	[sflag:s28] =	ssyncset.done $0x0  }
0x165: {  	s12 =	simm.s32 @!p0 $0x60;
	s13 =	simm.s32 @!p0 $0xE100;
	[sflag:s28] =	ssyncadd.s32 $0xFFFFF980  }
0x166: {  	[tilespmem:s13], [sflag:$0x3] =	stream.indirect.gather @!p0 [hbm4b:s3+s12], $0x10, s10, s12, $0xb8;
	[tilespmem:$0x13A00] =	vst v63  }
0x167: {  	s10 =	sadd.s32 @!p0 $0x510, s1;
	s12 =	simm.s32 @!p0 $0x68;
	s13 =	simm.s32 @!p0 $0xE700  }
0x168: {  	[tilespmem:s13], [sflag:$0x3] =	stream.indirect.gather @!p0 [hbm4b:s3+s12], $0x10, s10, s12, $0xb8;
	[tilespmem:$0x13A00] =	vst v63  }
0x169: {  	s13 =	simm.s32 $0xE170  }
0x16a: {  	v0 =	vld [tilespmem:s13+$0xFFFFFF90];
	_ =	sdelay $0x1  }
0x16b: {  	v1 =	vld [tilespmem:s13+$0xFFFFFFA0];
	_ =	sdelay $0x1  }
0x16c: {  	v2 =	vld [tilespmem:s13+$0xFFFFFFB0]  }
0x16d: {  	v3 =	vimm.f32 $0.0e+00;
	v4 =	vshll.u32 v0, $0x10;
	v0 =	vand.u32 $0xFFFF0000, v0  }
0x16e: {  	v5 =	vld [tilespmem:s13+$0xFFFFFFC0];
	v4 =	vadd.f32 v4, v3;
	v0 =	vadd.f32 v0, v3  }
0x16f: {  	v3 =	vshll.u32 v1, $0x10;
	v1 =	vand.u32 $0xFFFF0000, v1  }
0x170: {  	v3 =	vadd.f32 v3, v4;
	v4 =	vld [tilespmem:s13+$0xFFFFFFD0];
	v0 =	vadd.f32 v1, v0  }
0x171: {  	v1 =	vshll.u32 v2, $0x10;
	v2 =	vand.u32 $0xFFFF0000, v2  }
0x172: {  	v6 =	vld [tilespmem:s13+$0xFFFFFFE0];
	v1 =	vadd.f32 v1, v3;
	v0 =	vadd.f32 v2, v0  }
0x173: {  	v2 =	vshll.u32 v5, $0x10;
	v3 =	vand.u32 $0xFFFF0000, v5  }
0x174: {  	v1 =	vadd.f32 v2, v1;
	v3 =	vadd.f32 v3, v0;
	v0 =	vld [tilespmem:s13+$0xFFFFFFF0]  }
0x175: {  	v2 =	vshll.u32 v4, $0x10;
	v4 =	vand.u32 $0xFFFF0000, v4  }
0x176: {  	v2 =	vadd.f32 v2, v1;
	v3 =	vadd.f32 v4, v3;
	v1 =	vld [tilespmem:s13+$0x0]  }
0x177: {  	s10 =	simm.s32 $0x0;
	s12 =	simm.s32 $0xE1F0;
	v5 =	vand.u32 $0xFFFF0000, v6;
	v4 =	vshll.u32 v6, $0x10  }
.LBB2_17:
0x178: {  	v6 =	vld [tilespmem:s12+$0xFFFFFF90];
	s10 =	sadd.s32 $0x8, s10;
	v2 =	vadd.f32 v4, v2;
	v3 =	vadd.f32 v5, v3  }
0x179: {  	p1 =	slt.u32 s10, $0xC0;
	v4 =	vshll.u32 v0, $0x10;
	v0 =	vand.u32 $0xFFFF0000, v0  }
0x17a: {  	v5 =	vld [tilespmem:s12+$0xFFFFFFA0];
	v2 =	vadd.f32 v4, v2;
	v0 =	vadd.f32 v0, v3  }
0x17b: {  	v3 =	vshll.u32 v1, $0x10;
	v1 =	vand.u32 $0xFFFF0000, v1  }
0x17c: {  	v4 =	vld [tilespmem:s12+$0xFFFFFFB0];
	v2 =	vadd.f32 v3, v2;
	v0 =	vadd.f32 v1, v0  }
0x17d: {  	v1 =	vshll.u32 v6, $0x10;
	v3 =	vand.u32 $0xFFFF0000, v6  }
0x17e: {  	v1 =	vadd.f32 v1, v2;
	v0 =	vadd.f32 v3, v0;
	v2 =	vld [tilespmem:s12+$0xFFFFFFC0]  }
0x17f: {  	v3 =	vshll.u32 v5, $0x10;
	v5 =	vand.u32 $0xFFFF0000, v5  }
0x180: {  	v1 =	vadd.f32 v3, v1;
	v0 =	vadd.f32 v5, v0;
	v3 =	vld [tilespmem:s12+$0xFFFFFFD0]  }
0x181: {  	v5 =	vshll.u32 v4, $0x10;
	v4 =	vand.u32 $0xFFFF0000, v4  }
0x182: {  	v1 =	vadd.f32 v5, v1;
	v0 =	vadd.f32 v4, v0;
	v5 =	vld [tilespmem:s12+$0xFFFFFFE0]  }
.Ltmp7:
0x183: {  	v4 =	vshll.u32 v2, $0x10;
	v2 =	vand.u32 $0xFFFF0000, v2;
	(pc) =	sbr.rel @p1 .LBB2_17-.Ltmp7, $4  }
0x184: {  	v1 =	vadd.f32 v4, v1;
	v4 =	vadd.f32 v2, v0;
	v0 =	vld [tilespmem:s12+$0xFFFFFFF0]  }
0x185: {  	v2 =	vshll.u32 v3, $0x10;
	v3 =	vand.u32 $0xFFFF0000, v3  }
0x186: {  	v2 =	vadd.f32 v2, v1;
	v3 =	vadd.f32 v3, v4;
	v1 =	vld [tilespmem:s12+$0x0]  }
0x187: {  	s12 =	sadd.s32 $0x80, s12;
	v4 =	vshll.u32 v5, $0x10;
	v5 =	vand.u32 $0xFFFF0000, v5  }
0x188: {  	v2 =	vadd.f32 v4, v2  }
0x189: {  	v3 =	vadd.f32 v5, v3;
	v4 =	vshll.u32 v0, $0x10  }
0x18a: {  	v0 =	vand.u32 $0xFFFF0000, v0;
	v2 =	vadd.f32 v4, v2  }
0x18b: {  	v0 =	vadd.f32 v0, v3;
	v3 =	vshll.u32 v1, $0x10  }
0x18c: {  	v1 =	vand.u32 $0xFFFF0000, v1;
	v2 =	vadd.f32 v3, v2  }
0x18d: {  	v0 =	vadd.f32 v1, v0  }
0x18e: {  	v1 =	vmul.f32 $4.999999890e-03, v2  }
0x18f: {  	v0 =	vmul.f32 $4.999999890e-03, v0  }
0x190: {  	[tilespmem:s30+$0x11A40] =	vst v1  }
0x191: {  	[tilespmem:s30+$0x11A50] =	vst v0  }
0x192: {  	_ =	swait.ge [sflag:s29], $0x600  }
0x193: {  	[sflag:s29] =	ssyncset.done $0x0  }
0x194: {  	[sflag:s29] =	ssyncadd.s32 $0xFFFFFA00  }
0x195: {  	_ =	swait.ge [sflag:s29], $0x680  }
0x196: {  	s10 =	sadd.s32 @!p0 $0x578, s1;
	s12 =	simm.s32 @!p0 $0x60;
	[sflag:s29] =	ssyncset.done $0x0  }
0x197: {  	s13 =	simm.s32 @!p0 $0xED80;
	s1 =	sadd.s32 @!p0 $0x5D8, s1;
	[sflag:s29] =	ssyncadd.s32 $0xFFFFF980  }
0x198: {  	[tilespmem:s13], [sflag:$0x4] =	stream.indirect.gather @!p0 [hbm4b:s3+s12], $0x10, s10, s12, $0xb8;
	[tilespmem:$0x13A00] =	vst v63  }
0x199: {  	s10 =	simm.s32 @!p0 $0x68;
	s12 =	simm.s32 @!p0 $0xF380;
	s13 =	simm.s32 $0xEDF0  }
0x19a: {  	[tilespmem:s12], [sflag:$0x4] =	stream.indirect.gather @!p0 [hbm4b:s3+s10], $0x10, s1, s10, $0xb8;
	[tilespmem:$0x13A00] =	vst v63  }
0x19b: {  	v0 =	vld [tilespmem:s13+$0xFFFFFF90];
	_ =	sdelay $0x1  }
0x19c: {  	v1 =	vld [tilespmem:s13+$0xFFFFFFA0];
	_ =	sdelay $0x1  }
0x19d: {  	v2 =	vld [tilespmem:s13+$0xFFFFFFB0]  }
0x19e: {  	v3 =	vimm.f32 $0.0e+00;
	v4 =	vshll.u32 v0, $0x10;
	v0 =	vand.u32 $0xFFFF0000, v0  }
0x19f: {  	v5 =	vld [tilespmem:s13+$0xFFFFFFC0];
	v4 =	vadd.f32 v4, v3;
	v0 =	vadd.f32 v0, v3  }
0x1a0: {  	v3 =	vshll.u32 v1, $0x10;
	v1 =	vand.u32 $0xFFFF0000, v1  }
0x1a1: {  	v3 =	vadd.f32 v3, v4;
	v4 =	vld [tilespmem:s13+$0xFFFFFFD0];
	v0 =	vadd.f32 v1, v0  }
0x1a2: {  	v1 =	vshll.u32 v2, $0x10;
	v2 =	vand.u32 $0xFFFF0000, v2  }
0x1a3: {  	v6 =	vld [tilespmem:s13+$0xFFFFFFE0];
	v1 =	vadd.f32 v1, v3;
	v0 =	vadd.f32 v2, v0  }
0x1a4: {  	v2 =	vshll.u32 v5, $0x10;
	v3 =	vand.u32 $0xFFFF0000, v5  }
0x1a5: {  	v1 =	vadd.f32 v2, v1;
	v3 =	vadd.f32 v3, v0;
	v0 =	vld [tilespmem:s13+$0xFFFFFFF0]  }
0x1a6: {  	v2 =	vshll.u32 v4, $0x10;
	v4 =	vand.u32 $0xFFFF0000, v4  }
0x1a7: {  	v2 =	vadd.f32 v2, v1;
	v3 =	vadd.f32 v4, v3;
	v1 =	vld [tilespmem:s13+$0x0]  }
0x1a8: {  	s1 =	simm.s32 $0x0;
	s10 =	simm.s32 $0xEE70;
	v5 =	vand.u32 $0xFFFF0000, v6;
	v4 =	vshll.u32 v6, $0x10  }
.LBB2_19:
0x1a9: {  	v6 =	vld [tilespmem:s10+$0xFFFFFF90];
	s1 =	sadd.s32 $0x8, s1;
	v2 =	vadd.f32 v4, v2;
	v3 =	vadd.f32 v5, v3  }
0x1aa: {  	p0 =	slt.u32 s1, $0xC0;
	v4 =	vshll.u32 v0, $0x10;
	v0 =	vand.u32 $0xFFFF0000, v0  }
0x1ab: {  	v5 =	vld [tilespmem:s10+$0xFFFFFFA0];
	v2 =	vadd.f32 v4, v2;
	v0 =	vadd.f32 v0, v3  }
0x1ac: {  	v3 =	vshll.u32 v1, $0x10;
	v1 =	vand.u32 $0xFFFF0000, v1  }
0x1ad: {  	v4 =	vld [tilespmem:s10+$0xFFFFFFB0];
	v2 =	vadd.f32 v3, v2;
	v0 =	vadd.f32 v1, v0  }
0x1ae: {  	v1 =	vshll.u32 v6, $0x10;
	v3 =	vand.u32 $0xFFFF0000, v6  }
0x1af: {  	v1 =	vadd.f32 v1, v2;
	v0 =	vadd.f32 v3, v0;
	v2 =	vld [tilespmem:s10+$0xFFFFFFC0]  }
0x1b0: {  	v3 =	vshll.u32 v5, $0x10;
	v5 =	vand.u32 $0xFFFF0000, v5  }
0x1b1: {  	v1 =	vadd.f32 v3, v1;
	v0 =	vadd.f32 v5, v0;
	v3 =	vld [tilespmem:s10+$0xFFFFFFD0]  }
0x1b2: {  	v5 =	vshll.u32 v4, $0x10;
	v4 =	vand.u32 $0xFFFF0000, v4  }
0x1b3: {  	v1 =	vadd.f32 v5, v1;
	v0 =	vadd.f32 v4, v0;
	v5 =	vld [tilespmem:s10+$0xFFFFFFE0]  }
.Ltmp8:
0x1b4: {  	v4 =	vshll.u32 v2, $0x10;
	v2 =	vand.u32 $0xFFFF0000, v2;
	(pc) =	sbr.rel @p0 .LBB2_19-.Ltmp8, $4  }
0x1b5: {  	v1 =	vadd.f32 v4, v1;
	v4 =	vadd.f32 v2, v0;
	v0 =	vld [tilespmem:s10+$0xFFFFFFF0]  }
0x1b6: {  	v2 =	vshll.u32 v3, $0x10;
	v3 =	vand.u32 $0xFFFF0000, v3  }
0x1b7: {  	v2 =	vadd.f32 v2, v1;
	v3 =	vadd.f32 v3, v4;
	v1 =	vld [tilespmem:s10+$0x0]  }
0x1b8: {  	s10 =	sadd.s32 $0x80, s10;
	v4 =	vshll.u32 v5, $0x10;
	v5 =	vand.u32 $0xFFFF0000, v5  }
0x1b9: {  	v2 =	vadd.f32 v4, v2  }
0x1ba: {  	v3 =	vadd.f32 v5, v3;
	v59 =	vshll.u32 v0, $0x10  }
0x1bb: {  	v60 =	vand.u32 $0xFFFF0000, v0;
	v2 =	vadd.f32 v59, v2  }
0x1bc: {  	s0 =	sadd.s32 $0x1, s0;
	v0 =	vadd.f32 v60, v3;
	v61 =	vshll.u32 v1, $0x10  }
0x1bd: {  	p0 =	sne.s32 s0, $0x40;
	v62 =	vand.u32 $0xFFFF0000, v1;
	v2 =	vadd.f32 v61, v2  }
.Ltmp9:
0x1be: {  	v0 =	vadd.f32 v62, v0;
	(pc) =	sbr.rel @p0 .LBB2_12-.Ltmp9, $4  }
0x1bf: {  	v63 =	vmul.f32 $4.999999890e-03, v2  }
0x1c0: {  	v0 =	vmul.f32 $4.999999890e-03, v0  }
0x1c1: {  	[tilespmem:s30+$0x11A60] =	vst v63  }
0x1c2: {  	[tilespmem:s30+$0x11A70] =	vst v0  }
0x1c3: {  	s31 =	sadd.s32 $0x1, s31  }
0x1c4: {  	p0 =	sne.s32 s31, s7  }
.Ltmp10:
0x1c5: {  	s0 =	simm.s32 $0xFA00;
	(pc) =	sbr.rel @p0 .LBB2_1-.Ltmp10, $4  }
0x1c6: {  	[hbm4b:s6+s2] =	stream.linear.scatter [tilespmem:s0], [sflag:$0x5], $0x4000, $0x38;
	[tilespmem:$0x13A00] =	vst v63  }
0x1c7: {  	_ =	swait.ge [sflag:s8], $0x4000  }
0x1c8: {  	[sflag:s8] =	ssyncset.done $0x0  }
0x1c9: {  	[sflag:s8] =	ssyncadd.s32 $0xFFFFC000  }
0x1ca: {  	_ =	sfence.sel $0x180000  }
0x1cb: {  	[bflag:$0x0] =	sbarrier.arrive $0xFFFF  }
0x1cc: {  	_ =	strace $0x90000047  }
0x1cd: {  	s0 =	stileid.u32;
	[bflag:$0x2] =	sbarrier.arrive $0xFFFF  }
0x1ce: {  	p0 =	sne.s32 s0, $0x0;
	s0 =	rddreg [dreg:$0x1]  }
0x1cf: {  	s0 =	sadd.s32 @!p0 $0x100000, s0  }
0x1d0: {  	[sflag:s0] =	ssyncadd.tile.s32 @!p0 $0x1;
	_ =	shalt  }
.Lfunc_end2:
_tile_overlayer_lowered:
.L_overlay_start_2:
0x1d1: {  	(tag) =	ssettag $0x2  }
0x1d2: {  	s0 =	rddreg [dreg:$0x0];
	s2 =	stileid.u32  }
0x1d3: {  	s1 =	rddreg [dreg:$0x1];
	p0 =	sne.s32 s2, $0x0  }
0x1d4: {  	s3 =	rddreg [dreg:$0x2];
	[bflag:$0x3] =	sbarrier.arrive $0xFFFF;
	s2 =	simm.s32 @!p0 $0x1C05  }
0x1d5: {  	[timem:s3], [sflag:s2] =	dma.local @!p0 [hbm:s0], s1  }
0x1d6: {  	s0 =	simm.s32 @!p0 $0x5  }
0x1d7: {  	_ =	swait.ge @!p0 [sflag:s0], s1  }
0x1d8: {  	s1 =	ssub.s32 @!p0 $0x0, s1;
	[sflag:s0] =	ssyncset.done @!p0 $0x0  }
0x1d9: {  	[sflag:s0] =	ssyncadd.s32 @!p0 s1  }
0x1da: {  	[bflag:$0x3] =	sbarrier.arrive $0xFFFF  }
0x1db: {  	_ =	shalt  }

</sc_bundles>
